<compile_context>
chip_gen: v7x
topology: tpu7x:2x2x1
jax: 0.10.2.dev20260603
libtpu: 0.0.44.dev20260713+nightly
codegen_flags: <defaults>
</compile_context>

<pallas_src>
import functools

import jax
import jax.numpy as jnp
from jax import lax
from jax.experimental import pallas as pl
from jax.experimental.pallas import tpu as pltpu
from jax.experimental.pallas import tpu_sc as plsc

EMB_K = 16
HALF = 8

_GATHER_DNUMS = lax.GatherDimensionNumbers(
    offset_dims=(), collapsed_slice_dims=(0,), start_index_map=(0,))


def _shuffle(v, perm_2d):
    return lax.gather(v, perm_2d, _GATHER_DNUMS, (1,),
                      mode=lax.GatherScatterMode.PROMISE_IN_BOUNDS)


@functools.lru_cache(maxsize=None)
def _build(batch, n_rows):
    info = plsc.get_sparse_core_info()
    nw = info.num_cores * info.num_subcores
    bpw = batch // nw
    n_pairs = bpw // 16
    mesh = plsc.VectorSubcoreMesh(core_axis_name="c", subcore_axis_name="s")

    @functools.partial(
        pl.kernel,
        mesh=mesh,
        compiler_params=pltpu.CompilerParams(needs_layout_passes=False),
        out_type=jax.ShapeDtypeStruct((batch,), jnp.float32),
        scratch_types=[
            pltpu.VMEM((bpw,), jnp.int32),
            pltpu.VMEM((bpw,), jnp.int32),
            pltpu.VMEM((2, EMB_K, HALF * 128), jnp.float32),
            pltpu.VMEM((2, EMB_K, HALF * 128), jnp.float32),
            pltpu.VMEM((bpw,), jnp.float32),
            pltpu.SemaphoreType.DMA,
            pltpu.SemaphoreType.DMA,
        ],
    )
    def k(uidx_hbm, vidx_hbm, wt_hbm, ht_hbm, out_hbm,
          uidx_v, vidx_v, wslots, hslots, outv, sem0, sem1):
        wid = lax.axis_index("s") * info.num_cores + lax.axis_index("c")
        base = wid * bpw
        pltpu.sync_copy(uidx_hbm.at[pl.ds(base, bpw)], uidx_v)
        pltpu.sync_copy(vidx_hbm.at[pl.ds(base, bpw)], vidx_v)

        lane = lax.iota(jnp.int32, 16)
        perms = [(lane ^ d).reshape(16, 1) for d in (8, 4, 2, 1)]
        sems = (sem0, sem1)

        def load_idx(i):
            sl = pl.ds(i * 16, 16)
            return uidx_v[sl], vidx_v[sl]

        def fire(uvec, vvec, half, ph):
            sem = sems[ph]
            for r in range(HALF):
                u = uvec[half * HALF + r]
                v = vvec[half * HALF + r]
                u0 = pl.multiple_of((u >> 7) << 7, 128)
                v0 = pl.multiple_of((v >> 7) << 7, 128)
                pltpu.async_copy(
                    wt_hbm.at[:, pl.ds(u0, 128)],
                    wslots.at[ph, :, pl.ds(r * 128, 128)], sem)
                pltpu.async_copy(
                    ht_hbm.at[:, pl.ds(v0, 128)],
                    hslots.at[ph, :, pl.ds(r * 128, 128)], sem)

        def drain(ph):
            sem = sems[ph]
            pltpu.make_async_copy(
                wt_hbm.at[:, pl.ds(0, HALF * 128)],
                wslots.at[ph], sem).wait()
            pltpu.make_async_copy(
                ht_hbm.at[:, pl.ds(0, HALF * 128)],
                hslots.at[ph], sem).wait()

        def compute(uvec, vvec, half, ph, acc):
            for r in range(HALF):
                u = uvec[half * HALF + r]
                v = vvec[half * HALF + r]
                ucol = jnp.full((16,), r * 128, jnp.int32) + (u & 127)
                vcol = jnp.full((16,), r * 128, jnp.int32) + (v & 127)
                wu = plsc.load_gather(wslots.at[ph], [lane, ucol])
                hv = plsc.load_gather(hslots.at[ph], [lane, vcol])
                p = wu * hv
                for perm in perms:
                    p = p + _shuffle(p, perm)
                acc = jnp.where(lane == half * HALF + r, p, acc)
            return acc

        u0vec, v0vec = load_idx(0)
        fire(u0vec, v0vec, 0, 0)
        fire(u0vec, v0vec, 1, 1)

        def pair(i, carry):
            uvec, vvec = load_idx(i)
            nxt_u, nxt_v = load_idx(jnp.minimum(i + 1, n_pairs - 1))
            last = i >= n_pairs - 1

            drain(0)
            acc = compute(uvec, vvec, 0, 0, jnp.zeros((16,), jnp.float32))

            @pl.when(jnp.logical_not(last))
            def _():
                fire(nxt_u, nxt_v, 0, 0)

            drain(1)
            acc = compute(uvec, vvec, 1, 1, acc)

            @pl.when(jnp.logical_not(last))
            def _():
                fire(nxt_u, nxt_v, 1, 1)

            outv[pl.ds(i * 16, 16)] = acc
            return carry

        lax.fori_loop(0, n_pairs, pair, 0)
        pltpu.sync_copy(outv, out_hbm.at[pl.ds(base, bpw)])

    return k


def kernel(x, W, H):
    uidx = x[:, 0].astype(jnp.int32)
    vidx = x[:, 1].astype(jnp.int32)
    k = _build(x.shape[0], W.shape[0])
    return k(uidx, vidx, W.T, H.T)

# --- scband reference (transcript-rebuilt; emitter-appended) ---
"""Pipeline reference for scband-mf-snips-24343874634130 (READ-ONLY COPY).

The authoritative reference and input builder live on the scoring server;
editing this copy changes nothing except your own understanding.
"""

import jax, jax.numpy as jnp
import numpy as np

NUM_USERS = 1000000
NUM_ITEMS = 1000000
EMBEDDING_K = 16
BATCH = 16384

def setup_inputs(seed: int = 0) -> dict:
    key = jax.random.key(seed)
    k1, k2, k3 = jax.random.split(key, 3)
    x = jax.random.randint(k1, (BATCH, 2), 0, NUM_USERS, dtype=jnp.int64) if jax.config.jax_enable_x64 else jax.random.randint(k1, (BATCH, 2), 0, NUM_USERS, dtype=jnp.int32)
    W = jax.random.normal(k2, (NUM_USERS, EMBEDDING_K), dtype=jnp.float32)
    H = jax.random.normal(k3, (NUM_ITEMS, EMBEDDING_K), dtype=jnp.float32)
    return {"x": x, "W": W, "H": H}

def reference(x, W, H):
    user_idx = x[:, 0]
    item_idx = x[:, 1]
    U_emb = jnp.take(W, user_idx, axis=0)
    V_emb = jnp.take(H, item_idx, axis=0)
    out = jnp.sum(U_emb * V_emb, axis=1)
    return out

if __name__ == "__main__":
    import jax
    _d = setup_inputs()
    print(jax.jit(kernel)(*tuple(_d.values())))

</pallas_src>

<mosaic_0001>
#map = affine_map<(d0, d1) -> (0)>
#map1 = affine_map<(d0, d1) -> (0, 0)>
module attributes {stable_mosaic.version = 14 : i64} {
  func.func @k(%arg0: i32, %arg1: i32, %arg2: memref<16384xi32, #tpu.memory_space<hbm>>, %arg3: memref<16384xi32, #tpu.memory_space<hbm>>, %arg4: memref<16x1000000xf32, #tpu.memory_space<hbm>>, %arg5: memref<16x1000000xf32, #tpu.memory_space<hbm>>, %arg6: memref<16384xf32, #tpu.memory_space<hbm>>, %arg7: memref<512xi32, #tpu.memory_space<vmem>>, %arg8: memref<512xi32, #tpu.memory_space<vmem>>, %arg9: memref<2x16x1024xf32, #tpu.memory_space<vmem>>, %arg10: memref<2x16x1024xf32, #tpu.memory_space<vmem>>, %arg11: memref<512xf32, #tpu.memory_space<vmem>>, %arg12: memref<!tpu.dma_semaphore, #tpu.memory_space<semaphore_mem>>, %arg13: memref<!tpu.dma_semaphore, #tpu.memory_space<semaphore_mem>>) attributes {dimension_semantics = [#tpu.dimension_semantics<core_parallel>, #tpu.dimension_semantics<subcore_parallel>], iteration_bounds = array<i64: 2, 16>, scalar_prefetch = 0 : i64, scratch_operands = 7 : i64, tpu.core_type = #tpu.core_type<sc_vector_subcore>, window_params = [{transform_indices = #map}, {transform_indices = #map}, {transform_indices = #map1}, {transform_indices = #map1}, {transform_indices = #map}]} {
    %mul3A = arith.constant 2 : i32
    %mul3A_0 = arith.muli %arg1, %mul3A : i32
    %add3A = arith.addi %mul3A_0, %arg0 : i32
    %mul3A_1 = arith.constant 512 : i32
    %mul3A_2 = arith.muli %add3A, %mul3A_1 : i32
    "tpu.region"() ({
      %run_scoped3A = tpu.sem_alloc : memref<!tpu.dma_semaphore, #tpu.memory_space<semaphore_mem>>
      %dma_start3A_659 = tpu.memref_slice %arg2[%mul3A_2] : memref<16384xi32, #tpu.memory_space<hbm>> -> memref<512xi32, #tpu.memory_space<hbm>>
      %dma_start3A_660 = tpu.memref_slice %arg2[%mul3A_2] : memref<16384xi32, #tpu.memory_space<hbm>> -> memref<512xi32, #tpu.memory_space<hbm>>
      tpu.enqueue_dma source(%dma_start3A_660 : memref<512xi32, #tpu.memory_space<hbm>>) target(%arg7 : memref<512xi32, #tpu.memory_space<vmem>>) target_semaphore(%run_scoped3A : memref<!tpu.dma_semaphore, #tpu.memory_space<semaphore_mem>>)
      %dma_wait3A = tpu.memref_slice %arg2[%mul3A_2] : memref<16384xi32, #tpu.memory_space<hbm>> -> memref<512xi32, #tpu.memory_space<hbm>>
      %dma_wait3A_661 = tpu.memref_slice %arg2[%mul3A_2] : memref<16384xi32, #tpu.memory_space<hbm>> -> memref<512xi32, #tpu.memory_space<hbm>>
      tpu.wait_dma2 semaphore(%run_scoped3A : memref<!tpu.dma_semaphore, #tpu.memory_space<semaphore_mem>>) src(%dma_wait3A_661 : memref<512xi32, #tpu.memory_space<hbm>>) dst(%arg7 : memref<512xi32, #tpu.memory_space<vmem>>)
      tpu.yield
    }) : () -> ()
    "tpu.region"() ({
      %run_scoped3A = tpu.sem_alloc : memref<!tpu.dma_semaphore, #tpu.memory_space<semaphore_mem>>
      %dma_start3A_659 = tpu.memref_slice %arg3[%mul3A_2] : memref<16384xi32, #tpu.memory_space<hbm>> -> memref<512xi32, #tpu.memory_space<hbm>>
      %dma_start3A_660 = tpu.memref_slice %arg3[%mul3A_2] : memref<16384xi32, #tpu.memory_space<hbm>> -> memref<512xi32, #tpu.memory_space<hbm>>
      tpu.enqueue_dma source(%dma_start3A_660 : memref<512xi32, #tpu.memory_space<hbm>>) target(%arg8 : memref<512xi32, #tpu.memory_space<vmem>>) target_semaphore(%run_scoped3A : memref<!tpu.dma_semaphore, #tpu.memory_space<semaphore_mem>>)
      %dma_wait3A = tpu.memref_slice %arg3[%mul3A_2] : memref<16384xi32, #tpu.memory_space<hbm>> -> memref<512xi32, #tpu.memory_space<hbm>>
      %dma_wait3A_661 = tpu.memref_slice %arg3[%mul3A_2] : memref<16384xi32, #tpu.memory_space<hbm>> -> memref<512xi32, #tpu.memory_space<hbm>>
      tpu.wait_dma2 semaphore(%run_scoped3A : memref<!tpu.dma_semaphore, #tpu.memory_space<semaphore_mem>>) src(%dma_wait3A_661 : memref<512xi32, #tpu.memory_space<hbm>>) dst(%arg8 : memref<512xi32, #tpu.memory_space<vmem>>)
      tpu.yield
    }) : () -> ()
    %iota3A = tpu.iota {dimensions = array<i32: 0>} : vector<16xi32>
    %xor3A = arith.constant 8 : i32
    %xor3A_3 = vector.broadcast %xor3A : i32 to vector<16xi32>
    %xor3A_4 = arith.xori %iota3A, %xor3A_3 : vector<16xi32>
    %reshape3A = vector.shape_cast %xor3A_4 : vector<16xi32> to vector<16x1xi32>
    %xor3A_5 = arith.constant 4 : i32
    %xor3A_6 = vector.broadcast %xor3A_5 : i32 to vector<16xi32>
    %xor3A_7 = arith.xori %iota3A, %xor3A_6 : vector<16xi32>
    %reshape3A_8 = vector.shape_cast %xor3A_7 : vector<16xi32> to vector<16x1xi32>
    %xor3A_9 = arith.constant 2 : i32
    %xor3A_10 = vector.broadcast %xor3A_9 : i32 to vector<16xi32>
    %xor3A_11 = arith.xori %iota3A, %xor3A_10 : vector<16xi32>
    %reshape3A_12 = vector.shape_cast %xor3A_11 : vector<16xi32> to vector<16x1xi32>
    %xor3A_13 = arith.constant 1 : i32
    %xor3A_14 = vector.broadcast %xor3A_13 : i32 to vector<16xi32>
    %xor3A_15 = arith.xori %iota3A, %xor3A_14 : vector<16xi32>
    %reshape3A_16 = vector.shape_cast %xor3A_15 : vector<16xi32> to vector<16x1xi32>
    %get3A = arith.constant 0 : index
    %get3A_17 = tpu.vector_load %arg7[%get3A] {strides = array<i32>} : memref<512xi32, #tpu.memory_space<vmem>>, vector<16xi32>,
    %get3A_18 = arith.constant 0 : index
    %get3A_19 = tpu.vector_load %arg8[%get3A_18] {strides = array<i32>} : memref<512xi32, #tpu.memory_space<vmem>>, vector<16xi32>,
    %slice3A = vector.extract_strided_slice %get3A_17 {offsets = [0], sizes = [1], strides = [1]} : vector<16xi32> to vector<1xi32>
    %squeeze3A = vector.extract %slice3A[0] : i32 from vector<1xi32>
    %slice3A_20 = vector.extract_strided_slice %get3A_19 {offsets = [0], sizes = [1], strides = [1]} : vector<16xi32> to vector<1xi32>
    %squeeze3A_21 = vector.extract %slice3A_20[0] : i32 from vector<1xi32>
    %shift_right_arithmetic3A = arith.constant 7 : i32
    %shift_right_arithmetic3A_22 = arith.shrsi %squeeze3A, %shift_right_arithmetic3A : i32
    %shift_left3A = arith.constant 7 : i32
    %shift_left3A_23 = arith.shli %shift_right_arithmetic3A_22, %shift_left3A : i32
    %multiple_of3A = tpu.assume_multiple %shift_left3A_23, 128 : i32
    %shift_right_arithmetic3A_24 = arith.constant 7 : i32
    %shift_right_arithmetic3A_25 = arith.shrsi %squeeze3A_21, %shift_right_arithmetic3A_24 : i32
    %shift_left3A_26 = arith.constant 7 : i32
    %shift_left3A_27 = arith.shli %shift_right_arithmetic3A_25, %shift_left3A_26 : i32
    %multiple_of3A_28 = tpu.assume_multiple %shift_left3A_27, 128 : i32
    %dma_start3A = arith.constant 0 : i32
    %dma_start3A_29 = arith.constant 0 : i32
    %dma_start3A_30 = arith.constant 0 : i32
    %dma_start3A_31 = tpu.memref_slice %arg9[%dma_start3A, %dma_start3A_29, %dma_start3A_30] : memref<2x16x1024xf32, #tpu.memory_space<vmem>> -> memref<1x16x128xf32, #tpu.memory_space<vmem>>
    %dma_start3A_32 = tpu.memref_squeeze %dma_start3A_31 : memref<1x16x128xf32, #tpu.memory_space<vmem>> -> memref<16x128xf32, #tpu.memory_space<vmem>>
    %dma_start3A_33 = arith.constant 0 : i32
    %dma_start3A_34 = tpu.memref_slice %arg4[%dma_start3A_33, %multiple_of3A] : memref<16x1000000xf32, #tpu.memory_space<hbm>> -> memref<16x128xf32, #tpu.memory_space<hbm>>
    %dma_start3A_35 = arith.constant 0 : i32
    %dma_start3A_36 = arith.constant 0 : i32
    %dma_start3A_37 = tpu.memref_slice %arg9[%dma_start3A, %dma_start3A_35, %dma_start3A_36] : memref<2x16x1024xf32, #tpu.memory_space<vmem>> -> memref<1x16x128xf32, #tpu.memory_space<vmem>>
    %dma_start3A_38 = tpu.memref_squeeze %dma_start3A_37 : memref<1x16x128xf32, #tpu.memory_space<vmem>> -> memref<16x128xf32, #tpu.memory_space<vmem>>
    %dma_start3A_39 = arith.constant 0 : i32
    %dma_start3A_40 = tpu.memref_slice %arg4[%dma_start3A_39, %multiple_of3A] : memref<16x1000000xf32, #tpu.memory_space<hbm>> -> memref<16x128xf32, #tpu.memory_space<hbm>>
    tpu.enqueue_dma source(%dma_start3A_40 : memref<16x128xf32, #tpu.memory_space<hbm>>) target(%dma_start3A_38 : memref<16x128xf32, #tpu.memory_space<vmem>>) target_semaphore(%arg12 : memref<!tpu.dma_semaphore, #tpu.memory_space<semaphore_mem>>)
    %dma_start3A_41 = arith.constant 0 : i32
    %dma_start3A_42 = arith.constant 0 : i32
    %dma_start3A_43 = arith.constant 0 : i32
    %dma_start3A_44 = tpu.memref_slice %arg10[%dma_start3A_41, %dma_start3A_42, %dma_start3A_43] : memref<2x16x1024xf32, #tpu.memory_space<vmem>> -> memref<1x16x128xf32, #tpu.memory_space<vmem>>
    %dma_start3A_45 = tpu.memref_squeeze %dma_start3A_44 : memref<1x16x128xf32, #tpu.memory_space<vmem>> -> memref<16x128xf32, #tpu.memory_space<vmem>>
    %dma_start3A_46 = arith.constant 0 : i32
    %dma_start3A_47 = tpu.memref_slice %arg5[%dma_start3A_46, %multiple_of3A_28] : memref<16x1000000xf32, #tpu.memory_space<hbm>> -> memref<16x128xf32, #tpu.memory_space<hbm>>
    %dma_start3A_48 = arith.constant 0 : i32
    %dma_start3A_49 = arith.constant 0 : i32
    %dma_start3A_50 = tpu.memref_slice %arg10[%dma_start3A_41, %dma_start3A_48, %dma_start3A_49] : memref<2x16x1024xf32, #tpu.memory_space<vmem>> -> memref<1x16x128xf32, #tpu.memory_space<vmem>>
    %dma_start3A_51 = tpu.memref_squeeze %dma_start3A_50 : memref<1x16x128xf32, #tpu.memory_space<vmem>> -> memref<16x128xf32, #tpu.memory_space<vmem>>
    %dma_start3A_52 = arith.constant 0 : i32
    %dma_start3A_53 = tpu.memref_slice %arg5[%dma_start3A_52, %multiple_of3A_28] : memref<16x1000000xf32, #tpu.memory_space<hbm>> -> memref<16x128xf32, #tpu.memory_space<hbm>>
    tpu.enqueue_dma source(%dma_start3A_53 : memref<16x128xf32, #tpu.memory_space<hbm>>) target(%dma_start3A_51 : memref<16x128xf32, #tpu.memory_space<vmem>>) target_semaphore(%arg12 : memref<!tpu.dma_semaphore, #tpu.memory_space<semaphore_mem>>)
    %slice3A_54 = vector.extract_strided_slice %get3A_17 {offsets = [1], sizes = [1], strides = [1]} : vector<16xi32> to vector<1xi32>
    %squeeze3A_55 = vector.extract %slice3A_54[0] : i32 from vector<1xi32>
    %slice3A_56 = vector.extract_strided_slice %get3A_19 {offsets = [1], sizes = [1], strides = [1]} : vector<16xi32> to vector<1xi32>
    %squeeze3A_57 = vector.extract %slice3A_56[0] : i32 from vector<1xi32>
    %shift_right_arithmetic3A_58 = arith.constant 7 : i32
    %shift_right_arithmetic3A_59 = arith.shrsi %squeeze3A_55, %shift_right_arithmetic3A_58 : i32
    %shift_left3A_60 = arith.constant 7 : i32
    %shift_left3A_61 = arith.shli %shift_right_arithmetic3A_59, %shift_left3A_60 : i32
    %multiple_of3A_62 = tpu.assume_multiple %shift_left3A_61, 128 : i32
    %shift_right_arithmetic3A_63 = arith.constant 7 : i32
    %shift_right_arithmetic3A_64 = arith.shrsi %squeeze3A_57, %shift_right_arithmetic3A_63 : i32
    %shift_left3A_65 = arith.constant 7 : i32
    %shift_left3A_66 = arith.shli %shift_right_arithmetic3A_64, %shift_left3A_65 : i32
    %multiple_of3A_67 = tpu.assume_multiple %shift_left3A_66, 128 : i32
    %dma_start3A_68 = arith.constant 0 : i32
    %dma_start3A_69 = arith.constant 0 : i32
    %dma_start3A_70 = arith.constant 128 : i32
    %dma_start3A_71 = tpu.memref_slice %arg9[%dma_start3A_68, %dma_start3A_69, %dma_start3A_70] : memref<2x16x1024xf32, #tpu.memory_space<vmem>> -> memref<1x16x128xf32, #tpu.memory_space<vmem>>
    %dma_start3A_72 = tpu.memref_squeeze %dma_start3A_71 : memref<1x16x128xf32, #tpu.memory_space<vmem>> -> memref<16x128xf32, #tpu.memory_space<vmem>>
    %dma_start3A_73 = arith.constant 0 : i32
    %dma_start3A_74 = tpu.memref_slice %arg4[%dma_start3A_73, %multiple_of3A_62] : memref<16x1000000xf32, #tpu.memory_space<hbm>> -> memref<16x128xf32, #tpu.memory_space<hbm>>
    %dma_start3A_75 = arith.constant 0 : i32
    %dma_start3A_76 = arith.constant 128 : i32
    %dma_start3A_77 = tpu.memref_slice %arg9[%dma_start3A_68, %dma_start3A_75, %dma_start3A_76] : memref<2x16x1024xf32, #tpu.memory_space<vmem>> -> memref<1x16x128xf32, #tpu.memory_space<vmem>>
    %dma_start3A_78 = tpu.memref_squeeze %dma_start3A_77 : memref<1x16x128xf32, #tpu.memory_space<vmem>> -> memref<16x128xf32, #tpu.memory_space<vmem>>
    %dma_start3A_79 = arith.constant 0 : i32
    %dma_start3A_80 = tpu.memref_slice %arg4[%dma_start3A_79, %multiple_of3A_62] : memref<16x1000000xf32, #tpu.memory_space<hbm>> -> memref<16x128xf32, #tpu.memory_space<hbm>>
    tpu.enqueue_dma source(%dma_start3A_80 : memref<16x128xf32, #tpu.memory_space<hbm>>) target(%dma_start3A_78 : memref<16x128xf32, #tpu.memory_space<vmem>>) target_semaphore(%arg12 : memref<!tpu.dma_semaphore, #tpu.memory_space<semaphore_mem>>)
    %dma_start3A_81 = arith.constant 0 : i32
    %dma_start3A_82 = arith.constant 0 : i32
    %dma_start3A_83 = arith.constant 128 : i32
    %dma_start3A_84 = tpu.memref_slice %arg10[%dma_start3A_81, %dma_start3A_82, %dma_start3A_83] : memref<2x16x1024xf32, #tpu.memory_space<vmem>> -> memref<1x16x128xf32, #tpu.memory_space<vmem>>
    %dma_start3A_85 = tpu.memref_squeeze %dma_start3A_84 : memref<1x16x128xf32, #tpu.memory_space<vmem>> -> memref<16x128xf32, #tpu.memory_space<vmem>>
    %dma_start3A_86 = arith.constant 0 : i32
    %dma_start3A_87 = tpu.memref_slice %arg5[%dma_start3A_86, %multiple_of3A_67] : memref<16x1000000xf32, #tpu.memory_space<hbm>> -> memref<16x128xf32, #tpu.memory_space<hbm>>
    %dma_start3A_88 = arith.constant 0 : i32
    %dma_start3A_89 = arith.constant 128 : i32
    %dma_start3A_90 = tpu.memref_slice %arg10[%dma_start3A_81, %dma_start3A_88, %dma_start3A_89] : memref<2x16x1024xf32, #tpu.memory_space<vmem>> -> memref<1x16x128xf32, #tpu.memory_space<vmem>>
    %dma_start3A_91 = tpu.memref_squeeze %dma_start3A_90 : memref<1x16x128xf32, #tpu.memory_space<vmem>> -> memref<16x128xf32, #tpu.memory_space<vmem>>
    %dma_start3A_92 = arith.constant 0 : i32
    %dma_start3A_93 = tpu.memref_slice %arg5[%dma_start3A_92, %multiple_of3A_67] : memref<16x1000000xf32, #tpu.memory_space<hbm>> -> memref<16x128xf32, #tpu.memory_space<hbm>>
    tpu.enqueue_dma source(%dma_start3A_93 : memref<16x128xf32, #tpu.memory_space<hbm>>) target(%dma_start3A_91 : memref<16x128xf32, #tpu.memory_space<vmem>>) target_semaphore(%arg12 : memref<!tpu.dma_semaphore, #tpu.memory_space<semaphore_mem>>)
    %slice3A_94 = vector.extract_strided_slice %get3A_17 {offsets = [2], sizes = [1], strides = [1]} : vector<16xi32> to vector<1xi32>
    %squeeze3A_95 = vector.extract %slice3A_94[0] : i32 from vector<1xi32>
    %slice3A_96 = vector.extract_strided_slice %get3A_19 {offsets = [2], sizes = [1], strides = [1]} : vector<16xi32> to vector<1xi32>
    %squeeze3A_97 = vector.extract %slice3A_96[0] : i32 from vector<1xi32>
    %shift_right_arithmetic3A_98 = arith.constant 7 : i32
    %shift_right_arithmetic3A_99 = arith.shrsi %squeeze3A_95, %shift_right_arithmetic3A_98 : i32
    %shift_left3A_100 = arith.constant 7 : i32
    %shift_left3A_101 = arith.shli %shift_right_arithmetic3A_99, %shift_left3A_100 : i32
    %multiple_of3A_102 = tpu.assume_multiple %shift_left3A_101, 128 : i32
    %shift_right_arithmetic3A_103 = arith.constant 7 : i32
    %shift_right_arithmetic3A_104 = arith.shrsi %squeeze3A_97, %shift_right_arithmetic3A_103 : i32
    %shift_left3A_105 = arith.constant 7 : i32
    %shift_left3A_106 = arith.shli %shift_right_arithmetic3A_104, %shift_left3A_105 : i32
    %multiple_of3A_107 = tpu.assume_multiple %shift_left3A_106, 128 : i32
    %dma_start3A_108 = arith.constant 0 : i32
    %dma_start3A_109 = arith.constant 0 : i32
    %dma_start3A_110 = arith.constant 256 : i32
    %dma_start3A_111 = tpu.memref_slice %arg9[%dma_start3A_108, %dma_start3A_109, %dma_start3A_110] : memref<2x16x1024xf32, #tpu.memory_space<vmem>> -> memref<1x16x128xf32, #tpu.memory_space<vmem>>
    %dma_start3A_112 = tpu.memref_squeeze %dma_start3A_111 : memref<1x16x128xf32, #tpu.memory_space<vmem>> -> memref<16x128xf32, #tpu.memory_space<vmem>>
    %dma_start3A_113 = arith.constant 0 : i32
    %dma_start3A_114 = tpu.memref_slice %arg4[%dma_start3A_113, %multiple_of3A_102] : memref<16x1000000xf32, #tpu.memory_space<hbm>> -> memref<16x128xf32, #tpu.memory_space<hbm>>
    %dma_start3A_115 = arith.constant 0 : i32
    %dma_start3A_116 = arith.constant 256 : i32
    %dma_start3A_117 = tpu.memref_slice %arg9[%dma_start3A_108, %dma_start3A_115, %dma_start3A_116] : memref<2x16x1024xf32, #tpu.memory_space<vmem>> -> memref<1x16x128xf32, #tpu.memory_space<vmem>>
    %dma_start3A_118 = tpu.memref_squeeze %dma_start3A_117 : memref<1x16x128xf32, #tpu.memory_space<vmem>> -> memref<16x128xf32, #tpu.memory_space<vmem>>
    %dma_start3A_119 = arith.constant 0 : i32
    %dma_start3A_120 = tpu.memref_slice %arg4[%dma_start3A_119, %multiple_of3A_102] : memref<16x1000000xf32, #tpu.memory_space<hbm>> -> memref<16x128xf32, #tpu.memory_space<hbm>>
    tpu.enqueue_dma source(%dma_start3A_120 : memref<16x128xf32, #tpu.memory_space<hbm>>) target(%dma_start3A_118 : memref<16x128xf32, #tpu.memory_space<vmem>>) target_semaphore(%arg12 : memref<!tpu.dma_semaphore, #tpu.memory_space<semaphore_mem>>)
    %dma_start3A_121 = arith.constant 0 : i32
    %dma_start3A_122 = arith.constant 0 : i32
    %dma_start3A_123 = arith.constant 256 : i32
    %dma_start3A_124 = tpu.memref_slice %arg10[%dma_start3A_121, %dma_start3A_122, %dma_start3A_123] : memref<2x16x1024xf32, #tpu.memory_space<vmem>> -> memref<1x16x128xf32, #tpu.memory_space<vmem>>
    %dma_start3A_125 = tpu.memref_squeeze %dma_start3A_124 : memref<1x16x128xf32, #tpu.memory_space<vmem>> -> memref<16x128xf32, #tpu.memory_space<vmem>>
    %dma_start3A_126 = arith.constant 0 : i32
    %dma_start3A_127 = tpu.memref_slice %arg5[%dma_start3A_126, %multiple_of3A_107] : memref<16x1000000xf32, #tpu.memory_space<hbm>> -> memref<16x128xf32, #tpu.memory_space<hbm>>
    %dma_start3A_128 = arith.constant 0 : i32
    %dma_start3A_129 = arith.constant 256 : i32
    %dma_start3A_130 = tpu.memref_slice %arg10[%dma_start3A_121, %dma_start3A_128, %dma_start3A_129] : memref<2x16x1024xf32, #tpu.memory_space<vmem>> -> memref<1x16x128xf32, #tpu.memory_space<vmem>>
    %dma_start3A_131 = tpu.memref_squeeze %dma_start3A_130 : memref<1x16x128xf32, #tpu.memory_space<vmem>> -> memref<16x128xf32, #tpu.memory_space<vmem>>
    %dma_start3A_132 = arith.constant 0 : i32
    %dma_start3A_133 = tpu.memref_slice %arg5[%dma_start3A_132, %multiple_of3A_107] : memref<16x1000000xf32, #tpu.memory_space<hbm>> -> memref<16x128xf32, #tpu.memory_space<hbm>>
    tpu.enqueue_dma source(%dma_start3A_133 : memref<16x128xf32, #tpu.memory_space<hbm>>) target(%dma_start3A_131 : memref<16x128xf32, #tpu.memory_space<vmem>>) target_semaphore(%arg12 : memref<!tpu.dma_semaphore, #tpu.memory_space<semaphore_mem>>)
    %slice3A_134 = vector.extract_strided_slice %get3A_17 {offsets = [3], sizes = [1], strides = [1]} : vector<16xi32> to vector<1xi32>
    %squeeze3A_135 = vector.extract %slice3A_134[0] : i32 from vector<1xi32>
    %slice3A_136 = vector.extract_strided_slice %get3A_19 {offsets = [3], sizes = [1], strides = [1]} : vector<16xi32> to vector<1xi32>
    %squeeze3A_137 = vector.extract %slice3A_136[0] : i32 from vector<1xi32>
    %shift_right_arithmetic3A_138 = arith.constant 7 : i32
    %shift_right_arithmetic3A_139 = arith.shrsi %squeeze3A_135, %shift_right_arithmetic3A_138 : i32
    %shift_left3A_140 = arith.constant 7 : i32
    %shift_left3A_141 = arith.shli %shift_right_arithmetic3A_139, %shift_left3A_140 : i32
    %multiple_of3A_142 = tpu.assume_multiple %shift_left3A_141, 128 : i32
    %shift_right_arithmetic3A_143 = arith.constant 7 : i32
    %shift_right_arithmetic3A_144 = arith.shrsi %squeeze3A_137, %shift_right_arithmetic3A_143 : i32
    %shift_left3A_145 = arith.constant 7 : i32
    %shift_left3A_146 = arith.shli %shift_right_arithmetic3A_144, %shift_left3A_145 : i32
    %multiple_of3A_147 = tpu.assume_multiple %shift_left3A_146, 128 : i32
    %dma_start3A_148 = arith.constant 0 : i32
    %dma_start3A_149 = arith.constant 0 : i32
    %dma_start3A_150 = arith.constant 384 : i32
    %dma_start3A_151 = tpu.memref_slice %arg9[%dma_start3A_148, %dma_start3A_149, %dma_start3A_150] : memref<2x16x1024xf32, #tpu.memory_space<vmem>> -> memref<1x16x128xf32, #tpu.memory_space<vmem>>
    %dma_start3A_152 = tpu.memref_squeeze %dma_start3A_151 : memref<1x16x128xf32, #tpu.memory_space<vmem>> -> memref<16x128xf32, #tpu.memory_space<vmem>>
    %dma_start3A_153 = arith.constant 0 : i32
    %dma_start3A_154 = tpu.memref_slice %arg4[%dma_start3A_153, %multiple_of3A_142] : memref<16x1000000xf32, #tpu.memory_space<hbm>> -> memref<16x128xf32, #tpu.memory_space<hbm>>
    %dma_start3A_155 = arith.constant 0 : i32
    %dma_start3A_156 = arith.constant 384 : i32
    %dma_start3A_157 = tpu.memref_slice %arg9[%dma_start3A_148, %dma_start3A_155, %dma_start3A_156] : memref<2x16x1024xf32, #tpu.memory_space<vmem>> -> memref<1x16x128xf32, #tpu.memory_space<vmem>>
    %dma_start3A_158 = tpu.memref_squeeze %dma_start3A_157 : memref<1x16x128xf32, #tpu.memory_space<vmem>> -> memref<16x128xf32, #tpu.memory_space<vmem>>
    %dma_start3A_159 = arith.constant 0 : i32
    %dma_start3A_160 = tpu.memref_slice %arg4[%dma_start3A_159, %multiple_of3A_142] : memref<16x1000000xf32, #tpu.memory_space<hbm>> -> memref<16x128xf32, #tpu.memory_space<hbm>>
    tpu.enqueue_dma source(%dma_start3A_160 : memref<16x128xf32, #tpu.memory_space<hbm>>) target(%dma_start3A_158 : memref<16x128xf32, #tpu.memory_space<vmem>>) target_semaphore(%arg12 : memref<!tpu.dma_semaphore, #tpu.memory_space<semaphore_mem>>)
    %dma_start3A_161 = arith.constant 0 : i32
    %dma_start3A_162 = arith.constant 0 : i32
    %dma_start3A_163 = arith.constant 384 : i32
    %dma_start3A_164 = tpu.memref_slice %arg10[%dma_start3A_161, %dma_start3A_162, %dma_start3A_163] : memref<2x16x1024xf32, #tpu.memory_space<vmem>> -> memref<1x16x128xf32, #tpu.memory_space<vmem>>
    %dma_start3A_165 = tpu.memref_squeeze %dma_start3A_164 : memref<1x16x128xf32, #tpu.memory_space<vmem>> -> memref<16x128xf32, #tpu.memory_space<vmem>>
    %dma_start3A_166 = arith.constant 0 : i32
    %dma_start3A_167 = tpu.memref_slice %arg5[%dma_start3A_166, %multiple_of3A_147] : memref<16x1000000xf32, #tpu.memory_space<hbm>> -> memref<16x128xf32, #tpu.memory_space<hbm>>
    %dma_start3A_168 = arith.constant 0 : i32
    %dma_start3A_169 = arith.constant 384 : i32
    %dma_start3A_170 = tpu.memref_slice %arg10[%dma_start3A_161, %dma_start3A_168, %dma_start3A_169] : memref<2x16x1024xf32, #tpu.memory_space<vmem>> -> memref<1x16x128xf32, #tpu.memory_space<vmem>>
    %dma_start3A_171 = tpu.memref_squeeze %dma_start3A_170 : memref<1x16x128xf32, #tpu.memory_space<vmem>> -> memref<16x128xf32, #tpu.memory_space<vmem>>
    %dma_start3A_172 = arith.constant 0 : i32
    %dma_start3A_173 = tpu.memref_slice %arg5[%dma_start3A_172, %multiple_of3A_147] : memref<16x1000000xf32, #tpu.memory_space<hbm>> -> memref<16x128xf32, #tpu.memory_space<hbm>>
    tpu.enqueue_dma source(%dma_start3A_173 : memref<16x128xf32, #tpu.memory_space<hbm>>) target(%dma_start3A_171 : memref<16x128xf32, #tpu.memory_space<vmem>>) target_semaphore(%arg12 : memref<!tpu.dma_semaphore, #tpu.memory_space<semaphore_mem>>)
    %slice3A_174 = vector.extract_strided_slice %get3A_17 {offsets = [4], sizes = [1], strides = [1]} : vector<16xi32> to vector<1xi32>
    %squeeze3A_175 = vector.extract %slice3A_174[0] : i32 from vector<1xi32>
    %slice3A_176 = vector.extract_strided_slice %get3A_19 {offsets = [4], sizes = [1], strides = [1]} : vector<16xi32> to vector<1xi32>
    %squeeze3A_177 = vector.extract %slice3A_176[0] : i32 from vector<1xi32>
    %shift_right_arithmetic3A_178 = arith.constant 7 : i32
    %shift_right_arithmetic3A_179 = arith.shrsi %squeeze3A_175, %shift_right_arithmetic3A_178 : i32
    %shift_left3A_180 = arith.constant 7 : i32
    %shift_left3A_181 = arith.shli %shift_right_arithmetic3A_179, %shift_left3A_180 : i32
    %multiple_of3A_182 = tpu.assume_multiple %shift_left3A_181, 128 : i32
    %shift_right_arithmetic3A_183 = arith.constant 7 : i32
    %shift_right_arithmetic3A_184 = arith.shrsi %squeeze3A_177, %shift_right_arithmetic3A_183 : i32
    %shift_left3A_185 = arith.constant 7 : i32
    %shift_left3A_186 = arith.shli %shift_right_arithmetic3A_184, %shift_left3A_185 : i32
    %multiple_of3A_187 = tpu.assume_multiple %shift_left3A_186, 128 : i32
    %dma_start3A_188 = arith.constant 0 : i32
    %dma_start3A_189 = arith.constant 0 : i32
    %dma_start3A_190 = arith.constant 512 : i32
    %dma_start3A_191 = tpu.memref_slice %arg9[%dma_start3A_188, %dma_start3A_189, %dma_start3A_190] : memref<2x16x1024xf32, #tpu.memory_space<vmem>> -> memref<1x16x128xf32, #tpu.memory_space<vmem>>
    %dma_start3A_192 = tpu.memref_squeeze %dma_start3A_191 : memref<1x16x128xf32, #tpu.memory_space<vmem>> -> memref<16x128xf32, #tpu.memory_space<vmem>>
    %dma_start3A_193 = arith.constant 0 : i32
    %dma_start3A_194 = tpu.memref_slice %arg4[%dma_start3A_193, %multiple_of3A_182] : memref<16x1000000xf32, #tpu.memory_space<hbm>> -> memref<16x128xf32, #tpu.memory_space<hbm>>
    %dma_start3A_195 = arith.constant 0 : i32
    %dma_start3A_196 = arith.constant 512 : i32
    %dma_start3A_197 = tpu.memref_slice %arg9[%dma_start3A_188, %dma_start3A_195, %dma_start3A_196] : memref<2x16x1024xf32, #tpu.memory_space<vmem>> -> memref<1x16x128xf32, #tpu.memory_space<vmem>>
    %dma_start3A_198 = tpu.memref_squeeze %dma_start3A_197 : memref<1x16x128xf32, #tpu.memory_space<vmem>> -> memref<16x128xf32, #tpu.memory_space<vmem>>
    %dma_start3A_199 = arith.constant 0 : i32
    %dma_start3A_200 = tpu.memref_slice %arg4[%dma_start3A_199, %multiple_of3A_182] : memref<16x1000000xf32, #tpu.memory_space<hbm>> -> memref<16x128xf32, #tpu.memory_space<hbm>>
    tpu.enqueue_dma source(%dma_start3A_200 : memref<16x128xf32, #tpu.memory_space<hbm>>) target(%dma_start3A_198 : memref<16x128xf32, #tpu.memory_space<vmem>>) target_semaphore(%arg12 : memref<!tpu.dma_semaphore, #tpu.memory_space<semaphore_mem>>)
    %dma_start3A_201 = arith.constant 0 : i32
    %dma_start3A_202 = arith.constant 0 : i32
    %dma_start3A_203 = arith.constant 512 : i32
    %dma_start3A_204 = tpu.memref_slice %arg10[%dma_start3A_201, %dma_start3A_202, %dma_start3A_203] : memref<2x16x1024xf32, #tpu.memory_space<vmem>> -> memref<1x16x128xf32, #tpu.memory_space<vmem>>
    %dma_start3A_205 = tpu.memref_squeeze %dma_start3A_204 : memref<1x16x128xf32, #tpu.memory_space<vmem>> -> memref<16x128xf32, #tpu.memory_space<vmem>>
    %dma_start3A_206 = arith.constant 0 : i32
    %dma_start3A_207 = tpu.memref_slice %arg5[%dma_start3A_206, %multiple_of3A_187] : memref<16x1000000xf32, #tpu.memory_space<hbm>> -> memref<16x128xf32, #tpu.memory_space<hbm>>
    %dma_start3A_208 = arith.constant 0 : i32
    %dma_start3A_209 = arith.constant 512 : i32
    %dma_start3A_210 = tpu.memref_slice %arg10[%dma_start3A_201, %dma_start3A_208, %dma_start3A_209] : memref<2x16x1024xf32, #tpu.memory_space<vmem>> -> memref<1x16x128xf32, #tpu.memory_space<vmem>>
    %dma_start3A_211 = tpu.memref_squeeze %dma_start3A_210 : memref<1x16x128xf32, #tpu.memory_space<vmem>> -> memref<16x128xf32, #tpu.memory_space<vmem>>
    %dma_start3A_212 = arith.constant 0 : i32
    %dma_start3A_213 = tpu.memref_slice %arg5[%dma_start3A_212, %multiple_of3A_187] : memref<16x1000000xf32, #tpu.memory_space<hbm>> -> memref<16x128xf32, #tpu.memory_space<hbm>>
    tpu.enqueue_dma source(%dma_start3A_213 : memref<16x128xf32, #tpu.memory_space<hbm>>) target(%dma_start3A_211 : memref<16x128xf32, #tpu.memory_space<vmem>>) target_semaphore(%arg12 : memref<!tpu.dma_semaphore, #tpu.memory_space<semaphore_mem>>)
    %slice3A_214 = vector.extract_strided_slice %get3A_17 {offsets = [5], sizes = [1], strides = [1]} : vector<16xi32> to vector<1xi32>
    %squeeze3A_215 = vector.extract %slice3A_214[0] : i32 from vector<1xi32>
    %slice3A_216 = vector.extract_strided_slice %get3A_19 {offsets = [5], sizes = [1], strides = [1]} : vector<16xi32> to vector<1xi32>
    %squeeze3A_217 = vector.extract %slice3A_216[0] : i32 from vector<1xi32>
    %shift_right_arithmetic3A_218 = arith.constant 7 : i32
    %shift_right_arithmetic3A_219 = arith.shrsi %squeeze3A_215, %shift_right_arithmetic3A_218 : i32
    %shift_left3A_220 = arith.constant 7 : i32
    %shift_left3A_221 = arith.shli %shift_right_arithmetic3A_219, %shift_left3A_220 : i32
    %multiple_of3A_222 = tpu.assume_multiple %shift_left3A_221, 128 : i32
    %shift_right_arithmetic3A_223 = arith.constant 7 : i32
    %shift_right_arithmetic3A_224 = arith.shrsi %squeeze3A_217, %shift_right_arithmetic3A_223 : i32
    %shift_left3A_225 = arith.constant 7 : i32
    %shift_left3A_226 = arith.shli %shift_right_arithmetic3A_224, %shift_left3A_225 : i32
    %multiple_of3A_227 = tpu.assume_multiple %shift_left3A_226, 128 : i32
    %dma_start3A_228 = arith.constant 0 : i32
    %dma_start3A_229 = arith.constant 0 : i32
    %dma_start3A_230 = arith.constant 640 : i32
    %dma_start3A_231 = tpu.memref_slice %arg9[%dma_start3A_228, %dma_start3A_229, %dma_start3A_230] : memref<2x16x1024xf32, #tpu.memory_space<vmem>> -> memref<1x16x128xf32, #tpu.memory_space<vmem>>
    %dma_start3A_232 = tpu.memref_squeeze %dma_start3A_231 : memref<1x16x128xf32, #tpu.memory_space<vmem>> -> memref<16x128xf32, #tpu.memory_space<vmem>>
    %dma_start3A_233 = arith.constant 0 : i32
    %dma_start3A_234 = tpu.memref_slice %arg4[%dma_start3A_233, %multiple_of3A_222] : memref<16x1000000xf32, #tpu.memory_space<hbm>> -> memref<16x128xf32, #tpu.memory_space<hbm>>
    %dma_start3A_235 = arith.constant 0 : i32
    %dma_start3A_236 = arith.constant 640 : i32
    %dma_start3A_237 = tpu.memref_slice %arg9[%dma_start3A_228, %dma_start3A_235, %dma_start3A_236] : memref<2x16x1024xf32, #tpu.memory_space<vmem>> -> memref<1x16x128xf32, #tpu.memory_space<vmem>>
    %dma_start3A_238 = tpu.memref_squeeze %dma_start3A_237 : memref<1x16x128xf32, #tpu.memory_space<vmem>> -> memref<16x128xf32, #tpu.memory_space<vmem>>
    %dma_start3A_239 = arith.constant 0 : i32
    %dma_start3A_240 = tpu.memref_slice %arg4[%dma_start3A_239, %multiple_of3A_222] : memref<16x1000000xf32, #tpu.memory_space<hbm>> -> memref<16x128xf32, #tpu.memory_space<hbm>>
    tpu.enqueue_dma source(%dma_start3A_240 : memref<16x128xf32, #tpu.memory_space<hbm>>) target(%dma_start3A_238 : memref<16x128xf32, #tpu.memory_space<vmem>>) target_semaphore(%arg12 : memref<!tpu.dma_semaphore, #tpu.memory_space<semaphore_mem>>)
    %dma_start3A_241 = arith.constant 0 : i32
    %dma_start3A_242 = arith.constant 0 : i32
    %dma_start3A_243 = arith.constant 640 : i32
    %dma_start3A_244 = tpu.memref_slice %arg10[%dma_start3A_241, %dma_start3A_242, %dma_start3A_243] : memref<2x16x1024xf32, #tpu.memory_space<vmem>> -> memref<1x16x128xf32, #tpu.memory_space<vmem>>
    %dma_start3A_245 = tpu.memref_squeeze %dma_start3A_244 : memref<1x16x128xf32, #tpu.memory_space<vmem>> -> memref<16x128xf32, #tpu.memory_space<vmem>>
    %dma_start3A_246 = arith.constant 0 : i32
    %dma_start3A_247 = tpu.memref_slice %arg5[%dma_start3A_246, %multiple_of3A_227] : memref<16x1000000xf32, #tpu.memory_space<hbm>> -> memref<16x128xf32, #tpu.memory_space<hbm>>
    %dma_start3A_248 = arith.constant 0 : i32
    %dma_start3A_249 = arith.constant 640 : i32
    %dma_start3A_250 = tpu.memref_slice %arg10[%dma_start3A_241, %dma_start3A_248, %dma_start3A_249] : memref<2x16x1024xf32, #tpu.memory_space<vmem>> -> memref<1x16x128xf32, #tpu.memory_space<vmem>>
    %dma_start3A_251 = tpu.memref_squeeze %dma_start3A_250 : memref<1x16x128xf32, #tpu.memory_space<vmem>> -> memref<16x128xf32, #tpu.memory_space<vmem>>
    %dma_start3A_252 = arith.constant 0 : i32
    %dma_start3A_253 = tpu.memref_slice %arg5[%dma_start3A_252, %multiple_of3A_227] : memref<16x1000000xf32, #tpu.memory_space<hbm>> -> memref<16x128xf32, #tpu.memory_space<hbm>>
    tpu.enqueue_dma source(%dma_start3A_253 : memref<16x128xf32, #tpu.memory_space<hbm>>) target(%dma_start3A_251 : memref<16x128xf32, #tpu.memory_space<vmem>>) target_semaphore(%arg12 : memref<!tpu.dma_semaphore, #tpu.memory_space<semaphore_mem>>)
    %slice3A_254 = vector.extract_strided_slice %get3A_17 {offsets = [6], sizes = [1], strides = [1]} : vector<16xi32> to vector<1xi32>
    %squeeze3A_255 = vector.extract %slice3A_254[0] : i32 from vector<1xi32>
    %slice3A_256 = vector.extract_strided_slice %get3A_19 {offsets = [6], sizes = [1], strides = [1]} : vector<16xi32> to vector<1xi32>
    %squeeze3A_257 = vector.extract %slice3A_256[0] : i32 from vector<1xi32>
    %shift_right_arithmetic3A_258 = arith.constant 7 : i32
    %shift_right_arithmetic3A_259 = arith.shrsi %squeeze3A_255, %shift_right_arithmetic3A_258 : i32
    %shift_left3A_260 = arith.constant 7 : i32
    %shift_left3A_261 = arith.shli %shift_right_arithmetic3A_259, %shift_left3A_260 : i32
    %multiple_of3A_262 = tpu.assume_multiple %shift_left3A_261, 128 : i32
    %shift_right_arithmetic3A_263 = arith.constant 7 : i32
    %shift_right_arithmetic3A_264 = arith.shrsi %squeeze3A_257, %shift_right_arithmetic3A_263 : i32
    %shift_left3A_265 = arith.constant 7 : i32
    %shift_left3A_266 = arith.shli %shift_right_arithmetic3A_264, %shift_left3A_265 : i32
    %multiple_of3A_267 = tpu.assume_multiple %shift_left3A_266, 128 : i32
    %dma_start3A_268 = arith.constant 0 : i32
    %dma_start3A_269 = arith.constant 0 : i32
    %dma_start3A_270 = arith.constant 768 : i32
    %dma_start3A_271 = tpu.memref_slice %arg9[%dma_start3A_268, %dma_start3A_269, %dma_start3A_270] : memref<2x16x1024xf32, #tpu.memory_space<vmem>> -> memref<1x16x128xf32, #tpu.memory_space<vmem>>
    %dma_start3A_272 = tpu.memref_squeeze %dma_start3A_271 : memref<1x16x128xf32, #tpu.memory_space<vmem>> -> memref<16x128xf32, #tpu.memory_space<vmem>>
    %dma_start3A_273 = arith.constant 0 : i32
    %dma_start3A_274 = tpu.memref_slice %arg4[%dma_start3A_273, %multiple_of3A_262] : memref<16x1000000xf32, #tpu.memory_space<hbm>> -> memref<16x128xf32, #tpu.memory_space<hbm>>
    %dma_start3A_275 = arith.constant 0 : i32
    %dma_start3A_276 = arith.constant 768 : i32
    %dma_start3A_277 = tpu.memref_slice %arg9[%dma_start3A_268, %dma_start3A_275, %dma_start3A_276] : memref<2x16x1024xf32, #tpu.memory_space<vmem>> -> memref<1x16x128xf32, #tpu.memory_space<vmem>>
    %dma_start3A_278 = tpu.memref_squeeze %dma_start3A_277 : memref<1x16x128xf32, #tpu.memory_space<vmem>> -> memref<16x128xf32, #tpu.memory_space<vmem>>
    %dma_start3A_279 = arith.constant 0 : i32
    %dma_start3A_280 = tpu.memref_slice %arg4[%dma_start3A_279, %multiple_of3A_262] : memref<16x1000000xf32, #tpu.memory_space<hbm>> -> memref<16x128xf32, #tpu.memory_space<hbm>>
    tpu.enqueue_dma source(%dma_start3A_280 : memref<16x128xf32, #tpu.memory_space<hbm>>) target(%dma_start3A_278 : memref<16x128xf32, #tpu.memory_space<vmem>>) target_semaphore(%arg12 : memref<!tpu.dma_semaphore, #tpu.memory_space<semaphore_mem>>)
    %dma_start3A_281 = arith.constant 0 : i32
    %dma_start3A_282 = arith.constant 0 : i32
    %dma_start3A_283 = arith.constant 768 : i32
    %dma_start3A_284 = tpu.memref_slice %arg10[%dma_start3A_281, %dma_start3A_282, %dma_start3A_283] : memref<2x16x1024xf32, #tpu.memory_space<vmem>> -> memref<1x16x128xf32, #tpu.memory_space<vmem>>
    %dma_start3A_285 = tpu.memref_squeeze %dma_start3A_284 : memref<1x16x128xf32, #tpu.memory_space<vmem>> -> memref<16x128xf32, #tpu.memory_space<vmem>>
    %dma_start3A_286 = arith.constant 0 : i32
    %dma_start3A_287 = tpu.memref_slice %arg5[%dma_start3A_286, %multiple_of3A_267] : memref<16x1000000xf32, #tpu.memory_space<hbm>> -> memref<16x128xf32, #tpu.memory_space<hbm>>
    %dma_start3A_288 = arith.constant 0 : i32
    %dma_start3A_289 = arith.constant 768 : i32
    %dma_start3A_290 = tpu.memref_slice %arg10[%dma_start3A_281, %dma_start3A_288, %dma_start3A_289] : memref<2x16x1024xf32, #tpu.memory_space<vmem>> -> memref<1x16x128xf32, #tpu.memory_space<vmem>>
    %dma_start3A_291 = tpu.memref_squeeze %dma_start3A_290 : memref<1x16x128xf32, #tpu.memory_space<vmem>> -> memref<16x128xf32, #tpu.memory_space<vmem>>
    %dma_start3A_292 = arith.constant 0 : i32
    %dma_start3A_293 = tpu.memref_slice %arg5[%dma_start3A_292, %multiple_of3A_267] : memref<16x1000000xf32, #tpu.memory_space<hbm>> -> memref<16x128xf32, #tpu.memory_space<hbm>>
    tpu.enqueue_dma source(%dma_start3A_293 : memref<16x128xf32, #tpu.memory_space<hbm>>) target(%dma_start3A_291 : memref<16x128xf32, #tpu.memory_space<vmem>>) target_semaphore(%arg12 : memref<!tpu.dma_semaphore, #tpu.memory_space<semaphore_mem>>)
    %slice3A_294 = vector.extract_strided_slice %get3A_17 {offsets = [7], sizes = [1], strides = [1]} : vector<16xi32> to vector<1xi32>
    %squeeze3A_295 = vector.extract %slice3A_294[0] : i32 from vector<1xi32>
    %slice3A_296 = vector.extract_strided_slice %get3A_19 {offsets = [7], sizes = [1], strides = [1]} : vector<16xi32> to vector<1xi32>
    %squeeze3A_297 = vector.extract %slice3A_296[0] : i32 from vector<1xi32>
    %shift_right_arithmetic3A_298 = arith.constant 7 : i32
    %shift_right_arithmetic3A_299 = arith.shrsi %squeeze3A_295, %shift_right_arithmetic3A_298 : i32
    %shift_left3A_300 = arith.constant 7 : i32
    %shift_left3A_301 = arith.shli %shift_right_arithmetic3A_299, %shift_left3A_300 : i32
    %multiple_of3A_302 = tpu.assume_multiple %shift_left3A_301, 128 : i32
    %shift_right_arithmetic3A_303 = arith.constant 7 : i32
    %shift_right_arithmetic3A_304 = arith.shrsi %squeeze3A_297, %shift_right_arithmetic3A_303 : i32
    %shift_left3A_305 = arith.constant 7 : i32
    %shift_left3A_306 = arith.shli %shift_right_arithmetic3A_304, %shift_left3A_305 : i32
    %multiple_of3A_307 = tpu.assume_multiple %shift_left3A_306, 128 : i32
    %dma_start3A_308 = arith.constant 0 : i32
    %dma_start3A_309 = arith.constant 0 : i32
    %dma_start3A_310 = arith.constant 896 : i32
    %dma_start3A_311 = tpu.memref_slice %arg9[%dma_start3A_308, %dma_start3A_309, %dma_start3A_310] : memref<2x16x1024xf32, #tpu.memory_space<vmem>> -> memref<1x16x128xf32, #tpu.memory_space<vmem>>
    %dma_start3A_312 = tpu.memref_squeeze %dma_start3A_311 : memref<1x16x128xf32, #tpu.memory_space<vmem>> -> memref<16x128xf32, #tpu.memory_space<vmem>>
    %dma_start3A_313 = arith.constant 0 : i32
    %dma_start3A_314 = tpu.memref_slice %arg4[%dma_start3A_313, %multiple_of3A_302] : memref<16x1000000xf32, #tpu.memory_space<hbm>> -> memref<16x128xf32, #tpu.memory_space<hbm>>
    %dma_start3A_315 = arith.constant 0 : i32
    %dma_start3A_316 = arith.constant 896 : i32
    %dma_start3A_317 = tpu.memref_slice %arg9[%dma_start3A_308, %dma_start3A_315, %dma_start3A_316] : memref<2x16x1024xf32, #tpu.memory_space<vmem>> -> memref<1x16x128xf32, #tpu.memory_space<vmem>>
    %dma_start3A_318 = tpu.memref_squeeze %dma_start3A_317 : memref<1x16x128xf32, #tpu.memory_space<vmem>> -> memref<16x128xf32, #tpu.memory_space<vmem>>
    %dma_start3A_319 = arith.constant 0 : i32
    %dma_start3A_320 = tpu.memref_slice %arg4[%dma_start3A_319, %multiple_of3A_302] : memref<16x1000000xf32, #tpu.memory_space<hbm>> -> memref<16x128xf32, #tpu.memory_space<hbm>>
    tpu.enqueue_dma source(%dma_start3A_320 : memref<16x128xf32, #tpu.memory_space<hbm>>) target(%dma_start3A_318 : memref<16x128xf32, #tpu.memory_space<vmem>>) target_semaphore(%arg12 : memref<!tpu.dma_semaphore, #tpu.memory_space<semaphore_mem>>)
    %dma_start3A_321 = arith.constant 0 : i32
    %dma_start3A_322 = arith.constant 0 : i32
    %dma_start3A_323 = arith.constant 896 : i32
    %dma_start3A_324 = tpu.memref_slice %arg10[%dma_start3A_321, %dma_start3A_322, %dma_start3A_323] : memref<2x16x1024xf32, #tpu.memory_space<vmem>> -> memref<1x16x128xf32, #tpu.memory_space<vmem>>
    %dma_start3A_325 = tpu.memref_squeeze %dma_start3A_324 : memref<1x16x128xf32, #tpu.memory_space<vmem>> -> memref<16x128xf32, #tpu.memory_space<vmem>>
    %dma_start3A_326 = arith.constant 0 : i32
    %dma_start3A_327 = tpu.memref_slice %arg5[%dma_start3A_326, %multiple_of3A_307] : memref<16x1000000xf32, #tpu.memory_space<hbm>> -> memref<16x128xf32, #tpu.memory_space<hbm>>
    %dma_start3A_328 = arith.constant 0 : i32
    %dma_start3A_329 = arith.constant 896 : i32
    %dma_start3A_330 = tpu.memref_slice %arg10[%dma_start3A_321, %dma_start3A_328, %dma_start3A_329] : memref<2x16x1024xf32, #tpu.memory_space<vmem>> -> memref<1x16x128xf32, #tpu.memory_space<vmem>>
    %dma_start3A_331 = tpu.memref_squeeze %dma_start3A_330 : memref<1x16x128xf32, #tpu.memory_space<vmem>> -> memref<16x128xf32, #tpu.memory_space<vmem>>
    %dma_start3A_332 = arith.constant 0 : i32
    %dma_start3A_333 = tpu.memref_slice %arg5[%dma_start3A_332, %multiple_of3A_307] : memref<16x1000000xf32, #tpu.memory_space<hbm>> -> memref<16x128xf32, #tpu.memory_space<hbm>>
    tpu.enqueue_dma source(%dma_start3A_333 : memref<16x128xf32, #tpu.memory_space<hbm>>) target(%dma_start3A_331 : memref<16x128xf32, #tpu.memory_space<vmem>>) target_semaphore(%arg12 : memref<!tpu.dma_semaphore, #tpu.memory_space<semaphore_mem>>)
    %slice3A_334 = vector.extract_strided_slice %get3A_17 {offsets = [8], sizes = [1], strides = [1]} : vector<16xi32> to vector<1xi32>
    %squeeze3A_335 = vector.extract %slice3A_334[0] : i32 from vector<1xi32>
    %slice3A_336 = vector.extract_strided_slice %get3A_19 {offsets = [8], sizes = [1], strides = [1]} : vector<16xi32> to vector<1xi32>
    %squeeze3A_337 = vector.extract %slice3A_336[0] : i32 from vector<1xi32>
    %shift_right_arithmetic3A_338 = arith.constant 7 : i32
    %shift_right_arithmetic3A_339 = arith.shrsi %squeeze3A_335, %shift_right_arithmetic3A_338 : i32
    %shift_left3A_340 = arith.constant 7 : i32
    %shift_left3A_341 = arith.shli %shift_right_arithmetic3A_339, %shift_left3A_340 : i32
    %multiple_of3A_342 = tpu.assume_multiple %shift_left3A_341, 128 : i32
    %shift_right_arithmetic3A_343 = arith.constant 7 : i32
    %shift_right_arithmetic3A_344 = arith.shrsi %squeeze3A_337, %shift_right_arithmetic3A_343 : i32
    %shift_left3A_345 = arith.constant 7 : i32
    %shift_left3A_346 = arith.shli %shift_right_arithmetic3A_344, %shift_left3A_345 : i32
    %multiple_of3A_347 = tpu.assume_multiple %shift_left3A_346, 128 : i32
    %dma_start3A_348 = arith.constant 1 : i32
    %dma_start3A_349 = arith.constant 0 : i32
    %dma_start3A_350 = arith.constant 0 : i32
    %dma_start3A_351 = tpu.memref_slice %arg9[%dma_start3A_348, %dma_start3A_349, %dma_start3A_350] : memref<2x16x1024xf32, #tpu.memory_space<vmem>> -> memref<1x16x128xf32, #tpu.memory_space<vmem>>
    %dma_start3A_352 = tpu.memref_squeeze %dma_start3A_351 : memref<1x16x128xf32, #tpu.memory_space<vmem>> -> memref<16x128xf32, #tpu.memory_space<vmem>>
    %dma_start3A_353 = arith.constant 0 : i32
    %dma_start3A_354 = tpu.memref_slice %arg4[%dma_start3A_353, %multiple_of3A_342] : memref<16x1000000xf32, #tpu.memory_space<hbm>> -> memref<16x128xf32, #tpu.memory_space<hbm>>
    %dma_start3A_355 = arith.constant 0 : i32
    %dma_start3A_356 = arith.constant 0 : i32
    %dma_start3A_357 = tpu.memref_slice %arg9[%dma_start3A_348, %dma_start3A_355, %dma_start3A_356] : memref<2x16x1024xf32, #tpu.memory_space<vmem>> -> memref<1x16x128xf32, #tpu.memory_space<vmem>>
    %dma_start3A_358 = tpu.memref_squeeze %dma_start3A_357 : memref<1x16x128xf32, #tpu.memory_space<vmem>> -> memref<16x128xf32, #tpu.memory_space<vmem>>
    %dma_start3A_359 = arith.constant 0 : i32
    %dma_start3A_360 = tpu.memref_slice %arg4[%dma_start3A_359, %multiple_of3A_342] : memref<16x1000000xf32, #tpu.memory_space<hbm>> -> memref<16x128xf32, #tpu.memory_space<hbm>>
    tpu.enqueue_dma source(%dma_start3A_360 : memref<16x128xf32, #tpu.memory_space<hbm>>) target(%dma_start3A_358 : memref<16x128xf32, #tpu.memory_space<vmem>>) target_semaphore(%arg13 : memref<!tpu.dma_semaphore, #tpu.memory_space<semaphore_mem>>)
    %dma_start3A_361 = arith.constant 1 : i32
    %dma_start3A_362 = arith.constant 0 : i32
    %dma_start3A_363 = arith.constant 0 : i32
    %dma_start3A_364 = tpu.memref_slice %arg10[%dma_start3A_361, %dma_start3A_362, %dma_start3A_363] : memref<2x16x1024xf32, #tpu.memory_space<vmem>> -> memref<1x16x128xf32, #tpu.memory_space<vmem>>
    %dma_start3A_365 = tpu.memref_squeeze %dma_start3A_364 : memref<1x16x128xf32, #tpu.memory_space<vmem>> -> memref<16x128xf32, #tpu.memory_space<vmem>>
    %dma_start3A_366 = arith.constant 0 : i32
    %dma_start3A_367 = tpu.memref_slice %arg5[%dma_start3A_366, %multiple_of3A_347] : memref<16x1000000xf32, #tpu.memory_space<hbm>> -> memref<16x128xf32, #tpu.memory_space<hbm>>
    %dma_start3A_368 = arith.constant 0 : i32
    %dma_start3A_369 = arith.constant 0 : i32
    %dma_start3A_370 = tpu.memref_slice %arg10[%dma_start3A_361, %dma_start3A_368, %dma_start3A_369] : memref<2x16x1024xf32, #tpu.memory_space<vmem>> -> memref<1x16x128xf32, #tpu.memory_space<vmem>>
    %dma_start3A_371 = tpu.memref_squeeze %dma_start3A_370 : memref<1x16x128xf32, #tpu.memory_space<vmem>> -> memref<16x128xf32, #tpu.memory_space<vmem>>
    %dma_start3A_372 = arith.constant 0 : i32
    %dma_start3A_373 = tpu.memref_slice %arg5[%dma_start3A_372, %multiple_of3A_347] : memref<16x1000000xf32, #tpu.memory_space<hbm>> -> memref<16x128xf32, #tpu.memory_space<hbm>>
    tpu.enqueue_dma source(%dma_start3A_373 : memref<16x128xf32, #tpu.memory_space<hbm>>) target(%dma_start3A_371 : memref<16x128xf32, #tpu.memory_space<vmem>>) target_semaphore(%arg13 : memref<!tpu.dma_semaphore, #tpu.memory_space<semaphore_mem>>)
    %slice3A_374 = vector.extract_strided_slice %get3A_17 {offsets = [9], sizes = [1], strides = [1]} : vector<16xi32> to vector<1xi32>
    %squeeze3A_375 = vector.extract %slice3A_374[0] : i32 from vector<1xi32>
    %slice3A_376 = vector.extract_strided_slice %get3A_19 {offsets = [9], sizes = [1], strides = [1]} : vector<16xi32> to vector<1xi32>
    %squeeze3A_377 = vector.extract %slice3A_376[0] : i32 from vector<1xi32>
    %shift_right_arithmetic3A_378 = arith.constant 7 : i32
    %shift_right_arithmetic3A_379 = arith.shrsi %squeeze3A_375, %shift_right_arithmetic3A_378 : i32
    %shift_left3A_380 = arith.constant 7 : i32
    %shift_left3A_381 = arith.shli %shift_right_arithmetic3A_379, %shift_left3A_380 : i32
    %multiple_of3A_382 = tpu.assume_multiple %shift_left3A_381, 128 : i32
    %shift_right_arithmetic3A_383 = arith.constant 7 : i32
    %shift_right_arithmetic3A_384 = arith.shrsi %squeeze3A_377, %shift_right_arithmetic3A_383 : i32
    %shift_left3A_385 = arith.constant 7 : i32
    %shift_left3A_386 = arith.shli %shift_right_arithmetic3A_384, %shift_left3A_385 : i32
    %multiple_of3A_387 = tpu.assume_multiple %shift_left3A_386, 128 : i32
    %dma_start3A_388 = arith.constant 1 : i32
    %dma_start3A_389 = arith.constant 0 : i32
    %dma_start3A_390 = arith.constant 128 : i32
    %dma_start3A_391 = tpu.memref_slice %arg9[%dma_start3A_388, %dma_start3A_389, %dma_start3A_390] : memref<2x16x1024xf32, #tpu.memory_space<vmem>> -> memref<1x16x128xf32, #tpu.memory_space<vmem>>
    %dma_start3A_392 = tpu.memref_squeeze %dma_start3A_391 : memref<1x16x128xf32, #tpu.memory_space<vmem>> -> memref<16x128xf32, #tpu.memory_space<vmem>>
    %dma_start3A_393 = arith.constant 0 : i32
    %dma_start3A_394 = tpu.memref_slice %arg4[%dma_start3A_393, %multiple_of3A_382] : memref<16x1000000xf32, #tpu.memory_space<hbm>> -> memref<16x128xf32, #tpu.memory_space<hbm>>
    %dma_start3A_395 = arith.constant 0 : i32
    %dma_start3A_396 = arith.constant 128 : i32
    %dma_start3A_397 = tpu.memref_slice %arg9[%dma_start3A_388, %dma_start3A_395, %dma_start3A_396] : memref<2x16x1024xf32, #tpu.memory_space<vmem>> -> memref<1x16x128xf32, #tpu.memory_space<vmem>>
    %dma_start3A_398 = tpu.memref_squeeze %dma_start3A_397 : memref<1x16x128xf32, #tpu.memory_space<vmem>> -> memref<16x128xf32, #tpu.memory_space<vmem>>
    %dma_start3A_399 = arith.constant 0 : i32
    %dma_start3A_400 = tpu.memref_slice %arg4[%dma_start3A_399, %multiple_of3A_382] : memref<16x1000000xf32, #tpu.memory_space<hbm>> -> memref<16x128xf32, #tpu.memory_space<hbm>>
    tpu.enqueue_dma source(%dma_start3A_400 : memref<16x128xf32, #tpu.memory_space<hbm>>) target(%dma_start3A_398 : memref<16x128xf32, #tpu.memory_space<vmem>>) target_semaphore(%arg13 : memref<!tpu.dma_semaphore, #tpu.memory_space<semaphore_mem>>)
    %dma_start3A_401 = arith.constant 1 : i32
    %dma_start3A_402 = arith.constant 0 : i32
    %dma_start3A_403 = arith.constant 128 : i32
    %dma_start3A_404 = tpu.memref_slice %arg10[%dma_start3A_401, %dma_start3A_402, %dma_start3A_403] : memref<2x16x1024xf32, #tpu.memory_space<vmem>> -> memref<1x16x128xf32, #tpu.memory_space<vmem>>
    %dma_start3A_405 = tpu.memref_squeeze %dma_start3A_404 : memref<1x16x128xf32, #tpu.memory_space<vmem>> -> memref<16x128xf32, #tpu.memory_space<vmem>>
    %dma_start3A_406 = arith.constant 0 : i32
    %dma_start3A_407 = tpu.memref_slice %arg5[%dma_start3A_406, %multiple_of3A_387] : memref<16x1000000xf32, #tpu.memory_space<hbm>> -> memref<16x128xf32, #tpu.memory_space<hbm>>
    %dma_start3A_408 = arith.constant 0 : i32
    %dma_start3A_409 = arith.constant 128 : i32
    %dma_start3A_410 = tpu.memref_slice %arg10[%dma_start3A_401, %dma_start3A_408, %dma_start3A_409] : memref<2x16x1024xf32, #tpu.memory_space<vmem>> -> memref<1x16x128xf32, #tpu.memory_space<vmem>>
    %dma_start3A_411 = tpu.memref_squeeze %dma_start3A_410 : memref<1x16x128xf32, #tpu.memory_space<vmem>> -> memref<16x128xf32, #tpu.memory_space<vmem>>
    %dma_start3A_412 = arith.constant 0 : i32
    %dma_start3A_413 = tpu.memref_slice %arg5[%dma_start3A_412, %multiple_of3A_387] : memref<16x1000000xf32, #tpu.memory_space<hbm>> -> memref<16x128xf32, #tpu.memory_space<hbm>>
    tpu.enqueue_dma source(%dma_start3A_413 : memref<16x128xf32, #tpu.memory_space<hbm>>) target(%dma_start3A_411 : memref<16x128xf32, #tpu.memory_space<vmem>>) target_semaphore(%arg13 : memref<!tpu.dma_semaphore, #tpu.memory_space<semaphore_mem>>)
    %slice3A_414 = vector.extract_strided_slice %get3A_17 {offsets = [10], sizes = [1], strides = [1]} : vector<16xi32> to vector<1xi32>
    %squeeze3A_415 = vector.extract %slice3A_414[0] : i32 from vector<1xi32>
    %slice3A_416 = vector.extract_strided_slice %get3A_19 {offsets = [10], sizes = [1], strides = [1]} : vector<16xi32> to vector<1xi32>
    %squeeze3A_417 = vector.extract %slice3A_416[0] : i32 from vector<1xi32>
    %shift_right_arithmetic3A_418 = arith.constant 7 : i32
    %shift_right_arithmetic3A_419 = arith.shrsi %squeeze3A_415, %shift_right_arithmetic3A_418 : i32
    %shift_left3A_420 = arith.constant 7 : i32
    %shift_left3A_421 = arith.shli %shift_right_arithmetic3A_419, %shift_left3A_420 : i32
    %multiple_of3A_422 = tpu.assume_multiple %shift_left3A_421, 128 : i32
    %shift_right_arithmetic3A_423 = arith.constant 7 : i32
    %shift_right_arithmetic3A_424 = arith.shrsi %squeeze3A_417, %shift_right_arithmetic3A_423 : i32
    %shift_left3A_425 = arith.constant 7 : i32
    %shift_left3A_426 = arith.shli %shift_right_arithmetic3A_424, %shift_left3A_425 : i32
    %multiple_of3A_427 = tpu.assume_multiple %shift_left3A_426, 128 : i32
    %dma_start3A_428 = arith.constant 1 : i32
    %dma_start3A_429 = arith.constant 0 : i32
    %dma_start3A_430 = arith.constant 256 : i32
    %dma_start3A_431 = tpu.memref_slice %arg9[%dma_start3A_428, %dma_start3A_429, %dma_start3A_430] : memref<2x16x1024xf32, #tpu.memory_space<vmem>> -> memref<1x16x128xf32, #tpu.memory_space<vmem>>
    %dma_start3A_432 = tpu.memref_squeeze %dma_start3A_431 : memref<1x16x128xf32, #tpu.memory_space<vmem>> -> memref<16x128xf32, #tpu.memory_space<vmem>>
    %dma_start3A_433 = arith.constant 0 : i32
    %dma_start3A_434 = tpu.memref_slice %arg4[%dma_start3A_433, %multiple_of3A_422] : memref<16x1000000xf32, #tpu.memory_space<hbm>> -> memref<16x128xf32, #tpu.memory_space<hbm>>
    %dma_start3A_435 = arith.constant 0 : i32
    %dma_start3A_436 = arith.constant 256 : i32
    %dma_start3A_437 = tpu.memref_slice %arg9[%dma_start3A_428, %dma_start3A_435, %dma_start3A_436] : memref<2x16x1024xf32, #tpu.memory_space<vmem>> -> memref<1x16x128xf32, #tpu.memory_space<vmem>>
    %dma_start3A_438 = tpu.memref_squeeze %dma_start3A_437 : memref<1x16x128xf32, #tpu.memory_space<vmem>> -> memref<16x128xf32, #tpu.memory_space<vmem>>
    %dma_start3A_439 = arith.constant 0 : i32
    %dma_start3A_440 = tpu.memref_slice %arg4[%dma_start3A_439, %multiple_of3A_422] : memref<16x1000000xf32, #tpu.memory_space<hbm>> -> memref<16x128xf32, #tpu.memory_space<hbm>>
    tpu.enqueue_dma source(%dma_start3A_440 : memref<16x128xf32, #tpu.memory_space<hbm>>) target(%dma_start3A_438 : memref<16x128xf32, #tpu.memory_space<vmem>>) target_semaphore(%arg13 : memref<!tpu.dma_semaphore, #tpu.memory_space<semaphore_mem>>)
    %dma_start3A_441 = arith.constant 1 : i32
    %dma_start3A_442 = arith.constant 0 : i32
    %dma_start3A_443 = arith.constant 256 : i32
    %dma_start3A_444 = tpu.memref_slice %arg10[%dma_start3A_441, %dma_start3A_442, %dma_start3A_443] : memref<2x16x1024xf32, #tpu.memory_space<vmem>> -> memref<1x16x128xf32, #tpu.memory_space<vmem>>
    %dma_start3A_445 = tpu.memref_squeeze %dma_start3A_444 : memref<1x16x128xf32, #tpu.memory_space<vmem>> -> memref<16x128xf32, #tpu.memory_space<vmem>>
    %dma_start3A_446 = arith.constant 0 : i32
    %dma_start3A_447 = tpu.memref_slice %arg5[%dma_start3A_446, %multiple_of3A_427] : memref<16x1000000xf32, #tpu.memory_space<hbm>> -> memref<16x128xf32, #tpu.memory_space<hbm>>
    %dma_start3A_448 = arith.constant 0 : i32
    %dma_start3A_449 = arith.constant 256 : i32
    %dma_start3A_450 = tpu.memref_slice %arg10[%dma_start3A_441, %dma_start3A_448, %dma_start3A_449] : memref<2x16x1024xf32, #tpu.memory_space<vmem>> -> memref<1x16x128xf32, #tpu.memory_space<vmem>>
    %dma_start3A_451 = tpu.memref_squeeze %dma_start3A_450 : memref<1x16x128xf32, #tpu.memory_space<vmem>> -> memref<16x128xf32, #tpu.memory_space<vmem>>
    %dma_start3A_452 = arith.constant 0 : i32
    %dma_start3A_453 = tpu.memref_slice %arg5[%dma_start3A_452, %multiple_of3A_427] : memref<16x1000000xf32, #tpu.memory_space<hbm>> -> memref<16x128xf32, #tpu.memory_space<hbm>>
    tpu.enqueue_dma source(%dma_start3A_453 : memref<16x128xf32, #tpu.memory_space<hbm>>) target(%dma_start3A_451 : memref<16x128xf32, #tpu.memory_space<vmem>>) target_semaphore(%arg13 : memref<!tpu.dma_semaphore, #tpu.memory_space<semaphore_mem>>)
    %slice3A_454 = vector.extract_strided_slice %get3A_17 {offsets = [11], sizes = [1], strides = [1]} : vector<16xi32> to vector<1xi32>
    %squeeze3A_455 = vector.extract %slice3A_454[0] : i32 from vector<1xi32>
    %slice3A_456 = vector.extract_strided_slice %get3A_19 {offsets = [11], sizes = [1], strides = [1]} : vector<16xi32> to vector<1xi32>
    %squeeze3A_457 = vector.extract %slice3A_456[0] : i32 from vector<1xi32>
    %shift_right_arithmetic3A_458 = arith.constant 7 : i32
    %shift_right_arithmetic3A_459 = arith.shrsi %squeeze3A_455, %shift_right_arithmetic3A_458 : i32
    %shift_left3A_460 = arith.constant 7 : i32
    %shift_left3A_461 = arith.shli %shift_right_arithmetic3A_459, %shift_left3A_460 : i32
    %multiple_of3A_462 = tpu.assume_multiple %shift_left3A_461, 128 : i32
    %shift_right_arithmetic3A_463 = arith.constant 7 : i32
    %shift_right_arithmetic3A_464 = arith.shrsi %squeeze3A_457, %shift_right_arithmetic3A_463 : i32
    %shift_left3A_465 = arith.constant 7 : i32
    %shift_left3A_466 = arith.shli %shift_right_arithmetic3A_464, %shift_left3A_465 : i32
    %multiple_of3A_467 = tpu.assume_multiple %shift_left3A_466, 128 : i32
    %dma_start3A_468 = arith.constant 1 : i32
    %dma_start3A_469 = arith.constant 0 : i32
    %dma_start3A_470 = arith.constant 384 : i32
    %dma_start3A_471 = tpu.memref_slice %arg9[%dma_start3A_468, %dma_start3A_469, %dma_start3A_470] : memref<2x16x1024xf32, #tpu.memory_space<vmem>> -> memref<1x16x128xf32, #tpu.memory_space<vmem>>
    %dma_start3A_472 = tpu.memref_squeeze %dma_start3A_471 : memref<1x16x128xf32, #tpu.memory_space<vmem>> -> memref<16x128xf32, #tpu.memory_space<vmem>>
    %dma_start3A_473 = arith.constant 0 : i32
    %dma_start3A_474 = tpu.memref_slice %arg4[%dma_start3A_473, %multiple_of3A_462] : memref<16x1000000xf32, #tpu.memory_space<hbm>> -> memref<16x128xf32, #tpu.memory_space<hbm>>
    %dma_start3A_475 = arith.constant 0 : i32
    %dma_start3A_476 = arith.constant 384 : i32
    %dma_start3A_477 = tpu.memref_slice %arg9[%dma_start3A_468, %dma_start3A_475, %dma_start3A_476] : memref<2x16x1024xf32, #tpu.memory_space<vmem>> -> memref<1x16x128xf32, #tpu.memory_space<vmem>>
    %dma_start3A_478 = tpu.memref_squeeze %dma_start3A_477 : memref<1x16x128xf32, #tpu.memory_space<vmem>> -> memref<16x128xf32, #tpu.memory_space<vmem>>
    %dma_start3A_479 = arith.constant 0 : i32
    %dma_start3A_480 = tpu.memref_slice %arg4[%dma_start3A_479, %multiple_of3A_462] : memref<16x1000000xf32, #tpu.memory_space<hbm>> -> memref<16x128xf32, #tpu.memory_space<hbm>>
    tpu.enqueue_dma source(%dma_start3A_480 : memref<16x128xf32, #tpu.memory_space<hbm>>) target(%dma_start3A_478 : memref<16x128xf32, #tpu.memory_space<vmem>>) target_semaphore(%arg13 : memref<!tpu.dma_semaphore, #tpu.memory_space<semaphore_mem>>)
    %dma_start3A_481 = arith.constant 1 : i32
    %dma_start3A_482 = arith.constant 0 : i32
    %dma_start3A_483 = arith.constant 384 : i32
    %dma_start3A_484 = tpu.memref_slice %arg10[%dma_start3A_481, %dma_start3A_482, %dma_start3A_483] : memref<2x16x1024xf32, #tpu.memory_space<vmem>> -> memref<1x16x128xf32, #tpu.memory_space<vmem>>
    %dma_start3A_485 = tpu.memref_squeeze %dma_start3A_484 : memref<1x16x128xf32, #tpu.memory_space<vmem>> -> memref<16x128xf32, #tpu.memory_space<vmem>>
    %dma_start3A_486 = arith.constant 0 : i32
    %dma_start3A_487 = tpu.memref_slice %arg5[%dma_start3A_486, %multiple_of3A_467] : memref<16x1000000xf32, #tpu.memory_space<hbm>> -> memref<16x128xf32, #tpu.memory_space<hbm>>
    %dma_start3A_488 = arith.constant 0 : i32
    %dma_start3A_489 = arith.constant 384 : i32
    %dma_start3A_490 = tpu.memref_slice %arg10[%dma_start3A_481, %dma_start3A_488, %dma_start3A_489] : memref<2x16x1024xf32, #tpu.memory_space<vmem>> -> memref<1x16x128xf32, #tpu.memory_space<vmem>>
    %dma_start3A_491 = tpu.memref_squeeze %dma_start3A_490 : memref<1x16x128xf32, #tpu.memory_space<vmem>> -> memref<16x128xf32, #tpu.memory_space<vmem>>
    %dma_start3A_492 = arith.constant 0 : i32
    %dma_start3A_493 = tpu.memref_slice %arg5[%dma_start3A_492, %multiple_of3A_467] : memref<16x1000000xf32, #tpu.memory_space<hbm>> -> memref<16x128xf32, #tpu.memory_space<hbm>>
    tpu.enqueue_dma source(%dma_start3A_493 : memref<16x128xf32, #tpu.memory_space<hbm>>) target(%dma_start3A_491 : memref<16x128xf32, #tpu.memory_space<vmem>>) target_semaphore(%arg13 : memref<!tpu.dma_semaphore, #tpu.memory_space<semaphore_mem>>)
    %slice3A_494 = vector.extract_strided_slice %get3A_17 {offsets = [12], sizes = [1], strides = [1]} : vector<16xi32> to vector<1xi32>
    %squeeze3A_495 = vector.extract %slice3A_494[0] : i32 from vector<1xi32>
    %slice3A_496 = vector.extract_strided_slice %get3A_19 {offsets = [12], sizes = [1], strides = [1]} : vector<16xi32> to vector<1xi32>
    %squeeze3A_497 = vector.extract %slice3A_496[0] : i32 from vector<1xi32>
    %shift_right_arithmetic3A_498 = arith.constant 7 : i32
    %shift_right_arithmetic3A_499 = arith.shrsi %squeeze3A_495, %shift_right_arithmetic3A_498 : i32
    %shift_left3A_500 = arith.constant 7 : i32
    %shift_left3A_501 = arith.shli %shift_right_arithmetic3A_499, %shift_left3A_500 : i32
    %multiple_of3A_502 = tpu.assume_multiple %shift_left3A_501, 128 : i32
    %shift_right_arithmetic3A_503 = arith.constant 7 : i32
    %shift_right_arithmetic3A_504 = arith.shrsi %squeeze3A_497, %shift_right_arithmetic3A_503 : i32
    %shift_left3A_505 = arith.constant 7 : i32
    %shift_left3A_506 = arith.shli %shift_right_arithmetic3A_504, %shift_left3A_505 : i32
    %multiple_of3A_507 = tpu.assume_multiple %shift_left3A_506, 128 : i32
    %dma_start3A_508 = arith.constant 1 : i32
    %dma_start3A_509 = arith.constant 0 : i32
    %dma_start3A_510 = arith.constant 512 : i32
    %dma_start3A_511 = tpu.memref_slice %arg9[%dma_start3A_508, %dma_start3A_509, %dma_start3A_510] : memref<2x16x1024xf32, #tpu.memory_space<vmem>> -> memref<1x16x128xf32, #tpu.memory_space<vmem>>
    %dma_start3A_512 = tpu.memref_squeeze %dma_start3A_511 : memref<1x16x128xf32, #tpu.memory_space<vmem>> -> memref<16x128xf32, #tpu.memory_space<vmem>>
    %dma_start3A_513 = arith.constant 0 : i32
    %dma_start3A_514 = tpu.memref_slice %arg4[%dma_start3A_513, %multiple_of3A_502] : memref<16x1000000xf32, #tpu.memory_space<hbm>> -> memref<16x128xf32, #tpu.memory_space<hbm>>
    %dma_start3A_515 = arith.constant 0 : i32
    %dma_start3A_516 = arith.constant 512 : i32
    %dma_start3A_517 = tpu.memref_slice %arg9[%dma_start3A_508, %dma_start3A_515, %dma_start3A_516] : memref<2x16x1024xf32, #tpu.memory_space<vmem>> -> memref<1x16x128xf32, #tpu.memory_space<vmem>>
    %dma_start3A_518 = tpu.memref_squeeze %dma_start3A_517 : memref<1x16x128xf32, #tpu.memory_space<vmem>> -> memref<16x128xf32, #tpu.memory_space<vmem>>
    %dma_start3A_519 = arith.constant 0 : i32
    %dma_start3A_520 = tpu.memref_slice %arg4[%dma_start3A_519, %multiple_of3A_502] : memref<16x1000000xf32, #tpu.memory_space<hbm>> -> memref<16x128xf32, #tpu.memory_space<hbm>>
    tpu.enqueue_dma source(%dma_start3A_520 : memref<16x128xf32, #tpu.memory_space<hbm>>) target(%dma_start3A_518 : memref<16x128xf32, #tpu.memory_space<vmem>>) target_semaphore(%arg13 : memref<!tpu.dma_semaphore, #tpu.memory_space<semaphore_mem>>)
    %dma_start3A_521 = arith.constant 1 : i32
    %dma_start3A_522 = arith.constant 0 : i32
    %dma_start3A_523 = arith.constant 512 : i32
    %dma_start3A_524 = tpu.memref_slice %arg10[%dma_start3A_521, %dma_start3A_522, %dma_start3A_523] : memref<2x16x1024xf32, #tpu.memory_space<vmem>> -> memref<1x16x128xf32, #tpu.memory_space<vmem>>
    %dma_start3A_525 = tpu.memref_squeeze %dma_start3A_524 : memref<1x16x128xf32, #tpu.memory_space<vmem>> -> memref<16x128xf32, #tpu.memory_space<vmem>>
    %dma_start3A_526 = arith.constant 0 : i32
    %dma_start3A_527 = tpu.memref_slice %arg5[%dma_start3A_526, %multiple_of3A_507] : memref<16x1000000xf32, #tpu.memory_space<hbm>> -> memref<16x128xf32, #tpu.memory_space<hbm>>
    %dma_start3A_528 = arith.constant 0 : i32
    %dma_start3A_529 = arith.constant 512 : i32
    %dma_start3A_530 = tpu.memref_slice %arg10[%dma_start3A_521, %dma_start3A_528, %dma_start3A_529] : memref<2x16x1024xf32, #tpu.memory_space<vmem>> -> memref<1x16x128xf32, #tpu.memory_space<vmem>>
    %dma_start3A_531 = tpu.memref_squeeze %dma_start3A_530 : memref<1x16x128xf32, #tpu.memory_space<vmem>> -> memref<16x128xf32, #tpu.memory_space<vmem>>
    %dma_start3A_532 = arith.constant 0 : i32
    %dma_start3A_533 = tpu.memref_slice %arg5[%dma_start3A_532, %multiple_of3A_507] : memref<16x1000000xf32, #tpu.memory_space<hbm>> -> memref<16x128xf32, #tpu.memory_space<hbm>>
    tpu.enqueue_dma source(%dma_start3A_533 : memref<16x128xf32, #tpu.memory_space<hbm>>) target(%dma_start3A_531 : memref<16x128xf32, #tpu.memory_space<vmem>>) target_semaphore(%arg13 : memref<!tpu.dma_semaphore, #tpu.memory_space<semaphore_mem>>)
    %slice3A_534 = vector.extract_strided_slice %get3A_17 {offsets = [13], sizes = [1], strides = [1]} : vector<16xi32> to vector<1xi32>
    %squeeze3A_535 = vector.extract %slice3A_534[0] : i32 from vector<1xi32>
    %slice3A_536 = vector.extract_strided_slice %get3A_19 {offsets = [13], sizes = [1], strides = [1]} : vector<16xi32> to vector<1xi32>
    %squeeze3A_537 = vector.extract %slice3A_536[0] : i32 from vector<1xi32>
    %shift_right_arithmetic3A_538 = arith.constant 7 : i32
    %shift_right_arithmetic3A_539 = arith.shrsi %squeeze3A_535, %shift_right_arithmetic3A_538 : i32
    %shift_left3A_540 = arith.constant 7 : i32
    %shift_left3A_541 = arith.shli %shift_right_arithmetic3A_539, %shift_left3A_540 : i32
    %multiple_of3A_542 = tpu.assume_multiple %shift_left3A_541, 128 : i32
    %shift_right_arithmetic3A_543 = arith.constant 7 : i32
    %shift_right_arithmetic3A_544 = arith.shrsi %squeeze3A_537, %shift_right_arithmetic3A_543 : i32
    %shift_left3A_545 = arith.constant 7 : i32
    %shift_left3A_546 = arith.shli %shift_right_arithmetic3A_544, %shift_left3A_545 : i32
    %multiple_of3A_547 = tpu.assume_multiple %shift_left3A_546, 128 : i32
    %dma_start3A_548 = arith.constant 1 : i32
    %dma_start3A_549 = arith.constant 0 : i32
    %dma_start3A_550 = arith.constant 640 : i32
    %dma_start3A_551 = tpu.memref_slice %arg9[%dma_start3A_548, %dma_start3A_549, %dma_start3A_550] : memref<2x16x1024xf32, #tpu.memory_space<vmem>> -> memref<1x16x128xf32, #tpu.memory_space<vmem>>
    %dma_start3A_552 = tpu.memref_squeeze %dma_start3A_551 : memref<1x16x128xf32, #tpu.memory_space<vmem>> -> memref<16x128xf32, #tpu.memory_space<vmem>>
    %dma_start3A_553 = arith.constant 0 : i32
    %dma_start3A_554 = tpu.memref_slice %arg4[%dma_start3A_553, %multiple_of3A_542] : memref<16x1000000xf32, #tpu.memory_space<hbm>> -> memref<16x128xf32, #tpu.memory_space<hbm>>
    %dma_start3A_555 = arith.constant 0 : i32
    %dma_start3A_556 = arith.constant 640 : i32
    %dma_start3A_557 = tpu.memref_slice %arg9[%dma_start3A_548, %dma_start3A_555, %dma_start3A_556] : memref<2x16x1024xf32, #tpu.memory_space<vmem>> -> memref<1x16x128xf32, #tpu.memory_space<vmem>>
    %dma_start3A_558 = tpu.memref_squeeze %dma_start3A_557 : memref<1x16x128xf32, #tpu.memory_space<vmem>> -> memref<16x128xf32, #tpu.memory_space<vmem>>
    %dma_start3A_559 = arith.constant 0 : i32
    %dma_start3A_560 = tpu.memref_slice %arg4[%dma_start3A_559, %multiple_of3A_542] : memref<16x1000000xf32, #tpu.memory_space<hbm>> -> memref<16x128xf32, #tpu.memory_space<hbm>>
    tpu.enqueue_dma source(%dma_start3A_560 : memref<16x128xf32, #tpu.memory_space<hbm>>) target(%dma_start3A_558 : memref<16x128xf32, #tpu.memory_space<vmem>>) target_semaphore(%arg13 : memref<!tpu.dma_semaphore, #tpu.memory_space<semaphore_mem>>)
    %dma_start3A_561 = arith.constant 1 : i32
    %dma_start3A_562 = arith.constant 0 : i32
    %dma_start3A_563 = arith.constant 640 : i32
    %dma_start3A_564 = tpu.memref_slice %arg10[%dma_start3A_561, %dma_start3A_562, %dma_start3A_563] : memref<2x16x1024xf32, #tpu.memory_space<vmem>> -> memref<1x16x128xf32, #tpu.memory_space<vmem>>
    %dma_start3A_565 = tpu.memref_squeeze %dma_start3A_564 : memref<1x16x128xf32, #tpu.memory_space<vmem>> -> memref<16x128xf32, #tpu.memory_space<vmem>>
    %dma_start3A_566 = arith.constant 0 : i32
    %dma_start3A_567 = tpu.memref_slice %arg5[%dma_start3A_566, %multiple_of3A_547] : memref<16x1000000xf32, #tpu.memory_space<hbm>> -> memref<16x128xf32, #tpu.memory_space<hbm>>
    %dma_start3A_568 = arith.constant 0 : i32
    %dma_start3A_569 = arith.constant 640 : i32
    %dma_start3A_570 = tpu.memref_slice %arg10[%dma_start3A_561, %dma_start3A_568, %dma_start3A_569] : memref<2x16x1024xf32, #tpu.memory_space<vmem>> -> memref<1x16x128xf32, #tpu.memory_space<vmem>>
    %dma_start3A_571 = tpu.memref_squeeze %dma_start3A_570 : memref<1x16x128xf32, #tpu.memory_space<vmem>> -> memref<16x128xf32, #tpu.memory_space<vmem>>
    %dma_start3A_572 = arith.constant 0 : i32
    %dma_start3A_573 = tpu.memref_slice %arg5[%dma_start3A_572, %multiple_of3A_547] : memref<16x1000000xf32, #tpu.memory_space<hbm>> -> memref<16x128xf32, #tpu.memory_space<hbm>>
    tpu.enqueue_dma source(%dma_start3A_573 : memref<16x128xf32, #tpu.memory_space<hbm>>) target(%dma_start3A_571 : memref<16x128xf32, #tpu.memory_space<vmem>>) target_semaphore(%arg13 : memref<!tpu.dma_semaphore, #tpu.memory_space<semaphore_mem>>)
    %slice3A_574 = vector.extract_strided_slice %get3A_17 {offsets = [14], sizes = [1], strides = [1]} : vector<16xi32> to vector<1xi32>
    %squeeze3A_575 = vector.extract %slice3A_574[0] : i32 from vector<1xi32>
    %slice3A_576 = vector.extract_strided_slice %get3A_19 {offsets = [14], sizes = [1], strides = [1]} : vector<16xi32> to vector<1xi32>
    %squeeze3A_577 = vector.extract %slice3A_576[0] : i32 from vector<1xi32>
    %shift_right_arithmetic3A_578 = arith.constant 7 : i32
    %shift_right_arithmetic3A_579 = arith.shrsi %squeeze3A_575, %shift_right_arithmetic3A_578 : i32
    %shift_left3A_580 = arith.constant 7 : i32
    %shift_left3A_581 = arith.shli %shift_right_arithmetic3A_579, %shift_left3A_580 : i32
    %multiple_of3A_582 = tpu.assume_multiple %shift_left3A_581, 128 : i32
    %shift_right_arithmetic3A_583 = arith.constant 7 : i32
    %shift_right_arithmetic3A_584 = arith.shrsi %squeeze3A_577, %shift_right_arithmetic3A_583 : i32
    %shift_left3A_585 = arith.constant 7 : i32
    %shift_left3A_586 = arith.shli %shift_right_arithmetic3A_584, %shift_left3A_585 : i32
    %multiple_of3A_587 = tpu.assume_multiple %shift_left3A_586, 128 : i32
    %dma_start3A_588 = arith.constant 1 : i32
    %dma_start3A_589 = arith.constant 0 : i32
    %dma_start3A_590 = arith.constant 768 : i32
    %dma_start3A_591 = tpu.memref_slice %arg9[%dma_start3A_588, %dma_start3A_589, %dma_start3A_590] : memref<2x16x1024xf32, #tpu.memory_space<vmem>> -> memref<1x16x128xf32, #tpu.memory_space<vmem>>
    %dma_start3A_592 = tpu.memref_squeeze %dma_start3A_591 : memref<1x16x128xf32, #tpu.memory_space<vmem>> -> memref<16x128xf32, #tpu.memory_space<vmem>>
    %dma_start3A_593 = arith.constant 0 : i32
    %dma_start3A_594 = tpu.memref_slice %arg4[%dma_start3A_593, %multiple_of3A_582] : memref<16x1000000xf32, #tpu.memory_space<hbm>> -> memref<16x128xf32, #tpu.memory_space<hbm>>
    %dma_start3A_595 = arith.constant 0 : i32
    %dma_start3A_596 = arith.constant 768 : i32
    %dma_start3A_597 = tpu.memref_slice %arg9[%dma_start3A_588, %dma_start3A_595, %dma_start3A_596] : memref<2x16x1024xf32, #tpu.memory_space<vmem>> -> memref<1x16x128xf32, #tpu.memory_space<vmem>>
    %dma_start3A_598 = tpu.memref_squeeze %dma_start3A_597 : memref<1x16x128xf32, #tpu.memory_space<vmem>> -> memref<16x128xf32, #tpu.memory_space<vmem>>
    %dma_start3A_599 = arith.constant 0 : i32
    %dma_start3A_600 = tpu.memref_slice %arg4[%dma_start3A_599, %multiple_of3A_582] : memref<16x1000000xf32, #tpu.memory_space<hbm>> -> memref<16x128xf32, #tpu.memory_space<hbm>>
    tpu.enqueue_dma source(%dma_start3A_600 : memref<16x128xf32, #tpu.memory_space<hbm>>) target(%dma_start3A_598 : memref<16x128xf32, #tpu.memory_space<vmem>>) target_semaphore(%arg13 : memref<!tpu.dma_semaphore, #tpu.memory_space<semaphore_mem>>)
    %dma_start3A_601 = arith.constant 1 : i32
    %dma_start3A_602 = arith.constant 0 : i32
    %dma_start3A_603 = arith.constant 768 : i32
    %dma_start3A_604 = tpu.memref_slice %arg10[%dma_start3A_601, %dma_start3A_602, %dma_start3A_603] : memref<2x16x1024xf32, #tpu.memory_space<vmem>> -> memref<1x16x128xf32, #tpu.memory_space<vmem>>
    %dma_start3A_605 = tpu.memref_squeeze %dma_start3A_604 : memref<1x16x128xf32, #tpu.memory_space<vmem>> -> memref<16x128xf32, #tpu.memory_space<vmem>>
    %dma_start3A_606 = arith.constant 0 : i32
    %dma_start3A_607 = tpu.memref_slice %arg5[%dma_start3A_606, %multiple_of3A_587] : memref<16x1000000xf32, #tpu.memory_space<hbm>> -> memref<16x128xf32, #tpu.memory_space<hbm>>
    %dma_start3A_608 = arith.constant 0 : i32
    %dma_start3A_609 = arith.constant 768 : i32
    %dma_start3A_610 = tpu.memref_slice %arg10[%dma_start3A_601, %dma_start3A_608, %dma_start3A_609] : memref<2x16x1024xf32, #tpu.memory_space<vmem>> -> memref<1x16x128xf32, #tpu.memory_space<vmem>>
    %dma_start3A_611 = tpu.memref_squeeze %dma_start3A_610 : memref<1x16x128xf32, #tpu.memory_space<vmem>> -> memref<16x128xf32, #tpu.memory_space<vmem>>
    %dma_start3A_612 = arith.constant 0 : i32
    %dma_start3A_613 = tpu.memref_slice %arg5[%dma_start3A_612, %multiple_of3A_587] : memref<16x1000000xf32, #tpu.memory_space<hbm>> -> memref<16x128xf32, #tpu.memory_space<hbm>>
    tpu.enqueue_dma source(%dma_start3A_613 : memref<16x128xf32, #tpu.memory_space<hbm>>) target(%dma_start3A_611 : memref<16x128xf32, #tpu.memory_space<vmem>>) target_semaphore(%arg13 : memref<!tpu.dma_semaphore, #tpu.memory_space<semaphore_mem>>)
    %slice3A_614 = vector.extract_strided_slice %get3A_17 {offsets = [15], sizes = [1], strides = [1]} : vector<16xi32> to vector<1xi32>
    %squeeze3A_615 = vector.extract %slice3A_614[0] : i32 from vector<1xi32>
    %slice3A_616 = vector.extract_strided_slice %get3A_19 {offsets = [15], sizes = [1], strides = [1]} : vector<16xi32> to vector<1xi32>
    %squeeze3A_617 = vector.extract %slice3A_616[0] : i32 from vector<1xi32>
    %shift_right_arithmetic3A_618 = arith.constant 7 : i32
    %shift_right_arithmetic3A_619 = arith.shrsi %squeeze3A_615, %shift_right_arithmetic3A_618 : i32
    %shift_left3A_620 = arith.constant 7 : i32
    %shift_left3A_621 = arith.shli %shift_right_arithmetic3A_619, %shift_left3A_620 : i32
    %multiple_of3A_622 = tpu.assume_multiple %shift_left3A_621, 128 : i32
    %shift_right_arithmetic3A_623 = arith.constant 7 : i32
    %shift_right_arithmetic3A_624 = arith.shrsi %squeeze3A_617, %shift_right_arithmetic3A_623 : i32
    %shift_left3A_625 = arith.constant 7 : i32
    %shift_left3A_626 = arith.shli %shift_right_arithmetic3A_624, %shift_left3A_625 : i32
    %multiple_of3A_627 = tpu.assume_multiple %shift_left3A_626, 128 : i32
    %dma_start3A_628 = arith.constant 1 : i32
    %dma_start3A_629 = arith.constant 0 : i32
    %dma_start3A_630 = arith.constant 896 : i32
    %dma_start3A_631 = tpu.memref_slice %arg9[%dma_start3A_628, %dma_start3A_629, %dma_start3A_630] : memref<2x16x1024xf32, #tpu.memory_space<vmem>> -> memref<1x16x128xf32, #tpu.memory_space<vmem>>
    %dma_start3A_632 = tpu.memref_squeeze %dma_start3A_631 : memref<1x16x128xf32, #tpu.memory_space<vmem>> -> memref<16x128xf32, #tpu.memory_space<vmem>>
    %dma_start3A_633 = arith.constant 0 : i32
    %dma_start3A_634 = tpu.memref_slice %arg4[%dma_start3A_633, %multiple_of3A_622] : memref<16x1000000xf32, #tpu.memory_space<hbm>> -> memref<16x128xf32, #tpu.memory_space<hbm>>
    %dma_start3A_635 = arith.constant 0 : i32
    %dma_start3A_636 = arith.constant 896 : i32
    %dma_start3A_637 = tpu.memref_slice %arg9[%dma_start3A_628, %dma_start3A_635, %dma_start3A_636] : memref<2x16x1024xf32, #tpu.memory_space<vmem>> -> memref<1x16x128xf32, #tpu.memory_space<vmem>>
    %dma_start3A_638 = tpu.memref_squeeze %dma_start3A_637 : memref<1x16x128xf32, #tpu.memory_space<vmem>> -> memref<16x128xf32, #tpu.memory_space<vmem>>
    %dma_start3A_639 = arith.constant 0 : i32
    %dma_start3A_640 = tpu.memref_slice %arg4[%dma_start3A_639, %multiple_of3A_622] : memref<16x1000000xf32, #tpu.memory_space<hbm>> -> memref<16x128xf32, #tpu.memory_space<hbm>>
    tpu.enqueue_dma source(%dma_start3A_640 : memref<16x128xf32, #tpu.memory_space<hbm>>) target(%dma_start3A_638 : memref<16x128xf32, #tpu.memory_space<vmem>>) target_semaphore(%arg13 : memref<!tpu.dma_semaphore, #tpu.memory_space<semaphore_mem>>)
    %dma_start3A_641 = arith.constant 1 : i32
    %dma_start3A_642 = arith.constant 0 : i32
    %dma_start3A_643 = arith.constant 896 : i32
    %dma_start3A_644 = tpu.memref_slice %arg10[%dma_start3A_641, %dma_start3A_642, %dma_start3A_643] : memref<2x16x1024xf32, #tpu.memory_space<vmem>> -> memref<1x16x128xf32, #tpu.memory_space<vmem>>
    %dma_start3A_645 = tpu.memref_squeeze %dma_start3A_644 : memref<1x16x128xf32, #tpu.memory_space<vmem>> -> memref<16x128xf32, #tpu.memory_space<vmem>>
    %dma_start3A_646 = arith.constant 0 : i32
    %dma_start3A_647 = tpu.memref_slice %arg5[%dma_start3A_646, %multiple_of3A_627] : memref<16x1000000xf32, #tpu.memory_space<hbm>> -> memref<16x128xf32, #tpu.memory_space<hbm>>
    %dma_start3A_648 = arith.constant 0 : i32
    %dma_start3A_649 = arith.constant 896 : i32
    %dma_start3A_650 = tpu.memref_slice %arg10[%dma_start3A_641, %dma_start3A_648, %dma_start3A_649] : memref<2x16x1024xf32, #tpu.memory_space<vmem>> -> memref<1x16x128xf32, #tpu.memory_space<vmem>>
    %dma_start3A_651 = tpu.memref_squeeze %dma_start3A_650 : memref<1x16x128xf32, #tpu.memory_space<vmem>> -> memref<16x128xf32, #tpu.memory_space<vmem>>
    %dma_start3A_652 = arith.constant 0 : i32
    %dma_start3A_653 = tpu.memref_slice %arg5[%dma_start3A_652, %multiple_of3A_627] : memref<16x1000000xf32, #tpu.memory_space<hbm>> -> memref<16x128xf32, #tpu.memory_space<hbm>>
    tpu.enqueue_dma source(%dma_start3A_653 : memref<16x128xf32, #tpu.memory_space<hbm>>) target(%dma_start3A_651 : memref<16x128xf32, #tpu.memory_space<vmem>>) target_semaphore(%arg13 : memref<!tpu.dma_semaphore, #tpu.memory_space<semaphore_mem>>)
    %scan3A = arith.constant 0 : i32
    %scan3A_654 = arith.constant 0 : i32
    %scan3A_655 = arith.constant 32 : i32
    %scan3A_656 = arith.addi %scan3A_654, %scan3A_655 : i32
    %scan3A_657 = arith.constant 1 : i32
    scf.for %scan3A_659 = %scan3A_654 to %scan3A_656 step %scan3A_657  : i32 {
      %mul3A_660 = arith.constant 16 : i32
      %mul3A_661 = arith.muli %scan3A_659, %mul3A_660 : i32
      %get3A_662 = arith.index_cast %mul3A_661 : i32 to index
      %get3A_663 = tpu.vector_load %arg7[%get3A_662] {strides = array<i32>} : memref<512xi32, #tpu.memory_space<vmem>>, vector<16xi32>,
      %get3A_664 = arith.index_cast %mul3A_661 : i32 to index
      %get3A_665 = tpu.vector_load %arg8[%get3A_664] {strides = array<i32>} : memref<512xi32, #tpu.memory_space<vmem>>, vector<16xi32>,
      %add3A_666 = arith.constant 1 : i32
      %add3A_667 = arith.addi %scan3A_659, %add3A_666 : i32
      %min3A = arith.constant 31 : i32
      %min3A_668 = arith.minsi %add3A_667, %min3A : i32
      %mul3A_669 = arith.constant 16 : i32
      %mul3A_670 = arith.muli %min3A_668, %mul3A_669 : i32
      %get3A_671 = arith.index_cast %mul3A_670 : i32 to index
      %get3A_672 = tpu.vector_load %arg7[%get3A_671] {strides = array<i32>} : memref<512xi32, #tpu.memory_space<vmem>>, vector<16xi32>,
      %get3A_673 = arith.index_cast %mul3A_670 : i32 to index
      %get3A_674 = tpu.vector_load %arg8[%get3A_673] {strides = array<i32>} : memref<512xi32, #tpu.memory_space<vmem>>, vector<16xi32>,
      %ge3A = arith.constant 31 : i32
      %ge3A_675 = arith.cmpi sge, %scan3A_659, %ge3A : i32
      %dma_wait3A = arith.constant 0 : i32
      %dma_wait3A_676 = arith.constant 0 : i32
      %dma_wait3A_677 = arith.constant 0 : i32
      %dma_wait3A_678 = tpu.memref_slice %arg9[%dma_wait3A, %dma_wait3A_676, %dma_wait3A_677] : memref<2x16x1024xf32, #tpu.memory_space<vmem>> -> memref<1x16x1024xf32, #tpu.memory_space<vmem>>
      %dma_wait3A_679 = tpu.memref_squeeze %dma_wait3A_678 : memref<1x16x1024xf32, #tpu.memory_space<vmem>> -> memref<16x1024xf32, #tpu.memory_space<vmem>>
      %dma_wait3A_680 = arith.constant 0 : i32
      %dma_wait3A_681 = arith.constant 0 : i32
      %dma_wait3A_682 = tpu.memref_slice %arg4[%dma_wait3A_680, %dma_wait3A_681] : memref<16x1000000xf32, #tpu.memory_space<hbm>> -> memref<16x1024xf32, #tpu.memory_space<hbm>>
      %dma_wait3A_683 = arith.constant 0 : i32
      %dma_wait3A_684 = arith.constant 0 : i32
      %dma_wait3A_685 = tpu.memref_slice %arg9[%dma_wait3A, %dma_wait3A_683, %dma_wait3A_684] : memref<2x16x1024xf32, #tpu.memory_space<vmem>> -> memref<1x16x1024xf32, #tpu.memory_space<vmem>>
      %dma_wait3A_686 = tpu.memref_squeeze %dma_wait3A_685 : memref<1x16x1024xf32, #tpu.memory_space<vmem>> -> memref<16x1024xf32, #tpu.memory_space<vmem>>
      %dma_wait3A_687 = arith.constant 0 : i32
      %dma_wait3A_688 = arith.constant 0 : i32
      %dma_wait3A_689 = tpu.memref_slice %arg4[%dma_wait3A_687, %dma_wait3A_688] : memref<16x1000000xf32, #tpu.memory_space<hbm>> -> memref<16x1024xf32, #tpu.memory_space<hbm>>
      tpu.wait_dma2 semaphore(%arg12 : memref<!tpu.dma_semaphore, #tpu.memory_space<semaphore_mem>>) src(%dma_wait3A_689 : memref<16x1024xf32, #tpu.memory_space<hbm>>) dst(%dma_wait3A_686 : memref<16x1024xf32, #tpu.memory_space<vmem>>)
      %dma_wait3A_690 = arith.constant 0 : i32
      %dma_wait3A_691 = arith.constant 0 : i32
      %dma_wait3A_692 = arith.constant 0 : i32
      %dma_wait3A_693 = tpu.memref_slice %arg10[%dma_wait3A_690, %dma_wait3A_691, %dma_wait3A_692] : memref<2x16x1024xf32, #tpu.memory_space<vmem>> -> memref<1x16x1024xf32, #tpu.memory_space<vmem>>
      %dma_wait3A_694 = tpu.memref_squeeze %dma_wait3A_693 : memref<1x16x1024xf32, #tpu.memory_space<vmem>> -> memref<16x1024xf32, #tpu.memory_space<vmem>>
      %dma_wait3A_695 = arith.constant 0 : i32
      %dma_wait3A_696 = arith.constant 0 : i32
      %dma_wait3A_697 = tpu.memref_slice %arg5[%dma_wait3A_695, %dma_wait3A_696] : memref<16x1000000xf32, #tpu.memory_space<hbm>> -> memref<16x1024xf32, #tpu.memory_space<hbm>>
      %dma_wait3A_698 = arith.constant 0 : i32
      %dma_wait3A_699 = arith.constant 0 : i32
      %dma_wait3A_700 = tpu.memref_slice %arg10[%dma_wait3A_690, %dma_wait3A_698, %dma_wait3A_699] : memref<2x16x1024xf32, #tpu.memory_space<vmem>> -> memref<1x16x1024xf32, #tpu.memory_space<vmem>>
      %dma_wait3A_701 = tpu.memref_squeeze %dma_wait3A_700 : memref<1x16x1024xf32, #tpu.memory_space<vmem>> -> memref<16x1024xf32, #tpu.memory_space<vmem>>
      %dma_wait3A_702 = arith.constant 0 : i32
      %dma_wait3A_703 = arith.constant 0 : i32
      %dma_wait3A_704 = tpu.memref_slice %arg5[%dma_wait3A_702, %dma_wait3A_703] : memref<16x1000000xf32, #tpu.memory_space<hbm>> -> memref<16x1024xf32, #tpu.memory_space<hbm>>
      tpu.wait_dma2 semaphore(%arg12 : memref<!tpu.dma_semaphore, #tpu.memory_space<semaphore_mem>>) src(%dma_wait3A_704 : memref<16x1024xf32, #tpu.memory_space<hbm>>) dst(%dma_wait3A_701 : memref<16x1024xf32, #tpu.memory_space<vmem>>)
      %broadcast_in_dim3A = arith.constant 0.000000e+00 : f32
      %broadcast_in_dim3A_705 = vector.broadcast %broadcast_in_dim3A : f32 to vector<16xf32>
      %slice3A_706 = vector.extract_strided_slice %get3A_663 {offsets = [0], sizes = [1], strides = [1]} : vector<16xi32> to vector<1xi32>
      %squeeze3A_707 = vector.extract %slice3A_706[0] : i32 from vector<1xi32>
      %slice3A_708 = vector.extract_strided_slice %get3A_665 {offsets = [0], sizes = [1], strides = [1]} : vector<16xi32> to vector<1xi32>
      %squeeze3A_709 = vector.extract %slice3A_708[0] : i32 from vector<1xi32>
      %broadcast_in_dim3A_710 = arith.constant 0 : i32
      %broadcast_in_dim3A_711 = vector.broadcast %broadcast_in_dim3A_710 : i32 to vector<16xi32>
      %and3A = arith.constant 127 : i32
      %and3A_712 = arith.andi %squeeze3A_707, %and3A : i32
      %add3A_713 = vector.broadcast %and3A_712 : i32 to vector<16xi32>
      %add3A_714 = arith.addi %broadcast_in_dim3A_711, %add3A_713 : vector<16xi32>
      %broadcast_in_dim3A_715 = arith.constant 0 : i32
      %broadcast_in_dim3A_716 = vector.broadcast %broadcast_in_dim3A_715 : i32 to vector<16xi32>
      %and3A_717 = arith.constant 127 : i32
      %and3A_718 = arith.andi %squeeze3A_709, %and3A_717 : i32
      %add3A_719 = vector.broadcast %and3A_718 : i32 to vector<16xi32>
      %add3A_720 = arith.addi %broadcast_in_dim3A_716, %add3A_719 : vector<16xi32>
      %gather3A = arith.constant 0 : i32
      %gather3A_721 = arith.constant 0 : i32
      %gather3A_722 = arith.constant 0 : i32
      %gather3A_723 = tpu.memref_slice %arg9[%gather3A, %gather3A_721, %gather3A_722] : memref<2x16x1024xf32, #tpu.memory_space<vmem>> -> memref<1x16x1024xf32, #tpu.memory_space<vmem>>
      %gather3A_724 = tpu.memref_squeeze %gather3A_723 : memref<1x16x1024xf32, #tpu.memory_space<vmem>> -> memref<16x1024xf32, #tpu.memory_space<vmem>>
      %gather3A_725 = tpu.vector_load_idx %gather3A_724[%iota3A, %add3A_714] : memref<16x1024xf32, #tpu.memory_space<vmem>>[vector<16xi32>, vector<16xi32>], vector<16xf32>,
      %gather3A_726 = arith.constant 0 : i32
      %gather3A_727 = arith.constant 0 : i32
      %gather3A_728 = arith.constant 0 : i32
      %gather3A_729 = tpu.memref_slice %arg10[%gather3A_726, %gather3A_727, %gather3A_728] : memref<2x16x1024xf32, #tpu.memory_space<vmem>> -> memref<1x16x1024xf32, #tpu.memory_space<vmem>>
      %gather3A_730 = tpu.memref_squeeze %gather3A_729 : memref<1x16x1024xf32, #tpu.memory_space<vmem>> -> memref<16x1024xf32, #tpu.memory_space<vmem>>
      %gather3A_731 = tpu.vector_load_idx %gather3A_730[%iota3A, %add3A_720] : memref<16x1024xf32, #tpu.memory_space<vmem>>[vector<16xi32>, vector<16xi32>], vector<16xf32>,
      %mul3A_732 = arith.mulf %gather3A_725, %gather3A_731 : vector<16xf32>
      %gather3A_733 = vector.shape_cast %reshape3A : vector<16x1xi32> to vector<16xi32>
      %gather3A_734 = tpu.dynamic_gather %mul3A_732[%gather3A_733] in [0] : vector<16xf32>, vector<16xi32> -> vector<16xf32>
      %add3A_735 = arith.addf %mul3A_732, %gather3A_734 : vector<16xf32>
      %gather3A_736 = vector.shape_cast %reshape3A_8 : vector<16x1xi32> to vector<16xi32>
      %gather3A_737 = tpu.dynamic_gather %add3A_735[%gather3A_736] in [0] : vector<16xf32>, vector<16xi32> -> vector<16xf32>
      %add3A_738 = arith.addf %add3A_735, %gather3A_737 : vector<16xf32>
      %gather3A_739 = vector.shape_cast %reshape3A_12 : vector<16x1xi32> to vector<16xi32>
      %gather3A_740 = tpu.dynamic_gather %add3A_738[%gather3A_739] in [0] : vector<16xf32>, vector<16xi32> -> vector<16xf32>
      %add3A_741 = arith.addf %add3A_738, %gather3A_740 : vector<16xf32>
      %gather3A_742 = vector.shape_cast %reshape3A_16 : vector<16x1xi32> to vector<16xi32>
      %gather3A_743 = tpu.dynamic_gather %add3A_741[%gather3A_742] in [0] : vector<16xf32>, vector<16xi32> -> vector<16xf32>
      %add3A_744 = arith.addf %add3A_741, %gather3A_743 : vector<16xf32>
      %eq3A = arith.constant 0 : i32
      %eq3A_745 = vector.broadcast %eq3A : i32 to vector<16xi32>
      %eq3A_746 = arith.cmpi eq, %iota3A, %eq3A_745 : vector<16xi32>
      %select_n3A = arith.select %eq3A_746, %add3A_744, %broadcast_in_dim3A_705 : vector<16xi1>, vector<16xf32>
      %slice3A_747 = vector.extract_strided_slice %get3A_663 {offsets = [1], sizes = [1], strides = [1]} : vector<16xi32> to vector<1xi32>
      %squeeze3A_748 = vector.extract %slice3A_747[0] : i32 from vector<1xi32>
      %slice3A_749 = vector.extract_strided_slice %get3A_665 {offsets = [1], sizes = [1], strides = [1]} : vector<16xi32> to vector<1xi32>
      %squeeze3A_750 = vector.extract %slice3A_749[0] : i32 from vector<1xi32>
      %broadcast_in_dim3A_751 = arith.constant 128 : i32
      %broadcast_in_dim3A_752 = vector.broadcast %broadcast_in_dim3A_751 : i32 to vector<16xi32>
      %and3A_753 = arith.constant 127 : i32
      %and3A_754 = arith.andi %squeeze3A_748, %and3A_753 : i32
      %add3A_755 = vector.broadcast %and3A_754 : i32 to vector<16xi32>
      %add3A_756 = arith.addi %broadcast_in_dim3A_752, %add3A_755 : vector<16xi32>
      %broadcast_in_dim3A_757 = arith.constant 128 : i32
      %broadcast_in_dim3A_758 = vector.broadcast %broadcast_in_dim3A_757 : i32 to vector<16xi32>
      %and3A_759 = arith.constant 127 : i32
      %and3A_760 = arith.andi %squeeze3A_750, %and3A_759 : i32
      %add3A_761 = vector.broadcast %and3A_760 : i32 to vector<16xi32>
      %add3A_762 = arith.addi %broadcast_in_dim3A_758, %add3A_761 : vector<16xi32>
      %gather3A_763 = arith.constant 0 : i32
      %gather3A_764 = arith.constant 0 : i32
      %gather3A_765 = arith.constant 0 : i32
      %gather3A_766 = tpu.memref_slice %arg9[%gather3A_763, %gather3A_764, %gather3A_765] : memref<2x16x1024xf32, #tpu.memory_space<vmem>> -> memref<1x16x1024xf32, #tpu.memory_space<vmem>>
      %gather3A_767 = tpu.memref_squeeze %gather3A_766 : memref<1x16x1024xf32, #tpu.memory_space<vmem>> -> memref<16x1024xf32, #tpu.memory_space<vmem>>
      %gather3A_768 = tpu.vector_load_idx %gather3A_767[%iota3A, %add3A_756] : memref<16x1024xf32, #tpu.memory_space<vmem>>[vector<16xi32>, vector<16xi32>], vector<16xf32>,
      %gather3A_769 = arith.constant 0 : i32
      %gather3A_770 = arith.constant 0 : i32
      %gather3A_771 = arith.constant 0 : i32
      %gather3A_772 = tpu.memref_slice %arg10[%gather3A_769, %gather3A_770, %gather3A_771] : memref<2x16x1024xf32, #tpu.memory_space<vmem>> -> memref<1x16x1024xf32, #tpu.memory_space<vmem>>
      %gather3A_773 = tpu.memref_squeeze %gather3A_772 : memref<1x16x1024xf32, #tpu.memory_space<vmem>> -> memref<16x1024xf32, #tpu.memory_space<vmem>>
      %gather3A_774 = tpu.vector_load_idx %gather3A_773[%iota3A, %add3A_762] : memref<16x1024xf32, #tpu.memory_space<vmem>>[vector<16xi32>, vector<16xi32>], vector<16xf32>,
      %mul3A_775 = arith.mulf %gather3A_768, %gather3A_774 : vector<16xf32>
      %gather3A_776 = vector.shape_cast %reshape3A : vector<16x1xi32> to vector<16xi32>
      %gather3A_777 = tpu.dynamic_gather %mul3A_775[%gather3A_776] in [0] : vector<16xf32>, vector<16xi32> -> vector<16xf32>
      %add3A_778 = arith.addf %mul3A_775, %gather3A_777 : vector<16xf32>
      %gather3A_779 = vector.shape_cast %reshape3A_8 : vector<16x1xi32> to vector<16xi32>
      %gather3A_780 = tpu.dynamic_gather %add3A_778[%gather3A_779] in [0] : vector<16xf32>, vector<16xi32> -> vector<16xf32>
      %add3A_781 = arith.addf %add3A_778, %gather3A_780 : vector<16xf32>
      %gather3A_782 = vector.shape_cast %reshape3A_12 : vector<16x1xi32> to vector<16xi32>
      %gather3A_783 = tpu.dynamic_gather %add3A_781[%gather3A_782] in [0] : vector<16xf32>, vector<16xi32> -> vector<16xf32>
      %add3A_784 = arith.addf %add3A_781, %gather3A_783 : vector<16xf32>
      %gather3A_785 = vector.shape_cast %reshape3A_16 : vector<16x1xi32> to vector<16xi32>
      %gather3A_786 = tpu.dynamic_gather %add3A_784[%gather3A_785] in [0] : vector<16xf32>, vector<16xi32> -> vector<16xf32>
      %add3A_787 = arith.addf %add3A_784, %gather3A_786 : vector<16xf32>
      %eq3A_788 = arith.constant 1 : i32
      %eq3A_789 = vector.broadcast %eq3A_788 : i32 to vector<16xi32>
      %eq3A_790 = arith.cmpi eq, %iota3A, %eq3A_789 : vector<16xi32>
      %select_n3A_791 = arith.select %eq3A_790, %add3A_787, %select_n3A : vector<16xi1>, vector<16xf32>
      %slice3A_792 = vector.extract_strided_slice %get3A_663 {offsets = [2], sizes = [1], strides = [1]} : vector<16xi32> to vector<1xi32>
      %squeeze3A_793 = vector.extract %slice3A_792[0] : i32 from vector<1xi32>
      %slice3A_794 = vector.extract_strided_slice %get3A_665 {offsets = [2], sizes = [1], strides = [1]} : vector<16xi32> to vector<1xi32>
      %squeeze3A_795 = vector.extract %slice3A_794[0] : i32 from vector<1xi32>
      %broadcast_in_dim3A_796 = arith.constant 256 : i32
      %broadcast_in_dim3A_797 = vector.broadcast %broadcast_in_dim3A_796 : i32 to vector<16xi32>
      %and3A_798 = arith.constant 127 : i32
      %and3A_799 = arith.andi %squeeze3A_793, %and3A_798 : i32
      %add3A_800 = vector.broadcast %and3A_799 : i32 to vector<16xi32>
      %add3A_801 = arith.addi %broadcast_in_dim3A_797, %add3A_800 : vector<16xi32>
      %broadcast_in_dim3A_802 = arith.constant 256 : i32
      %broadcast_in_dim3A_803 = vector.broadcast %broadcast_in_dim3A_802 : i32 to vector<16xi32>
      %and3A_804 = arith.constant 127 : i32
      %and3A_805 = arith.andi %squeeze3A_795, %and3A_804 : i32
      %add3A_806 = vector.broadcast %and3A_805 : i32 to vector<16xi32>
      %add3A_807 = arith.addi %broadcast_in_dim3A_803, %add3A_806 : vector<16xi32>
      %gather3A_808 = arith.constant 0 : i32
      %gather3A_809 = arith.constant 0 : i32
      %gather3A_810 = arith.constant 0 : i32
      %gather3A_811 = tpu.memref_slice %arg9[%gather3A_808, %gather3A_809, %gather3A_810] : memref<2x16x1024xf32, #tpu.memory_space<vmem>> -> memref<1x16x1024xf32, #tpu.memory_space<vmem>>
      %gather3A_812 = tpu.memref_squeeze %gather3A_811 : memref<1x16x1024xf32, #tpu.memory_space<vmem>> -> memref<16x1024xf32, #tpu.memory_space<vmem>>
      %gather3A_813 = tpu.vector_load_idx %gather3A_812[%iota3A, %add3A_801] : memref<16x1024xf32, #tpu.memory_space<vmem>>[vector<16xi32>, vector<16xi32>], vector<16xf32>,
      %gather3A_814 = arith.constant 0 : i32
      %gather3A_815 = arith.constant 0 : i32
      %gather3A_816 = arith.constant 0 : i32
      %gather3A_817 = tpu.memref_slice %arg10[%gather3A_814, %gather3A_815, %gather3A_816] : memref<2x16x1024xf32, #tpu.memory_space<vmem>> -> memref<1x16x1024xf32, #tpu.memory_space<vmem>>
      %gather3A_818 = tpu.memref_squeeze %gather3A_817 : memref<1x16x1024xf32, #tpu.memory_space<vmem>> -> memref<16x1024xf32, #tpu.memory_space<vmem>>
      %gather3A_819 = tpu.vector_load_idx %gather3A_818[%iota3A, %add3A_807] : memref<16x1024xf32, #tpu.memory_space<vmem>>[vector<16xi32>, vector<16xi32>], vector<16xf32>,
      %mul3A_820 = arith.mulf %gather3A_813, %gather3A_819 : vector<16xf32>
      %gather3A_821 = vector.shape_cast %reshape3A : vector<16x1xi32> to vector<16xi32>
      %gather3A_822 = tpu.dynamic_gather %mul3A_820[%gather3A_821] in [0] : vector<16xf32>, vector<16xi32> -> vector<16xf32>
      %add3A_823 = arith.addf %mul3A_820, %gather3A_822 : vector<16xf32>
      %gather3A_824 = vector.shape_cast %reshape3A_8 : vector<16x1xi32> to vector<16xi32>
      %gather3A_825 = tpu.dynamic_gather %add3A_823[%gather3A_824] in [0] : vector<16xf32>, vector<16xi32> -> vector<16xf32>
      %add3A_826 = arith.addf %add3A_823, %gather3A_825 : vector<16xf32>
      %gather3A_827 = vector.shape_cast %reshape3A_12 : vector<16x1xi32> to vector<16xi32>
      %gather3A_828 = tpu.dynamic_gather %add3A_826[%gather3A_827] in [0] : vector<16xf32>, vector<16xi32> -> vector<16xf32>
      %add3A_829 = arith.addf %add3A_826, %gather3A_828 : vector<16xf32>
      %gather3A_830 = vector.shape_cast %reshape3A_16 : vector<16x1xi32> to vector<16xi32>
      %gather3A_831 = tpu.dynamic_gather %add3A_829[%gather3A_830] in [0] : vector<16xf32>, vector<16xi32> -> vector<16xf32>
      %add3A_832 = arith.addf %add3A_829, %gather3A_831 : vector<16xf32>
      %eq3A_833 = arith.constant 2 : i32
      %eq3A_834 = vector.broadcast %eq3A_833 : i32 to vector<16xi32>
      %eq3A_835 = arith.cmpi eq, %iota3A, %eq3A_834 : vector<16xi32>
      %select_n3A_836 = arith.select %eq3A_835, %add3A_832, %select_n3A_791 : vector<16xi1>, vector<16xf32>
      %slice3A_837 = vector.extract_strided_slice %get3A_663 {offsets = [3], sizes = [1], strides = [1]} : vector<16xi32> to vector<1xi32>
      %squeeze3A_838 = vector.extract %slice3A_837[0] : i32 from vector<1xi32>
      %slice3A_839 = vector.extract_strided_slice %get3A_665 {offsets = [3], sizes = [1], strides = [1]} : vector<16xi32> to vector<1xi32>
      %squeeze3A_840 = vector.extract %slice3A_839[0] : i32 from vector<1xi32>
      %broadcast_in_dim3A_841 = arith.constant 384 : i32
      %broadcast_in_dim3A_842 = vector.broadcast %broadcast_in_dim3A_841 : i32 to vector<16xi32>
      %and3A_843 = arith.constant 127 : i32
      %and3A_844 = arith.andi %squeeze3A_838, %and3A_843 : i32
      %add3A_845 = vector.broadcast %and3A_844 : i32 to vector<16xi32>
      %add3A_846 = arith.addi %broadcast_in_dim3A_842, %add3A_845 : vector<16xi32>
      %broadcast_in_dim3A_847 = arith.constant 384 : i32
      %broadcast_in_dim3A_848 = vector.broadcast %broadcast_in_dim3A_847 : i32 to vector<16xi32>
      %and3A_849 = arith.constant 127 : i32
      %and3A_850 = arith.andi %squeeze3A_840, %and3A_849 : i32
      %add3A_851 = vector.broadcast %and3A_850 : i32 to vector<16xi32>
      %add3A_852 = arith.addi %broadcast_in_dim3A_848, %add3A_851 : vector<16xi32>
      %gather3A_853 = arith.constant 0 : i32
      %gather3A_854 = arith.constant 0 : i32
      %gather3A_855 = arith.constant 0 : i32
      %gather3A_856 = tpu.memref_slice %arg9[%gather3A_853, %gather3A_854, %gather3A_855] : memref<2x16x1024xf32, #tpu.memory_space<vmem>> -> memref<1x16x1024xf32, #tpu.memory_space<vmem>>
      %gather3A_857 = tpu.memref_squeeze %gather3A_856 : memref<1x16x1024xf32, #tpu.memory_space<vmem>> -> memref<16x1024xf32, #tpu.memory_space<vmem>>
      %gather3A_858 = tpu.vector_load_idx %gather3A_857[%iota3A, %add3A_846] : memref<16x1024xf32, #tpu.memory_space<vmem>>[vector<16xi32>, vector<16xi32>], vector<16xf32>,
      %gather3A_859 = arith.constant 0 : i32
      %gather3A_860 = arith.constant 0 : i32
      %gather3A_861 = arith.constant 0 : i32
      %gather3A_862 = tpu.memref_slice %arg10[%gather3A_859, %gather3A_860, %gather3A_861] : memref<2x16x1024xf32, #tpu.memory_space<vmem>> -> memref<1x16x1024xf32, #tpu.memory_space<vmem>>
      %gather3A_863 = tpu.memref_squeeze %gather3A_862 : memref<1x16x1024xf32, #tpu.memory_space<vmem>> -> memref<16x1024xf32, #tpu.memory_space<vmem>>
      %gather3A_864 = tpu.vector_load_idx %gather3A_863[%iota3A, %add3A_852] : memref<16x1024xf32, #tpu.memory_space<vmem>>[vector<16xi32>, vector<16xi32>], vector<16xf32>,
      %mul3A_865 = arith.mulf %gather3A_858, %gather3A_864 : vector<16xf32>
      %gather3A_866 = vector.shape_cast %reshape3A : vector<16x1xi32> to vector<16xi32>
      %gather3A_867 = tpu.dynamic_gather %mul3A_865[%gather3A_866] in [0] : vector<16xf32>, vector<16xi32> -> vector<16xf32>
      %add3A_868 = arith.addf %mul3A_865, %gather3A_867 : vector<16xf32>
      %gather3A_869 = vector.shape_cast %reshape3A_8 : vector<16x1xi32> to vector<16xi32>
      %gather3A_870 = tpu.dynamic_gather %add3A_868[%gather3A_869] in [0] : vector<16xf32>, vector<16xi32> -> vector<16xf32>
      %add3A_871 = arith.addf %add3A_868, %gather3A_870 : vector<16xf32>
      %gather3A_872 = vector.shape_cast %reshape3A_12 : vector<16x1xi32> to vector<16xi32>
      %gather3A_873 = tpu.dynamic_gather %add3A_871[%gather3A_872] in [0] : vector<16xf32>, vector<16xi32> -> vector<16xf32>
      %add3A_874 = arith.addf %add3A_871, %gather3A_873 : vector<16xf32>
      %gather3A_875 = vector.shape_cast %reshape3A_16 : vector<16x1xi32> to vector<16xi32>
      %gather3A_876 = tpu.dynamic_gather %add3A_874[%gather3A_875] in [0] : vector<16xf32>, vector<16xi32> -> vector<16xf32>
      %add3A_877 = arith.addf %add3A_874, %gather3A_876 : vector<16xf32>
      %eq3A_878 = arith.constant 3 : i32
      %eq3A_879 = vector.broadcast %eq3A_878 : i32 to vector<16xi32>
      %eq3A_880 = arith.cmpi eq, %iota3A, %eq3A_879 : vector<16xi32>
      %select_n3A_881 = arith.select %eq3A_880, %add3A_877, %select_n3A_836 : vector<16xi1>, vector<16xf32>
      %slice3A_882 = vector.extract_strided_slice %get3A_663 {offsets = [4], sizes = [1], strides = [1]} : vector<16xi32> to vector<1xi32>
      %squeeze3A_883 = vector.extract %slice3A_882[0] : i32 from vector<1xi32>
      %slice3A_884 = vector.extract_strided_slice %get3A_665 {offsets = [4], sizes = [1], strides = [1]} : vector<16xi32> to vector<1xi32>
      %squeeze3A_885 = vector.extract %slice3A_884[0] : i32 from vector<1xi32>
      %broadcast_in_dim3A_886 = arith.constant 512 : i32
      %broadcast_in_dim3A_887 = vector.broadcast %broadcast_in_dim3A_886 : i32 to vector<16xi32>
      %and3A_888 = arith.constant 127 : i32
      %and3A_889 = arith.andi %squeeze3A_883, %and3A_888 : i32
      %add3A_890 = vector.broadcast %and3A_889 : i32 to vector<16xi32>
      %add3A_891 = arith.addi %broadcast_in_dim3A_887, %add3A_890 : vector<16xi32>
      %broadcast_in_dim3A_892 = arith.constant 512 : i32
      %broadcast_in_dim3A_893 = vector.broadcast %broadcast_in_dim3A_892 : i32 to vector<16xi32>
      %and3A_894 = arith.constant 127 : i32
      %and3A_895 = arith.andi %squeeze3A_885, %and3A_894 : i32
      %add3A_896 = vector.broadcast %and3A_895 : i32 to vector<16xi32>
      %add3A_897 = arith.addi %broadcast_in_dim3A_893, %add3A_896 : vector<16xi32>
      %gather3A_898 = arith.constant 0 : i32
      %gather3A_899 = arith.constant 0 : i32
      %gather3A_900 = arith.constant 0 : i32
      %gather3A_901 = tpu.memref_slice %arg9[%gather3A_898, %gather3A_899, %gather3A_900] : memref<2x16x1024xf32, #tpu.memory_space<vmem>> -> memref<1x16x1024xf32, #tpu.memory_space<vmem>>
      %gather3A_902 = tpu.memref_squeeze %gather3A_901 : memref<1x16x1024xf32, #tpu.memory_space<vmem>> -> memref<16x1024xf32, #tpu.memory_space<vmem>>
      %gather3A_903 = tpu.vector_load_idx %gather3A_902[%iota3A, %add3A_891] : memref<16x1024xf32, #tpu.memory_space<vmem>>[vector<16xi32>, vector<16xi32>], vector<16xf32>,
      %gather3A_904 = arith.constant 0 : i32
      %gather3A_905 = arith.constant 0 : i32
      %gather3A_906 = arith.constant 0 : i32
      %gather3A_907 = tpu.memref_slice %arg10[%gather3A_904, %gather3A_905, %gather3A_906] : memref<2x16x1024xf32, #tpu.memory_space<vmem>> -> memref<1x16x1024xf32, #tpu.memory_space<vmem>>
      %gather3A_908 = tpu.memref_squeeze %gather3A_907 : memref<1x16x1024xf32, #tpu.memory_space<vmem>> -> memref<16x1024xf32, #tpu.memory_space<vmem>>
      %gather3A_909 = tpu.vector_load_idx %gather3A_908[%iota3A, %add3A_897] : memref<16x1024xf32, #tpu.memory_space<vmem>>[vector<16xi32>, vector<16xi32>], vector<16xf32>,
      %mul3A_910 = arith.mulf %gather3A_903, %gather3A_909 : vector<16xf32>
      %gather3A_911 = vector.shape_cast %reshape3A : vector<16x1xi32> to vector<16xi32>
      %gather3A_912 = tpu.dynamic_gather %mul3A_910[%gather3A_911] in [0] : vector<16xf32>, vector<16xi32> -> vector<16xf32>
      %add3A_913 = arith.addf %mul3A_910, %gather3A_912 : vector<16xf32>
      %gather3A_914 = vector.shape_cast %reshape3A_8 : vector<16x1xi32> to vector<16xi32>
      %gather3A_915 = tpu.dynamic_gather %add3A_913[%gather3A_914] in [0] : vector<16xf32>, vector<16xi32> -> vector<16xf32>
      %add3A_916 = arith.addf %add3A_913, %gather3A_915 : vector<16xf32>
      %gather3A_917 = vector.shape_cast %reshape3A_12 : vector<16x1xi32> to vector<16xi32>
      %gather3A_918 = tpu.dynamic_gather %add3A_916[%gather3A_917] in [0] : vector<16xf32>, vector<16xi32> -> vector<16xf32>
      %add3A_919 = arith.addf %add3A_916, %gather3A_918 : vector<16xf32>
      %gather3A_920 = vector.shape_cast %reshape3A_16 : vector<16x1xi32> to vector<16xi32>
      %gather3A_921 = tpu.dynamic_gather %add3A_919[%gather3A_920] in [0] : vector<16xf32>, vector<16xi32> -> vector<16xf32>
      %add3A_922 = arith.addf %add3A_919, %gather3A_921 : vector<16xf32>
      %eq3A_923 = arith.constant 4 : i32
      %eq3A_924 = vector.broadcast %eq3A_923 : i32 to vector<16xi32>
      %eq3A_925 = arith.cmpi eq, %iota3A, %eq3A_924 : vector<16xi32>
      %select_n3A_926 = arith.select %eq3A_925, %add3A_922, %select_n3A_881 : vector<16xi1>, vector<16xf32>
      %slice3A_927 = vector.extract_strided_slice %get3A_663 {offsets = [5], sizes = [1], strides = [1]} : vector<16xi32> to vector<1xi32>
      %squeeze3A_928 = vector.extract %slice3A_927[0] : i32 from vector<1xi32>
      %slice3A_929 = vector.extract_strided_slice %get3A_665 {offsets = [5], sizes = [1], strides = [1]} : vector<16xi32> to vector<1xi32>
      %squeeze3A_930 = vector.extract %slice3A_929[0] : i32 from vector<1xi32>
      %broadcast_in_dim3A_931 = arith.constant 640 : i32
      %broadcast_in_dim3A_932 = vector.broadcast %broadcast_in_dim3A_931 : i32 to vector<16xi32>
      %and3A_933 = arith.constant 127 : i32
      %and3A_934 = arith.andi %squeeze3A_928, %and3A_933 : i32
      %add3A_935 = vector.broadcast %and3A_934 : i32 to vector<16xi32>
      %add3A_936 = arith.addi %broadcast_in_dim3A_932, %add3A_935 : vector<16xi32>
      %broadcast_in_dim3A_937 = arith.constant 640 : i32
      %broadcast_in_dim3A_938 = vector.broadcast %broadcast_in_dim3A_937 : i32 to vector<16xi32>
      %and3A_939 = arith.constant 127 : i32
      %and3A_940 = arith.andi %squeeze3A_930, %and3A_939 : i32
      %add3A_941 = vector.broadcast %and3A_940 : i32 to vector<16xi32>
      %add3A_942 = arith.addi %broadcast_in_dim3A_938, %add3A_941 : vector<16xi32>
      %gather3A_943 = arith.constant 0 : i32
      %gather3A_944 = arith.constant 0 : i32
      %gather3A_945 = arith.constant 0 : i32
      %gather3A_946 = tpu.memref_slice %arg9[%gather3A_943, %gather3A_944, %gather3A_945] : memref<2x16x1024xf32, #tpu.memory_space<vmem>> -> memref<1x16x1024xf32, #tpu.memory_space<vmem>>
      %gather3A_947 = tpu.memref_squeeze %gather3A_946 : memref<1x16x1024xf32, #tpu.memory_space<vmem>> -> memref<16x1024xf32, #tpu.memory_space<vmem>>
      %gather3A_948 = tpu.vector_load_idx %gather3A_947[%iota3A, %add3A_936] : memref<16x1024xf32, #tpu.memory_space<vmem>>[vector<16xi32>, vector<16xi32>], vector<16xf32>,
      %gather3A_949 = arith.constant 0 : i32
      %gather3A_950 = arith.constant 0 : i32
      %gather3A_951 = arith.constant 0 : i32
      %gather3A_952 = tpu.memref_slice %arg10[%gather3A_949, %gather3A_950, %gather3A_951] : memref<2x16x1024xf32, #tpu.memory_space<vmem>> -> memref<1x16x1024xf32, #tpu.memory_space<vmem>>
      %gather3A_953 = tpu.memref_squeeze %gather3A_952 : memref<1x16x1024xf32, #tpu.memory_space<vmem>> -> memref<16x1024xf32, #tpu.memory_space<vmem>>
      %gather3A_954 = tpu.vector_load_idx %gather3A_953[%iota3A, %add3A_942] : memref<16x1024xf32, #tpu.memory_space<vmem>>[vector<16xi32>, vector<16xi32>], vector<16xf32>,
      %mul3A_955 = arith.mulf %gather3A_948, %gather3A_954 : vector<16xf32>
      %gather3A_956 = vector.shape_cast %reshape3A : vector<16x1xi32> to vector<16xi32>
      %gather3A_957 = tpu.dynamic_gather %mul3A_955[%gather3A_956] in [0] : vector<16xf32>, vector<16xi32> -> vector<16xf32>
      %add3A_958 = arith.addf %mul3A_955, %gather3A_957 : vector<16xf32>
      %gather3A_959 = vector.shape_cast %reshape3A_8 : vector<16x1xi32> to vector<16xi32>
      %gather3A_960 = tpu.dynamic_gather %add3A_958[%gather3A_959] in [0] : vector<16xf32>, vector<16xi32> -> vector<16xf32>
      %add3A_961 = arith.addf %add3A_958, %gather3A_960 : vector<16xf32>
      %gather3A_962 = vector.shape_cast %reshape3A_12 : vector<16x1xi32> to vector<16xi32>
      %gather3A_963 = tpu.dynamic_gather %add3A_961[%gather3A_962] in [0] : vector<16xf32>, vector<16xi32> -> vector<16xf32>
      %add3A_964 = arith.addf %add3A_961, %gather3A_963 : vector<16xf32>
      %gather3A_965 = vector.shape_cast %reshape3A_16 : vector<16x1xi32> to vector<16xi32>
      %gather3A_966 = tpu.dynamic_gather %add3A_964[%gather3A_965] in [0] : vector<16xf32>, vector<16xi32> -> vector<16xf32>
      %add3A_967 = arith.addf %add3A_964, %gather3A_966 : vector<16xf32>
      %eq3A_968 = arith.constant 5 : i32
      %eq3A_969 = vector.broadcast %eq3A_968 : i32 to vector<16xi32>
      %eq3A_970 = arith.cmpi eq, %iota3A, %eq3A_969 : vector<16xi32>
      %select_n3A_971 = arith.select %eq3A_970, %add3A_967, %select_n3A_926 : vector<16xi1>, vector<16xf32>
      %slice3A_972 = vector.extract_strided_slice %get3A_663 {offsets = [6], sizes = [1], strides = [1]} : vector<16xi32> to vector<1xi32>
      %squeeze3A_973 = vector.extract %slice3A_972[0] : i32 from vector<1xi32>
      %slice3A_974 = vector.extract_strided_slice %get3A_665 {offsets = [6], sizes = [1], strides = [1]} : vector<16xi32> to vector<1xi32>
      %squeeze3A_975 = vector.extract %slice3A_974[0] : i32 from vector<1xi32>
      %broadcast_in_dim3A_976 = arith.constant 768 : i32
      %broadcast_in_dim3A_977 = vector.broadcast %broadcast_in_dim3A_976 : i32 to vector<16xi32>
      %and3A_978 = arith.constant 127 : i32
      %and3A_979 = arith.andi %squeeze3A_973, %and3A_978 : i32
      %add3A_980 = vector.broadcast %and3A_979 : i32 to vector<16xi32>
      %add3A_981 = arith.addi %broadcast_in_dim3A_977, %add3A_980 : vector<16xi32>
      %broadcast_in_dim3A_982 = arith.constant 768 : i32
      %broadcast_in_dim3A_983 = vector.broadcast %broadcast_in_dim3A_982 : i32 to vector<16xi32>
      %and3A_984 = arith.constant 127 : i32
      %and3A_985 = arith.andi %squeeze3A_975, %and3A_984 : i32
      %add3A_986 = vector.broadcast %and3A_985 : i32 to vector<16xi32>
      %add3A_987 = arith.addi %broadcast_in_dim3A_983, %add3A_986 : vector<16xi32>
      %gather3A_988 = arith.constant 0 : i32
      %gather3A_989 = arith.constant 0 : i32
      %gather3A_990 = arith.constant 0 : i32
      %gather3A_991 = tpu.memref_slice %arg9[%gather3A_988, %gather3A_989, %gather3A_990] : memref<2x16x1024xf32, #tpu.memory_space<vmem>> -> memref<1x16x1024xf32, #tpu.memory_space<vmem>>
      %gather3A_992 = tpu.memref_squeeze %gather3A_991 : memref<1x16x1024xf32, #tpu.memory_space<vmem>> -> memref<16x1024xf32, #tpu.memory_space<vmem>>
      %gather3A_993 = tpu.vector_load_idx %gather3A_992[%iota3A, %add3A_981] : memref<16x1024xf32, #tpu.memory_space<vmem>>[vector<16xi32>, vector<16xi32>], vector<16xf32>,
      %gather3A_994 = arith.constant 0 : i32
      %gather3A_995 = arith.constant 0 : i32
      %gather3A_996 = arith.constant 0 : i32
      %gather3A_997 = tpu.memref_slice %arg10[%gather3A_994, %gather3A_995, %gather3A_996] : memref<2x16x1024xf32, #tpu.memory_space<vmem>> -> memref<1x16x1024xf32, #tpu.memory_space<vmem>>
      %gather3A_998 = tpu.memref_squeeze %gather3A_997 : memref<1x16x1024xf32, #tpu.memory_space<vmem>> -> memref<16x1024xf32, #tpu.memory_space<vmem>>
      %gather3A_999 = tpu.vector_load_idx %gather3A_998[%iota3A, %add3A_987] : memref<16x1024xf32, #tpu.memory_space<vmem>>[vector<16xi32>, vector<16xi32>], vector<16xf32>,
      %mul3A_1000 = arith.mulf %gather3A_993, %gather3A_999 : vector<16xf32>
      %gather3A_1001 = vector.shape_cast %reshape3A : vector<16x1xi32> to vector<16xi32>
      %gather3A_1002 = tpu.dynamic_gather %mul3A_1000[%gather3A_1001] in [0] : vector<16xf32>, vector<16xi32> -> vector<16xf32>
      %add3A_1003 = arith.addf %mul3A_1000, %gather3A_1002 : vector<16xf32>
      %gather3A_1004 = vector.shape_cast %reshape3A_8 : vector<16x1xi32> to vector<16xi32>
      %gather3A_1005 = tpu.dynamic_gather %add3A_1003[%gather3A_1004] in [0] : vector<16xf32>, vector<16xi32> -> vector<16xf32>
      %add3A_1006 = arith.addf %add3A_1003, %gather3A_1005 : vector<16xf32>
      %gather3A_1007 = vector.shape_cast %reshape3A_12 : vector<16x1xi32> to vector<16xi32>
      %gather3A_1008 = tpu.dynamic_gather %add3A_1006[%gather3A_1007] in [0] : vector<16xf32>, vector<16xi32> -> vector<16xf32>
      %add3A_1009 = arith.addf %add3A_1006, %gather3A_1008 : vector<16xf32>
      %gather3A_1010 = vector.shape_cast %reshape3A_16 : vector<16x1xi32> to vector<16xi32>
      %gather3A_1011 = tpu.dynamic_gather %add3A_1009[%gather3A_1010] in [0] : vector<16xf32>, vector<16xi32> -> vector<16xf32>
      %add3A_1012 = arith.addf %add3A_1009, %gather3A_1011 : vector<16xf32>
      %eq3A_1013 = arith.constant 6 : i32
      %eq3A_1014 = vector.broadcast %eq3A_1013 : i32 to vector<16xi32>
      %eq3A_1015 = arith.cmpi eq, %iota3A, %eq3A_1014 : vector<16xi32>
      %select_n3A_1016 = arith.select %eq3A_1015, %add3A_1012, %select_n3A_971 : vector<16xi1>, vector<16xf32>
      %slice3A_1017 = vector.extract_strided_slice %get3A_663 {offsets = [7], sizes = [1], strides = [1]} : vector<16xi32> to vector<1xi32>
      %squeeze3A_1018 = vector.extract %slice3A_1017[0] : i32 from vector<1xi32>
      %slice3A_1019 = vector.extract_strided_slice %get3A_665 {offsets = [7], sizes = [1], strides = [1]} : vector<16xi32> to vector<1xi32>
      %squeeze3A_1020 = vector.extract %slice3A_1019[0] : i32 from vector<1xi32>
      %broadcast_in_dim3A_1021 = arith.constant 896 : i32
      %broadcast_in_dim3A_1022 = vector.broadcast %broadcast_in_dim3A_1021 : i32 to vector<16xi32>
      %and3A_1023 = arith.constant 127 : i32
      %and3A_1024 = arith.andi %squeeze3A_1018, %and3A_1023 : i32
      %add3A_1025 = vector.broadcast %and3A_1024 : i32 to vector<16xi32>
      %add3A_1026 = arith.addi %broadcast_in_dim3A_1022, %add3A_1025 : vector<16xi32>
      %broadcast_in_dim3A_1027 = arith.constant 896 : i32
      %broadcast_in_dim3A_1028 = vector.broadcast %broadcast_in_dim3A_1027 : i32 to vector<16xi32>
      %and3A_1029 = arith.constant 127 : i32
      %and3A_1030 = arith.andi %squeeze3A_1020, %and3A_1029 : i32
      %add3A_1031 = vector.broadcast %and3A_1030 : i32 to vector<16xi32>
      %add3A_1032 = arith.addi %broadcast_in_dim3A_1028, %add3A_1031 : vector<16xi32>
      %gather3A_1033 = arith.constant 0 : i32
      %gather3A_1034 = arith.constant 0 : i32
      %gather3A_1035 = arith.constant 0 : i32
      %gather3A_1036 = tpu.memref_slice %arg9[%gather3A_1033, %gather3A_1034, %gather3A_1035] : memref<2x16x1024xf32, #tpu.memory_space<vmem>> -> memref<1x16x1024xf32, #tpu.memory_space<vmem>>
      %gather3A_1037 = tpu.memref_squeeze %gather3A_1036 : memref<1x16x1024xf32, #tpu.memory_space<vmem>> -> memref<16x1024xf32, #tpu.memory_space<vmem>>
      %gather3A_1038 = tpu.vector_load_idx %gather3A_1037[%iota3A, %add3A_1026] : memref<16x1024xf32, #tpu.memory_space<vmem>>[vector<16xi32>, vector<16xi32>], vector<16xf32>,
      %gather3A_1039 = arith.constant 0 : i32
      %gather3A_1040 = arith.constant 0 : i32
      %gather3A_1041 = arith.constant 0 : i32
      %gather3A_1042 = tpu.memref_slice %arg10[%gather3A_1039, %gather3A_1040, %gather3A_1041] : memref<2x16x1024xf32, #tpu.memory_space<vmem>> -> memref<1x16x1024xf32, #tpu.memory_space<vmem>>
      %gather3A_1043 = tpu.memref_squeeze %gather3A_1042 : memref<1x16x1024xf32, #tpu.memory_space<vmem>> -> memref<16x1024xf32, #tpu.memory_space<vmem>>
      %gather3A_1044 = tpu.vector_load_idx %gather3A_1043[%iota3A, %add3A_1032] : memref<16x1024xf32, #tpu.memory_space<vmem>>[vector<16xi32>, vector<16xi32>], vector<16xf32>,
      %mul3A_1045 = arith.mulf %gather3A_1038, %gather3A_1044 : vector<16xf32>
      %gather3A_1046 = vector.shape_cast %reshape3A : vector<16x1xi32> to vector<16xi32>
      %gather3A_1047 = tpu.dynamic_gather %mul3A_1045[%gather3A_1046] in [0] : vector<16xf32>, vector<16xi32> -> vector<16xf32>
      %add3A_1048 = arith.addf %mul3A_1045, %gather3A_1047 : vector<16xf32>
      %gather3A_1049 = vector.shape_cast %reshape3A_8 : vector<16x1xi32> to vector<16xi32>
      %gather3A_1050 = tpu.dynamic_gather %add3A_1048[%gather3A_1049] in [0] : vector<16xf32>, vector<16xi32> -> vector<16xf32>
      %add3A_1051 = arith.addf %add3A_1048, %gather3A_1050 : vector<16xf32>
      %gather3A_1052 = vector.shape_cast %reshape3A_12 : vector<16x1xi32> to vector<16xi32>
      %gather3A_1053 = tpu.dynamic_gather %add3A_1051[%gather3A_1052] in [0] : vector<16xf32>, vector<16xi32> -> vector<16xf32>
      %add3A_1054 = arith.addf %add3A_1051, %gather3A_1053 : vector<16xf32>
      %gather3A_1055 = vector.shape_cast %reshape3A_16 : vector<16x1xi32> to vector<16xi32>
      %gather3A_1056 = tpu.dynamic_gather %add3A_1054[%gather3A_1055] in [0] : vector<16xf32>, vector<16xi32> -> vector<16xf32>
      %add3A_1057 = arith.addf %add3A_1054, %gather3A_1056 : vector<16xf32>
      %eq3A_1058 = arith.constant 7 : i32
      %eq3A_1059 = vector.broadcast %eq3A_1058 : i32 to vector<16xi32>
      %eq3A_1060 = arith.cmpi eq, %iota3A, %eq3A_1059 : vector<16xi32>
      %select_n3A_1061 = arith.select %eq3A_1060, %add3A_1057, %select_n3A_1016 : vector<16xi1>, vector<16xf32>
      %not3A = arith.constant true
      %not3A_1062 = arith.xori %ge3A_675, %not3A : i1
      %convert_element_type3A = arith.extui %not3A_1062 : i1 to i32
      %cond3A = arith.constant 0 : i32
      %cond3A_1063 = arith.cmpi ne, %convert_element_type3A, %cond3A : i32
      scf.if %cond3A_1063 {
        %slice3A_1462 = vector.extract_strided_slice %get3A_672 {offsets = [0], sizes = [1], strides = [1]} : vector<16xi32> to vector<1xi32>
        %squeeze3A_1463 = vector.extract %slice3A_1462[0] : i32 from vector<1xi32>
        %slice3A_1464 = vector.extract_strided_slice %get3A_674 {offsets = [0], sizes = [1], strides = [1]} : vector<16xi32> to vector<1xi32>
        %squeeze3A_1465 = vector.extract %slice3A_1464[0] : i32 from vector<1xi32>
        %shift_right_arithmetic3A_1466 = arith.constant 7 : i32
        %shift_right_arithmetic3A_1467 = arith.shrsi %squeeze3A_1463, %shift_right_arithmetic3A_1466 : i32
        %shift_left3A_1468 = arith.constant 7 : i32
        %shift_left3A_1469 = arith.shli %shift_right_arithmetic3A_1467, %shift_left3A_1468 : i32
        %multiple_of3A_1470 = tpu.assume_multiple %shift_left3A_1469, 128 : i32
        %shift_right_arithmetic3A_1471 = arith.constant 7 : i32
        %shift_right_arithmetic3A_1472 = arith.shrsi %squeeze3A_1465, %shift_right_arithmetic3A_1471 : i32
        %shift_left3A_1473 = arith.constant 7 : i32
        %shift_left3A_1474 = arith.shli %shift_right_arithmetic3A_1472, %shift_left3A_1473 : i32
        %multiple_of3A_1475 = tpu.assume_multiple %shift_left3A_1474, 128 : i32
        %dma_start3A_1476 = arith.constant 0 : i32
        %dma_start3A_1477 = arith.constant 0 : i32
        %dma_start3A_1478 = arith.constant 0 : i32
        %dma_start3A_1479 = tpu.memref_slice %arg9[%dma_start3A_1476, %dma_start3A_1477, %dma_start3A_1478] : memref<2x16x1024xf32, #tpu.memory_space<vmem>> -> memref<1x16x128xf32, #tpu.memory_space<vmem>>
        %dma_start3A_1480 = tpu.memref_squeeze %dma_start3A_1479 : memref<1x16x128xf32, #tpu.memory_space<vmem>> -> memref<16x128xf32, #tpu.memory_space<vmem>>
        %dma_start3A_1481 = arith.constant 0 : i32
        %dma_start3A_1482 = tpu.memref_slice %arg4[%dma_start3A_1481, %multiple_of3A_1470] : memref<16x1000000xf32, #tpu.memory_space<hbm>> -> memref<16x128xf32, #tpu.memory_space<hbm>>
        %dma_start3A_1483 = arith.constant 0 : i32
        %dma_start3A_1484 = arith.constant 0 : i32
        %dma_start3A_1485 = tpu.memref_slice %arg9[%dma_start3A_1476, %dma_start3A_1483, %dma_start3A_1484] : memref<2x16x1024xf32, #tpu.memory_space<vmem>> -> memref<1x16x128xf32, #tpu.memory_space<vmem>>
        %dma_start3A_1486 = tpu.memref_squeeze %dma_start3A_1485 : memref<1x16x128xf32, #tpu.memory_space<vmem>> -> memref<16x128xf32, #tpu.memory_space<vmem>>
        %dma_start3A_1487 = arith.constant 0 : i32
        %dma_start3A_1488 = tpu.memref_slice %arg4[%dma_start3A_1487, %multiple_of3A_1470] : memref<16x1000000xf32, #tpu.memory_space<hbm>> -> memref<16x128xf32, #tpu.memory_space<hbm>>
        tpu.enqueue_dma source(%dma_start3A_1488 : memref<16x128xf32, #tpu.memory_space<hbm>>) target(%dma_start3A_1486 : memref<16x128xf32, #tpu.memory_space<vmem>>) target_semaphore(%arg12 : memref<!tpu.dma_semaphore, #tpu.memory_space<semaphore_mem>>)
        %dma_start3A_1489 = arith.constant 0 : i32
        %dma_start3A_1490 = arith.constant 0 : i32
        %dma_start3A_1491 = arith.constant 0 : i32
        %dma_start3A_1492 = tpu.memref_slice %arg10[%dma_start3A_1489, %dma_start3A_1490, %dma_start3A_1491] : memref<2x16x1024xf32, #tpu.memory_space<vmem>> -> memref<1x16x128xf32, #tpu.memory_space<vmem>>
        %dma_start3A_1493 = tpu.memref_squeeze %dma_start3A_1492 : memref<1x16x128xf32, #tpu.memory_space<vmem>> -> memref<16x128xf32, #tpu.memory_space<vmem>>
        %dma_start3A_1494 = arith.constant 0 : i32
        %dma_start3A_1495 = tpu.memref_slice %arg5[%dma_start3A_1494, %multiple_of3A_1475] : memref<16x1000000xf32, #tpu.memory_space<hbm>> -> memref<16x128xf32, #tpu.memory_space<hbm>>
        %dma_start3A_1496 = arith.constant 0 : i32
        %dma_start3A_1497 = arith.constant 0 : i32
        %dma_start3A_1498 = tpu.memref_slice %arg10[%dma_start3A_1489, %dma_start3A_1496, %dma_start3A_1497] : memref<2x16x1024xf32, #tpu.memory_space<vmem>> -> memref<1x16x128xf32, #tpu.memory_space<vmem>>
        %dma_start3A_1499 = tpu.memref_squeeze %dma_start3A_1498 : memref<1x16x128xf32, #tpu.memory_space<vmem>> -> memref<16x128xf32, #tpu.memory_space<vmem>>
        %dma_start3A_1500 = arith.constant 0 : i32
        %dma_start3A_1501 = tpu.memref_slice %arg5[%dma_start3A_1500, %multiple_of3A_1475] : memref<16x1000000xf32, #tpu.memory_space<hbm>> -> memref<16x128xf32, #tpu.memory_space<hbm>>
        tpu.enqueue_dma source(%dma_start3A_1501 : memref<16x128xf32, #tpu.memory_space<hbm>>) target(%dma_start3A_1499 : memref<16x128xf32, #tpu.memory_space<vmem>>) target_semaphore(%arg12 : memref<!tpu.dma_semaphore, #tpu.memory_space<semaphore_mem>>)
        %slice3A_1502 = vector.extract_strided_slice %get3A_672 {offsets = [1], sizes = [1], strides = [1]} : vector<16xi32> to vector<1xi32>
        %squeeze3A_1503 = vector.extract %slice3A_1502[0] : i32 from vector<1xi32>
        %slice3A_1504 = vector.extract_strided_slice %get3A_674 {offsets = [1], sizes = [1], strides = [1]} : vector<16xi32> to vector<1xi32>
        %squeeze3A_1505 = vector.extract %slice3A_1504[0] : i32 from vector<1xi32>
        %shift_right_arithmetic3A_1506 = arith.constant 7 : i32
        %shift_right_arithmetic3A_1507 = arith.shrsi %squeeze3A_1503, %shift_right_arithmetic3A_1506 : i32
        %shift_left3A_1508 = arith.constant 7 : i32
        %shift_left3A_1509 = arith.shli %shift_right_arithmetic3A_1507, %shift_left3A_1508 : i32
        %multiple_of3A_1510 = tpu.assume_multiple %shift_left3A_1509, 128 : i32
        %shift_right_arithmetic3A_1511 = arith.constant 7 : i32
        %shift_right_arithmetic3A_1512 = arith.shrsi %squeeze3A_1505, %shift_right_arithmetic3A_1511 : i32
        %shift_left3A_1513 = arith.constant 7 : i32
        %shift_left3A_1514 = arith.shli %shift_right_arithmetic3A_1512, %shift_left3A_1513 : i32
        %multiple_of3A_1515 = tpu.assume_multiple %shift_left3A_1514, 128 : i32
        %dma_start3A_1516 = arith.constant 0 : i32
        %dma_start3A_1517 = arith.constant 0 : i32
        %dma_start3A_1518 = arith.constant 128 : i32
        %dma_start3A_1519 = tpu.memref_slice %arg9[%dma_start3A_1516, %dma_start3A_1517, %dma_start3A_1518] : memref<2x16x1024xf32, #tpu.memory_space<vmem>> -> memref<1x16x128xf32, #tpu.memory_space<vmem>>
        %dma_start3A_1520 = tpu.memref_squeeze %dma_start3A_1519 : memref<1x16x128xf32, #tpu.memory_space<vmem>> -> memref<16x128xf32, #tpu.memory_space<vmem>>
        %dma_start3A_1521 = arith.constant 0 : i32
        %dma_start3A_1522 = tpu.memref_slice %arg4[%dma_start3A_1521, %multiple_of3A_1510] : memref<16x1000000xf32, #tpu.memory_space<hbm>> -> memref<16x128xf32, #tpu.memory_space<hbm>>
        %dma_start3A_1523 = arith.constant 0 : i32
        %dma_start3A_1524 = arith.constant 128 : i32
        %dma_start3A_1525 = tpu.memref_slice %arg9[%dma_start3A_1516, %dma_start3A_1523, %dma_start3A_1524] : memref<2x16x1024xf32, #tpu.memory_space<vmem>> -> memref<1x16x128xf32, #tpu.memory_space<vmem>>
        %dma_start3A_1526 = tpu.memref_squeeze %dma_start3A_1525 : memref<1x16x128xf32, #tpu.memory_space<vmem>> -> memref<16x128xf32, #tpu.memory_space<vmem>>
        %dma_start3A_1527 = arith.constant 0 : i32
        %dma_start3A_1528 = tpu.memref_slice %arg4[%dma_start3A_1527, %multiple_of3A_1510] : memref<16x1000000xf32, #tpu.memory_space<hbm>> -> memref<16x128xf32, #tpu.memory_space<hbm>>
        tpu.enqueue_dma source(%dma_start3A_1528 : memref<16x128xf32, #tpu.memory_space<hbm>>) target(%dma_start3A_1526 : memref<16x128xf32, #tpu.memory_space<vmem>>) target_semaphore(%arg12 : memref<!tpu.dma_semaphore, #tpu.memory_space<semaphore_mem>>)
        %dma_start3A_1529 = arith.constant 0 : i32
        %dma_start3A_1530 = arith.constant 0 : i32
        %dma_start3A_1531 = arith.constant 128 : i32
        %dma_start3A_1532 = tpu.memref_slice %arg10[%dma_start3A_1529, %dma_start3A_1530, %dma_start3A_1531] : memref<2x16x1024xf32, #tpu.memory_space<vmem>> -> memref<1x16x128xf32, #tpu.memory_space<vmem>>
        %dma_start3A_1533 = tpu.memref_squeeze %dma_start3A_1532 : memref<1x16x128xf32, #tpu.memory_space<vmem>> -> memref<16x128xf32, #tpu.memory_space<vmem>>
        %dma_start3A_1534 = arith.constant 0 : i32
        %dma_start3A_1535 = tpu.memref_slice %arg5[%dma_start3A_1534, %multiple_of3A_1515] : memref<16x1000000xf32, #tpu.memory_space<hbm>> -> memref<16x128xf32, #tpu.memory_space<hbm>>
        %dma_start3A_1536 = arith.constant 0 : i32
        %dma_start3A_1537 = arith.constant 128 : i32
        %dma_start3A_1538 = tpu.memref_slice %arg10[%dma_start3A_1529, %dma_start3A_1536, %dma_start3A_1537] : memref<2x16x1024xf32, #tpu.memory_space<vmem>> -> memref<1x16x128xf32, #tpu.memory_space<vmem>>
        %dma_start3A_1539 = tpu.memref_squeeze %dma_start3A_1538 : memref<1x16x128xf32, #tpu.memory_space<vmem>> -> memref<16x128xf32, #tpu.memory_space<vmem>>
        %dma_start3A_1540 = arith.constant 0 : i32
        %dma_start3A_1541 = tpu.memref_slice %arg5[%dma_start3A_1540, %multiple_of3A_1515] : memref<16x1000000xf32, #tpu.memory_space<hbm>> -> memref<16x128xf32, #tpu.memory_space<hbm>>
        tpu.enqueue_dma source(%dma_start3A_1541 : memref<16x128xf32, #tpu.memory_space<hbm>>) target(%dma_start3A_1539 : memref<16x128xf32, #tpu.memory_space<vmem>>) target_semaphore(%arg12 : memref<!tpu.dma_semaphore, #tpu.memory_space<semaphore_mem>>)
        %slice3A_1542 = vector.extract_strided_slice %get3A_672 {offsets = [2], sizes = [1], strides = [1]} : vector<16xi32> to vector<1xi32>
        %squeeze3A_1543 = vector.extract %slice3A_1542[0] : i32 from vector<1xi32>
        %slice3A_1544 = vector.extract_strided_slice %get3A_674 {offsets = [2], sizes = [1], strides = [1]} : vector<16xi32> to vector<1xi32>
        %squeeze3A_1545 = vector.extract %slice3A_1544[0] : i32 from vector<1xi32>
        %shift_right_arithmetic3A_1546 = arith.constant 7 : i32
        %shift_right_arithmetic3A_1547 = arith.shrsi %squeeze3A_1543, %shift_right_arithmetic3A_1546 : i32
        %shift_left3A_1548 = arith.constant 7 : i32
        %shift_left3A_1549 = arith.shli %shift_right_arithmetic3A_1547, %shift_left3A_1548 : i32
        %multiple_of3A_1550 = tpu.assume_multiple %shift_left3A_1549, 128 : i32
        %shift_right_arithmetic3A_1551 = arith.constant 7 : i32
        %shift_right_arithmetic3A_1552 = arith.shrsi %squeeze3A_1545, %shift_right_arithmetic3A_1551 : i32
        %shift_left3A_1553 = arith.constant 7 : i32
        %shift_left3A_1554 = arith.shli %shift_right_arithmetic3A_1552, %shift_left3A_1553 : i32
        %multiple_of3A_1555 = tpu.assume_multiple %shift_left3A_1554, 128 : i32
        %dma_start3A_1556 = arith.constant 0 : i32
        %dma_start3A_1557 = arith.constant 0 : i32
        %dma_start3A_1558 = arith.constant 256 : i32
        %dma_start3A_1559 = tpu.memref_slice %arg9[%dma_start3A_1556, %dma_start3A_1557, %dma_start3A_1558] : memref<2x16x1024xf32, #tpu.memory_space<vmem>> -> memref<1x16x128xf32, #tpu.memory_space<vmem>>
        %dma_start3A_1560 = tpu.memref_squeeze %dma_start3A_1559 : memref<1x16x128xf32, #tpu.memory_space<vmem>> -> memref<16x128xf32, #tpu.memory_space<vmem>>
        %dma_start3A_1561 = arith.constant 0 : i32
        %dma_start3A_1562 = tpu.memref_slice %arg4[%dma_start3A_1561, %multiple_of3A_1550] : memref<16x1000000xf32, #tpu.memory_space<hbm>> -> memref<16x128xf32, #tpu.memory_space<hbm>>
        %dma_start3A_1563 = arith.constant 0 : i32
        %dma_start3A_1564 = arith.constant 256 : i32
        %dma_start3A_1565 = tpu.memref_slice %arg9[%dma_start3A_1556, %dma_start3A_1563, %dma_start3A_1564] : memref<2x16x1024xf32, #tpu.memory_space<vmem>> -> memref<1x16x128xf32, #tpu.memory_space<vmem>>
        %dma_start3A_1566 = tpu.memref_squeeze %dma_start3A_1565 : memref<1x16x128xf32, #tpu.memory_space<vmem>> -> memref<16x128xf32, #tpu.memory_space<vmem>>
        %dma_start3A_1567 = arith.constant 0 : i32
        %dma_start3A_1568 = tpu.memref_slice %arg4[%dma_start3A_1567, %multiple_of3A_1550] : memref<16x1000000xf32, #tpu.memory_space<hbm>> -> memref<16x128xf32, #tpu.memory_space<hbm>>
        tpu.enqueue_dma source(%dma_start3A_1568 : memref<16x128xf32, #tpu.memory_space<hbm>>) target(%dma_start3A_1566 : memref<16x128xf32, #tpu.memory_space<vmem>>) target_semaphore(%arg12 : memref<!tpu.dma_semaphore, #tpu.memory_space<semaphore_mem>>)
        %dma_start3A_1569 = arith.constant 0 : i32
        %dma_start3A_1570 = arith.constant 0 : i32
        %dma_start3A_1571 = arith.constant 256 : i32
        %dma_start3A_1572 = tpu.memref_slice %arg10[%dma_start3A_1569, %dma_start3A_1570, %dma_start3A_1571] : memref<2x16x1024xf32, #tpu.memory_space<vmem>> -> memref<1x16x128xf32, #tpu.memory_space<vmem>>
        %dma_start3A_1573 = tpu.memref_squeeze %dma_start3A_1572 : memref<1x16x128xf32, #tpu.memory_space<vmem>> -> memref<16x128xf32, #tpu.memory_space<vmem>>
        %dma_start3A_1574 = arith.constant 0 : i32
        %dma_start3A_1575 = tpu.memref_slice %arg5[%dma_start3A_1574, %multiple_of3A_1555] : memref<16x1000000xf32, #tpu.memory_space<hbm>> -> memref<16x128xf32, #tpu.memory_space<hbm>>
        %dma_start3A_1576 = arith.constant 0 : i32
        %dma_start3A_1577 = arith.constant 256 : i32
        %dma_start3A_1578 = tpu.memref_slice %arg10[%dma_start3A_1569, %dma_start3A_1576, %dma_start3A_1577] : memref<2x16x1024xf32, #tpu.memory_space<vmem>> -> memref<1x16x128xf32, #tpu.memory_space<vmem>>
        %dma_start3A_1579 = tpu.memref_squeeze %dma_start3A_1578 : memref<1x16x128xf32, #tpu.memory_space<vmem>> -> memref<16x128xf32, #tpu.memory_space<vmem>>
        %dma_start3A_1580 = arith.constant 0 : i32
        %dma_start3A_1581 = tpu.memref_slice %arg5[%dma_start3A_1580, %multiple_of3A_1555] : memref<16x1000000xf32, #tpu.memory_space<hbm>> -> memref<16x128xf32, #tpu.memory_space<hbm>>
        tpu.enqueue_dma source(%dma_start3A_1581 : memref<16x128xf32, #tpu.memory_space<hbm>>) target(%dma_start3A_1579 : memref<16x128xf32, #tpu.memory_space<vmem>>) target_semaphore(%arg12 : memref<!tpu.dma_semaphore, #tpu.memory_space<semaphore_mem>>)
        %slice3A_1582 = vector.extract_strided_slice %get3A_672 {offsets = [3], sizes = [1], strides = [1]} : vector<16xi32> to vector<1xi32>
        %squeeze3A_1583 = vector.extract %slice3A_1582[0] : i32 from vector<1xi32>
        %slice3A_1584 = vector.extract_strided_slice %get3A_674 {offsets = [3], sizes = [1], strides = [1]} : vector<16xi32> to vector<1xi32>
        %squeeze3A_1585 = vector.extract %slice3A_1584[0] : i32 from vector<1xi32>
        %shift_right_arithmetic3A_1586 = arith.constant 7 : i32
        %shift_right_arithmetic3A_1587 = arith.shrsi %squeeze3A_1583, %shift_right_arithmetic3A_1586 : i32
        %shift_left3A_1588 = arith.constant 7 : i32
        %shift_left3A_1589 = arith.shli %shift_right_arithmetic3A_1587, %shift_left3A_1588 : i32
        %multiple_of3A_1590 = tpu.assume_multiple %shift_left3A_1589, 128 : i32
        %shift_right_arithmetic3A_1591 = arith.constant 7 : i32
        %shift_right_arithmetic3A_1592 = arith.shrsi %squeeze3A_1585, %shift_right_arithmetic3A_1591 : i32
        %shift_left3A_1593 = arith.constant 7 : i32
        %shift_left3A_1594 = arith.shli %shift_right_arithmetic3A_1592, %shift_left3A_1593 : i32
        %multiple_of3A_1595 = tpu.assume_multiple %shift_left3A_1594, 128 : i32
        %dma_start3A_1596 = arith.constant 0 : i32
        %dma_start3A_1597 = arith.constant 0 : i32
        %dma_start3A_1598 = arith.constant 384 : i32
        %dma_start3A_1599 = tpu.memref_slice %arg9[%dma_start3A_1596, %dma_start3A_1597, %dma_start3A_1598] : memref<2x16x1024xf32, #tpu.memory_space<vmem>> -> memref<1x16x128xf32, #tpu.memory_space<vmem>>
        %dma_start3A_1600 = tpu.memref_squeeze %dma_start3A_1599 : memref<1x16x128xf32, #tpu.memory_space<vmem>> -> memref<16x128xf32, #tpu.memory_space<vmem>>
        %dma_start3A_1601 = arith.constant 0 : i32
        %dma_start3A_1602 = tpu.memref_slice %arg4[%dma_start3A_1601, %multiple_of3A_1590] : memref<16x1000000xf32, #tpu.memory_space<hbm>> -> memref<16x128xf32, #tpu.memory_space<hbm>>
        %dma_start3A_1603 = arith.constant 0 : i32
        %dma_start3A_1604 = arith.constant 384 : i32
        %dma_start3A_1605 = tpu.memref_slice %arg9[%dma_start3A_1596, %dma_start3A_1603, %dma_start3A_1604] : memref<2x16x1024xf32, #tpu.memory_space<vmem>> -> memref<1x16x128xf32, #tpu.memory_space<vmem>>
        %dma_start3A_1606 = tpu.memref_squeeze %dma_start3A_1605 : memref<1x16x128xf32, #tpu.memory_space<vmem>> -> memref<16x128xf32, #tpu.memory_space<vmem>>
        %dma_start3A_1607 = arith.constant 0 : i32
        %dma_start3A_1608 = tpu.memref_slice %arg4[%dma_start3A_1607, %multiple_of3A_1590] : memref<16x1000000xf32, #tpu.memory_space<hbm>> -> memref<16x128xf32, #tpu.memory_space<hbm>>
        tpu.enqueue_dma source(%dma_start3A_1608 : memref<16x128xf32, #tpu.memory_space<hbm>>) target(%dma_start3A_1606 : memref<16x128xf32, #tpu.memory_space<vmem>>) target_semaphore(%arg12 : memref<!tpu.dma_semaphore, #tpu.memory_space<semaphore_mem>>)
        %dma_start3A_1609 = arith.constant 0 : i32
        %dma_start3A_1610 = arith.constant 0 : i32
        %dma_start3A_1611 = arith.constant 384 : i32
        %dma_start3A_1612 = tpu.memref_slice %arg10[%dma_start3A_1609, %dma_start3A_1610, %dma_start3A_1611] : memref<2x16x1024xf32, #tpu.memory_space<vmem>> -> memref<1x16x128xf32, #tpu.memory_space<vmem>>
        %dma_start3A_1613 = tpu.memref_squeeze %dma_start3A_1612 : memref<1x16x128xf32, #tpu.memory_space<vmem>> -> memref<16x128xf32, #tpu.memory_space<vmem>>
        %dma_start3A_1614 = arith.constant 0 : i32
        %dma_start3A_1615 = tpu.memref_slice %arg5[%dma_start3A_1614, %multiple_of3A_1595] : memref<16x1000000xf32, #tpu.memory_space<hbm>> -> memref<16x128xf32, #tpu.memory_space<hbm>>
        %dma_start3A_1616 = arith.constant 0 : i32
        %dma_start3A_1617 = arith.constant 384 : i32
        %dma_start3A_1618 = tpu.memref_slice %arg10[%dma_start3A_1609, %dma_start3A_1616, %dma_start3A_1617] : memref<2x16x1024xf32, #tpu.memory_space<vmem>> -> memref<1x16x128xf32, #tpu.memory_space<vmem>>
        %dma_start3A_1619 = tpu.memref_squeeze %dma_start3A_1618 : memref<1x16x128xf32, #tpu.memory_space<vmem>> -> memref<16x128xf32, #tpu.memory_space<vmem>>
        %dma_start3A_1620 = arith.constant 0 : i32
        %dma_start3A_1621 = tpu.memref_slice %arg5[%dma_start3A_1620, %multiple_of3A_1595] : memref<16x1000000xf32, #tpu.memory_space<hbm>> -> memref<16x128xf32, #tpu.memory_space<hbm>>
        tpu.enqueue_dma source(%dma_start3A_1621 : memref<16x128xf32, #tpu.memory_space<hbm>>) target(%dma_start3A_1619 : memref<16x128xf32, #tpu.memory_space<vmem>>) target_semaphore(%arg12 : memref<!tpu.dma_semaphore, #tpu.memory_space<semaphore_mem>>)
        %slice3A_1622 = vector.extract_strided_slice %get3A_672 {offsets = [4], sizes = [1], strides = [1]} : vector<16xi32> to vector<1xi32>
        %squeeze3A_1623 = vector.extract %slice3A_1622[0] : i32 from vector<1xi32>
        %slice3A_1624 = vector.extract_strided_slice %get3A_674 {offsets = [4], sizes = [1], strides = [1]} : vector<16xi32> to vector<1xi32>
        %squeeze3A_1625 = vector.extract %slice3A_1624[0] : i32 from vector<1xi32>
        %shift_right_arithmetic3A_1626 = arith.constant 7 : i32
        %shift_right_arithmetic3A_1627 = arith.shrsi %squeeze3A_1623, %shift_right_arithmetic3A_1626 : i32
        %shift_left3A_1628 = arith.constant 7 : i32
        %shift_left3A_1629 = arith.shli %shift_right_arithmetic3A_1627, %shift_left3A_1628 : i32
        %multiple_of3A_1630 = tpu.assume_multiple %shift_left3A_1629, 128 : i32
        %shift_right_arithmetic3A_1631 = arith.constant 7 : i32
        %shift_right_arithmetic3A_1632 = arith.shrsi %squeeze3A_1625, %shift_right_arithmetic3A_1631 : i32
        %shift_left3A_1633 = arith.constant 7 : i32
        %shift_left3A_1634 = arith.shli %shift_right_arithmetic3A_1632, %shift_left3A_1633 : i32
        %multiple_of3A_1635 = tpu.assume_multiple %shift_left3A_1634, 128 : i32
        %dma_start3A_1636 = arith.constant 0 : i32
        %dma_start3A_1637 = arith.constant 0 : i32
        %dma_start3A_1638 = arith.constant 512 : i32
        %dma_start3A_1639 = tpu.memref_slice %arg9[%dma_start3A_1636, %dma_start3A_1637, %dma_start3A_1638] : memref<2x16x1024xf32, #tpu.memory_space<vmem>> -> memref<1x16x128xf32, #tpu.memory_space<vmem>>
        %dma_start3A_1640 = tpu.memref_squeeze %dma_start3A_1639 : memref<1x16x128xf32, #tpu.memory_space<vmem>> -> memref<16x128xf32, #tpu.memory_space<vmem>>
        %dma_start3A_1641 = arith.constant 0 : i32
        %dma_start3A_1642 = tpu.memref_slice %arg4[%dma_start3A_1641, %multiple_of3A_1630] : memref<16x1000000xf32, #tpu.memory_space<hbm>> -> memref<16x128xf32, #tpu.memory_space<hbm>>
        %dma_start3A_1643 = arith.constant 0 : i32
        %dma_start3A_1644 = arith.constant 512 : i32
        %dma_start3A_1645 = tpu.memref_slice %arg9[%dma_start3A_1636, %dma_start3A_1643, %dma_start3A_1644] : memref<2x16x1024xf32, #tpu.memory_space<vmem>> -> memref<1x16x128xf32, #tpu.memory_space<vmem>>
        %dma_start3A_1646 = tpu.memref_squeeze %dma_start3A_1645 : memref<1x16x128xf32, #tpu.memory_space<vmem>> -> memref<16x128xf32, #tpu.memory_space<vmem>>
        %dma_start3A_1647 = arith.constant 0 : i32
        %dma_start3A_1648 = tpu.memref_slice %arg4[%dma_start3A_1647, %multiple_of3A_1630] : memref<16x1000000xf32, #tpu.memory_space<hbm>> -> memref<16x128xf32, #tpu.memory_space<hbm>>
        tpu.enqueue_dma source(%dma_start3A_1648 : memref<16x128xf32, #tpu.memory_space<hbm>>) target(%dma_start3A_1646 : memref<16x128xf32, #tpu.memory_space<vmem>>) target_semaphore(%arg12 : memref<!tpu.dma_semaphore, #tpu.memory_space<semaphore_mem>>)
        %dma_start3A_1649 = arith.constant 0 : i32
        %dma_start3A_1650 = arith.constant 0 : i32
        %dma_start3A_1651 = arith.constant 512 : i32
        %dma_start3A_1652 = tpu.memref_slice %arg10[%dma_start3A_1649, %dma_start3A_1650, %dma_start3A_1651] : memref<2x16x1024xf32, #tpu.memory_space<vmem>> -> memref<1x16x128xf32, #tpu.memory_space<vmem>>
        %dma_start3A_1653 = tpu.memref_squeeze %dma_start3A_1652 : memref<1x16x128xf32, #tpu.memory_space<vmem>> -> memref<16x128xf32, #tpu.memory_space<vmem>>
        %dma_start3A_1654 = arith.constant 0 : i32
        %dma_start3A_1655 = tpu.memref_slice %arg5[%dma_start3A_1654, %multiple_of3A_1635] : memref<16x1000000xf32, #tpu.memory_space<hbm>> -> memref<16x128xf32, #tpu.memory_space<hbm>>
        %dma_start3A_1656 = arith.constant 0 : i32
        %dma_start3A_1657 = arith.constant 512 : i32
        %dma_start3A_1658 = tpu.memref_slice %arg10[%dma_start3A_1649, %dma_start3A_1656, %dma_start3A_1657] : memref<2x16x1024xf32, #tpu.memory_space<vmem>> -> memref<1x16x128xf32, #tpu.memory_space<vmem>>
        %dma_start3A_1659 = tpu.memref_squeeze %dma_start3A_1658 : memref<1x16x128xf32, #tpu.memory_space<vmem>> -> memref<16x128xf32, #tpu.memory_space<vmem>>
        %dma_start3A_1660 = arith.constant 0 : i32
        %dma_start3A_1661 = tpu.memref_slice %arg5[%dma_start3A_1660, %multiple_of3A_1635] : memref<16x1000000xf32, #tpu.memory_space<hbm>> -> memref<16x128xf32, #tpu.memory_space<hbm>>
        tpu.enqueue_dma source(%dma_start3A_1661 : memref<16x128xf32, #tpu.memory_space<hbm>>) target(%dma_start3A_1659 : memref<16x128xf32, #tpu.memory_space<vmem>>) target_semaphore(%arg12 : memref<!tpu.dma_semaphore, #tpu.memory_space<semaphore_mem>>)
        %slice3A_1662 = vector.extract_strided_slice %get3A_672 {offsets = [5], sizes = [1], strides = [1]} : vector<16xi32> to vector<1xi32>
        %squeeze3A_1663 = vector.extract %slice3A_1662[0] : i32 from vector<1xi32>
        %slice3A_1664 = vector.extract_strided_slice %get3A_674 {offsets = [5], sizes = [1], strides = [1]} : vector<16xi32> to vector<1xi32>
        %squeeze3A_1665 = vector.extract %slice3A_1664[0] : i32 from vector<1xi32>
        %shift_right_arithmetic3A_1666 = arith.constant 7 : i32
        %shift_right_arithmetic3A_1667 = arith.shrsi %squeeze3A_1663, %shift_right_arithmetic3A_1666 : i32
        %shift_left3A_1668 = arith.constant 7 : i32
        %shift_left3A_1669 = arith.shli %shift_right_arithmetic3A_1667, %shift_left3A_1668 : i32
        %multiple_of3A_1670 = tpu.assume_multiple %shift_left3A_1669, 128 : i32
        %shift_right_arithmetic3A_1671 = arith.constant 7 : i32
        %shift_right_arithmetic3A_1672 = arith.shrsi %squeeze3A_1665, %shift_right_arithmetic3A_1671 : i32
        %shift_left3A_1673 = arith.constant 7 : i32
        %shift_left3A_1674 = arith.shli %shift_right_arithmetic3A_1672, %shift_left3A_1673 : i32
        %multiple_of3A_1675 = tpu.assume_multiple %shift_left3A_1674, 128 : i32
        %dma_start3A_1676 = arith.constant 0 : i32
        %dma_start3A_1677 = arith.constant 0 : i32
        %dma_start3A_1678 = arith.constant 640 : i32
        %dma_start3A_1679 = tpu.memref_slice %arg9[%dma_start3A_1676, %dma_start3A_1677, %dma_start3A_1678] : memref<2x16x1024xf32, #tpu.memory_space<vmem>> -> memref<1x16x128xf32, #tpu.memory_space<vmem>>
        %dma_start3A_1680 = tpu.memref_squeeze %dma_start3A_1679 : memref<1x16x128xf32, #tpu.memory_space<vmem>> -> memref<16x128xf32, #tpu.memory_space<vmem>>
        %dma_start3A_1681 = arith.constant 0 : i32
        %dma_start3A_1682 = tpu.memref_slice %arg4[%dma_start3A_1681, %multiple_of3A_1670] : memref<16x1000000xf32, #tpu.memory_space<hbm>> -> memref<16x128xf32, #tpu.memory_space<hbm>>
        %dma_start3A_1683 = arith.constant 0 : i32
        %dma_start3A_1684 = arith.constant 640 : i32
        %dma_start3A_1685 = tpu.memref_slice %arg9[%dma_start3A_1676, %dma_start3A_1683, %dma_start3A_1684] : memref<2x16x1024xf32, #tpu.memory_space<vmem>> -> memref<1x16x128xf32, #tpu.memory_space<vmem>>
        %dma_start3A_1686 = tpu.memref_squeeze %dma_start3A_1685 : memref<1x16x128xf32, #tpu.memory_space<vmem>> -> memref<16x128xf32, #tpu.memory_space<vmem>>
        %dma_start3A_1687 = arith.constant 0 : i32
        %dma_start3A_1688 = tpu.memref_slice %arg4[%dma_start3A_1687, %multiple_of3A_1670] : memref<16x1000000xf32, #tpu.memory_space<hbm>> -> memref<16x128xf32, #tpu.memory_space<hbm>>
        tpu.enqueue_dma source(%dma_start3A_1688 : memref<16x128xf32, #tpu.memory_space<hbm>>) target(%dma_start3A_1686 : memref<16x128xf32, #tpu.memory_space<vmem>>) target_semaphore(%arg12 : memref<!tpu.dma_semaphore, #tpu.memory_space<semaphore_mem>>)
        %dma_start3A_1689 = arith.constant 0 : i32
        %dma_start3A_1690 = arith.constant 0 : i32
        %dma_start3A_1691 = arith.constant 640 : i32
        %dma_start3A_1692 = tpu.memref_slice %arg10[%dma_start3A_1689, %dma_start3A_1690, %dma_start3A_1691] : memref<2x16x1024xf32, #tpu.memory_space<vmem>> -> memref<1x16x128xf32, #tpu.memory_space<vmem>>
        %dma_start3A_1693 = tpu.memref_squeeze %dma_start3A_1692 : memref<1x16x128xf32, #tpu.memory_space<vmem>> -> memref<16x128xf32, #tpu.memory_space<vmem>>
        %dma_start3A_1694 = arith.constant 0 : i32
        %dma_start3A_1695 = tpu.memref_slice %arg5[%dma_start3A_1694, %multiple_of3A_1675] : memref<16x1000000xf32, #tpu.memory_space<hbm>> -> memref<16x128xf32, #tpu.memory_space<hbm>>
        %dma_start3A_1696 = arith.constant 0 : i32
        %dma_start3A_1697 = arith.constant 640 : i32
        %dma_start3A_1698 = tpu.memref_slice %arg10[%dma_start3A_1689, %dma_start3A_1696, %dma_start3A_1697] : memref<2x16x1024xf32, #tpu.memory_space<vmem>> -> memref<1x16x128xf32, #tpu.memory_space<vmem>>
        %dma_start3A_1699 = tpu.memref_squeeze %dma_start3A_1698 : memref<1x16x128xf32, #tpu.memory_space<vmem>> -> memref<16x128xf32, #tpu.memory_space<vmem>>
        %dma_start3A_1700 = arith.constant 0 : i32
        %dma_start3A_1701 = tpu.memref_slice %arg5[%dma_start3A_1700, %multiple_of3A_1675] : memref<16x1000000xf32, #tpu.memory_space<hbm>> -> memref<16x128xf32, #tpu.memory_space<hbm>>
        tpu.enqueue_dma source(%dma_start3A_1701 : memref<16x128xf32, #tpu.memory_space<hbm>>) target(%dma_start3A_1699 : memref<16x128xf32, #tpu.memory_space<vmem>>) target_semaphore(%arg12 : memref<!tpu.dma_semaphore, #tpu.memory_space<semaphore_mem>>)
        %slice3A_1702 = vector.extract_strided_slice %get3A_672 {offsets = [6], sizes = [1], strides = [1]} : vector<16xi32> to vector<1xi32>
        %squeeze3A_1703 = vector.extract %slice3A_1702[0] : i32 from vector<1xi32>
        %slice3A_1704 = vector.extract_strided_slice %get3A_674 {offsets = [6], sizes = [1], strides = [1]} : vector<16xi32> to vector<1xi32>
        %squeeze3A_1705 = vector.extract %slice3A_1704[0] : i32 from vector<1xi32>
        %shift_right_arithmetic3A_1706 = arith.constant 7 : i32
        %shift_right_arithmetic3A_1707 = arith.shrsi %squeeze3A_1703, %shift_right_arithmetic3A_1706 : i32
        %shift_left3A_1708 = arith.constant 7 : i32
        %shift_left3A_1709 = arith.shli %shift_right_arithmetic3A_1707, %shift_left3A_1708 : i32
        %multiple_of3A_1710 = tpu.assume_multiple %shift_left3A_1709, 128 : i32
        %shift_right_arithmetic3A_1711 = arith.constant 7 : i32
        %shift_right_arithmetic3A_1712 = arith.shrsi %squeeze3A_1705, %shift_right_arithmetic3A_1711 : i32
        %shift_left3A_1713 = arith.constant 7 : i32
        %shift_left3A_1714 = arith.shli %shift_right_arithmetic3A_1712, %shift_left3A_1713 : i32
        %multiple_of3A_1715 = tpu.assume_multiple %shift_left3A_1714, 128 : i32
        %dma_start3A_1716 = arith.constant 0 : i32
        %dma_start3A_1717 = arith.constant 0 : i32
        %dma_start3A_1718 = arith.constant 768 : i32
        %dma_start3A_1719 = tpu.memref_slice %arg9[%dma_start3A_1716, %dma_start3A_1717, %dma_start3A_1718] : memref<2x16x1024xf32, #tpu.memory_space<vmem>> -> memref<1x16x128xf32, #tpu.memory_space<vmem>>
        %dma_start3A_1720 = tpu.memref_squeeze %dma_start3A_1719 : memref<1x16x128xf32, #tpu.memory_space<vmem>> -> memref<16x128xf32, #tpu.memory_space<vmem>>
        %dma_start3A_1721 = arith.constant 0 : i32
        %dma_start3A_1722 = tpu.memref_slice %arg4[%dma_start3A_1721, %multiple_of3A_1710] : memref<16x1000000xf32, #tpu.memory_space<hbm>> -> memref<16x128xf32, #tpu.memory_space<hbm>>
        %dma_start3A_1723 = arith.constant 0 : i32
        %dma_start3A_1724 = arith.constant 768 : i32
        %dma_start3A_1725 = tpu.memref_slice %arg9[%dma_start3A_1716, %dma_start3A_1723, %dma_start3A_1724] : memref<2x16x1024xf32, #tpu.memory_space<vmem>> -> memref<1x16x128xf32, #tpu.memory_space<vmem>>
        %dma_start3A_1726 = tpu.memref_squeeze %dma_start3A_1725 : memref<1x16x128xf32, #tpu.memory_space<vmem>> -> memref<16x128xf32, #tpu.memory_space<vmem>>
        %dma_start3A_1727 = arith.constant 0 : i32
        %dma_start3A_1728 = tpu.memref_slice %arg4[%dma_start3A_1727, %multiple_of3A_1710] : memref<16x1000000xf32, #tpu.memory_space<hbm>> -> memref<16x128xf32, #tpu.memory_space<hbm>>
        tpu.enqueue_dma source(%dma_start3A_1728 : memref<16x128xf32, #tpu.memory_space<hbm>>) target(%dma_start3A_1726 : memref<16x128xf32, #tpu.memory_space<vmem>>) target_semaphore(%arg12 : memref<!tpu.dma_semaphore, #tpu.memory_space<semaphore_mem>>)
        %dma_start3A_1729 = arith.constant 0 : i32
        %dma_start3A_1730 = arith.constant 0 : i32
        %dma_start3A_1731 = arith.constant 768 : i32
        %dma_start3A_1732 = tpu.memref_slice %arg10[%dma_start3A_1729, %dma_start3A_1730, %dma_start3A_1731] : memref<2x16x1024xf32, #tpu.memory_space<vmem>> -> memref<1x16x128xf32, #tpu.memory_space<vmem>>
        %dma_start3A_1733 = tpu.memref_squeeze %dma_start3A_1732 : memref<1x16x128xf32, #tpu.memory_space<vmem>> -> memref<16x128xf32, #tpu.memory_space<vmem>>
        %dma_start3A_1734 = arith.constant 0 : i32
        %dma_start3A_1735 = tpu.memref_slice %arg5[%dma_start3A_1734, %multiple_of3A_1715] : memref<16x1000000xf32, #tpu.memory_space<hbm>> -> memref<16x128xf32, #tpu.memory_space<hbm>>
        %dma_start3A_1736 = arith.constant 0 : i32
        %dma_start3A_1737 = arith.constant 768 : i32
        %dma_start3A_1738 = tpu.memref_slice %arg10[%dma_start3A_1729, %dma_start3A_1736, %dma_start3A_1737] : memref<2x16x1024xf32, #tpu.memory_space<vmem>> -> memref<1x16x128xf32, #tpu.memory_space<vmem>>
        %dma_start3A_1739 = tpu.memref_squeeze %dma_start3A_1738 : memref<1x16x128xf32, #tpu.memory_space<vmem>> -> memref<16x128xf32, #tpu.memory_space<vmem>>
        %dma_start3A_1740 = arith.constant 0 : i32
        %dma_start3A_1741 = tpu.memref_slice %arg5[%dma_start3A_1740, %multiple_of3A_1715] : memref<16x1000000xf32, #tpu.memory_space<hbm>> -> memref<16x128xf32, #tpu.memory_space<hbm>>
        tpu.enqueue_dma source(%dma_start3A_1741 : memref<16x128xf32, #tpu.memory_space<hbm>>) target(%dma_start3A_1739 : memref<16x128xf32, #tpu.memory_space<vmem>>) target_semaphore(%arg12 : memref<!tpu.dma_semaphore, #tpu.memory_space<semaphore_mem>>)
        %slice3A_1742 = vector.extract_strided_slice %get3A_672 {offsets = [7], sizes = [1], strides = [1]} : vector<16xi32> to vector<1xi32>
        %squeeze3A_1743 = vector.extract %slice3A_1742[0] : i32 from vector<1xi32>
        %slice3A_1744 = vector.extract_strided_slice %get3A_674 {offsets = [7], sizes = [1], strides = [1]} : vector<16xi32> to vector<1xi32>
        %squeeze3A_1745 = vector.extract %slice3A_1744[0] : i32 from vector<1xi32>
        %shift_right_arithmetic3A_1746 = arith.constant 7 : i32
        %shift_right_arithmetic3A_1747 = arith.shrsi %squeeze3A_1743, %shift_right_arithmetic3A_1746 : i32
        %shift_left3A_1748 = arith.constant 7 : i32
        %shift_left3A_1749 = arith.shli %shift_right_arithmetic3A_1747, %shift_left3A_1748 : i32
        %multiple_of3A_1750 = tpu.assume_multiple %shift_left3A_1749, 128 : i32
        %shift_right_arithmetic3A_1751 = arith.constant 7 : i32
        %shift_right_arithmetic3A_1752 = arith.shrsi %squeeze3A_1745, %shift_right_arithmetic3A_1751 : i32
        %shift_left3A_1753 = arith.constant 7 : i32
        %shift_left3A_1754 = arith.shli %shift_right_arithmetic3A_1752, %shift_left3A_1753 : i32
        %multiple_of3A_1755 = tpu.assume_multiple %shift_left3A_1754, 128 : i32
        %dma_start3A_1756 = arith.constant 0 : i32
        %dma_start3A_1757 = arith.constant 0 : i32
        %dma_start3A_1758 = arith.constant 896 : i32
        %dma_start3A_1759 = tpu.memref_slice %arg9[%dma_start3A_1756, %dma_start3A_1757, %dma_start3A_1758] : memref<2x16x1024xf32, #tpu.memory_space<vmem>> -> memref<1x16x128xf32, #tpu.memory_space<vmem>>
        %dma_start3A_1760 = tpu.memref_squeeze %dma_start3A_1759 : memref<1x16x128xf32, #tpu.memory_space<vmem>> -> memref<16x128xf32, #tpu.memory_space<vmem>>
        %dma_start3A_1761 = arith.constant 0 : i32
        %dma_start3A_1762 = tpu.memref_slice %arg4[%dma_start3A_1761, %multiple_of3A_1750] : memref<16x1000000xf32, #tpu.memory_space<hbm>> -> memref<16x128xf32, #tpu.memory_space<hbm>>
        %dma_start3A_1763 = arith.constant 0 : i32
        %dma_start3A_1764 = arith.constant 896 : i32
        %dma_start3A_1765 = tpu.memref_slice %arg9[%dma_start3A_1756, %dma_start3A_1763, %dma_start3A_1764] : memref<2x16x1024xf32, #tpu.memory_space<vmem>> -> memref<1x16x128xf32, #tpu.memory_space<vmem>>
        %dma_start3A_1766 = tpu.memref_squeeze %dma_start3A_1765 : memref<1x16x128xf32, #tpu.memory_space<vmem>> -> memref<16x128xf32, #tpu.memory_space<vmem>>
        %dma_start3A_1767 = arith.constant 0 : i32
        %dma_start3A_1768 = tpu.memref_slice %arg4[%dma_start3A_1767, %multiple_of3A_1750] : memref<16x1000000xf32, #tpu.memory_space<hbm>> -> memref<16x128xf32, #tpu.memory_space<hbm>>
        tpu.enqueue_dma source(%dma_start3A_1768 : memref<16x128xf32, #tpu.memory_space<hbm>>) target(%dma_start3A_1766 : memref<16x128xf32, #tpu.memory_space<vmem>>) target_semaphore(%arg12 : memref<!tpu.dma_semaphore, #tpu.memory_space<semaphore_mem>>)
        %dma_start3A_1769 = arith.constant 0 : i32
        %dma_start3A_1770 = arith.constant 0 : i32
        %dma_start3A_1771 = arith.constant 896 : i32
        %dma_start3A_1772 = tpu.memref_slice %arg10[%dma_start3A_1769, %dma_start3A_1770, %dma_start3A_1771] : memref<2x16x1024xf32, #tpu.memory_space<vmem>> -> memref<1x16x128xf32, #tpu.memory_space<vmem>>
        %dma_start3A_1773 = tpu.memref_squeeze %dma_start3A_1772 : memref<1x16x128xf32, #tpu.memory_space<vmem>> -> memref<16x128xf32, #tpu.memory_space<vmem>>
        %dma_start3A_1774 = arith.constant 0 : i32
        %dma_start3A_1775 = tpu.memref_slice %arg5[%dma_start3A_1774, %multiple_of3A_1755] : memref<16x1000000xf32, #tpu.memory_space<hbm>> -> memref<16x128xf32, #tpu.memory_space<hbm>>
        %dma_start3A_1776 = arith.constant 0 : i32
        %dma_start3A_1777 = arith.constant 896 : i32
        %dma_start3A_1778 = tpu.memref_slice %arg10[%dma_start3A_1769, %dma_start3A_1776, %dma_start3A_1777] : memref<2x16x1024xf32, #tpu.memory_space<vmem>> -> memref<1x16x128xf32, #tpu.memory_space<vmem>>
        %dma_start3A_1779 = tpu.memref_squeeze %dma_start3A_1778 : memref<1x16x128xf32, #tpu.memory_space<vmem>> -> memref<16x128xf32, #tpu.memory_space<vmem>>
        %dma_start3A_1780 = arith.constant 0 : i32
        %dma_start3A_1781 = tpu.memref_slice %arg5[%dma_start3A_1780, %multiple_of3A_1755] : memref<16x1000000xf32, #tpu.memory_space<hbm>> -> memref<16x128xf32, #tpu.memory_space<hbm>>
        tpu.enqueue_dma source(%dma_start3A_1781 : memref<16x128xf32, #tpu.memory_space<hbm>>) target(%dma_start3A_1779 : memref<16x128xf32, #tpu.memory_space<vmem>>) target_semaphore(%arg12 : memref<!tpu.dma_semaphore, #tpu.memory_space<semaphore_mem>>)
      } else {
      }
      %dma_wait3A_1064 = arith.constant 1 : i32
      %dma_wait3A_1065 = arith.constant 0 : i32
      %dma_wait3A_1066 = arith.constant 0 : i32
      %dma_wait3A_1067 = tpu.memref_slice %arg9[%dma_wait3A_1064, %dma_wait3A_1065, %dma_wait3A_1066] : memref<2x16x1024xf32, #tpu.memory_space<vmem>> -> memref<1x16x1024xf32, #tpu.memory_space<vmem>>
      %dma_wait3A_1068 = tpu.memref_squeeze %dma_wait3A_1067 : memref<1x16x1024xf32, #tpu.memory_space<vmem>> -> memref<16x1024xf32, #tpu.memory_space<vmem>>
      %dma_wait3A_1069 = arith.constant 0 : i32
      %dma_wait3A_1070 = arith.constant 0 : i32
      %dma_wait3A_1071 = tpu.memref_slice %arg4[%dma_wait3A_1069, %dma_wait3A_1070] : memref<16x1000000xf32, #tpu.memory_space<hbm>> -> memref<16x1024xf32, #tpu.memory_space<hbm>>
      %dma_wait3A_1072 = arith.constant 0 : i32
      %dma_wait3A_1073 = arith.constant 0 : i32
      %dma_wait3A_1074 = tpu.memref_slice %arg9[%dma_wait3A_1064, %dma_wait3A_1072, %dma_wait3A_1073] : memref<2x16x1024xf32, #tpu.memory_space<vmem>> -> memref<1x16x1024xf32, #tpu.memory_space<vmem>>
      %dma_wait3A_1075 = tpu.memref_squeeze %dma_wait3A_1074 : memref<1x16x1024xf32, #tpu.memory_space<vmem>> -> memref<16x1024xf32, #tpu.memory_space<vmem>>
      %dma_wait3A_1076 = arith.constant 0 : i32
      %dma_wait3A_1077 = arith.constant 0 : i32
      %dma_wait3A_1078 = tpu.memref_slice %arg4[%dma_wait3A_1076, %dma_wait3A_1077] : memref<16x1000000xf32, #tpu.memory_space<hbm>> -> memref<16x1024xf32, #tpu.memory_space<hbm>>
      tpu.wait_dma2 semaphore(%arg13 : memref<!tpu.dma_semaphore, #tpu.memory_space<semaphore_mem>>) src(%dma_wait3A_1078 : memref<16x1024xf32, #tpu.memory_space<hbm>>) dst(%dma_wait3A_1075 : memref<16x1024xf32, #tpu.memory_space<vmem>>)
      %dma_wait3A_1079 = arith.constant 1 : i32
      %dma_wait3A_1080 = arith.constant 0 : i32
      %dma_wait3A_1081 = arith.constant 0 : i32
      %dma_wait3A_1082 = tpu.memref_slice %arg10[%dma_wait3A_1079, %dma_wait3A_1080, %dma_wait3A_1081] : memref<2x16x1024xf32, #tpu.memory_space<vmem>> -> memref<1x16x1024xf32, #tpu.memory_space<vmem>>
      %dma_wait3A_1083 = tpu.memref_squeeze %dma_wait3A_1082 : memref<1x16x1024xf32, #tpu.memory_space<vmem>> -> memref<16x1024xf32, #tpu.memory_space<vmem>>
      %dma_wait3A_1084 = arith.constant 0 : i32
      %dma_wait3A_1085 = arith.constant 0 : i32
      %dma_wait3A_1086 = tpu.memref_slice %arg5[%dma_wait3A_1084, %dma_wait3A_1085] : memref<16x1000000xf32, #tpu.memory_space<hbm>> -> memref<16x1024xf32, #tpu.memory_space<hbm>>
      %dma_wait3A_1087 = arith.constant 0 : i32
      %dma_wait3A_1088 = arith.constant 0 : i32
      %dma_wait3A_1089 = tpu.memref_slice %arg10[%dma_wait3A_1079, %dma_wait3A_1087, %dma_wait3A_1088] : memref<2x16x1024xf32, #tpu.memory_space<vmem>> -> memref<1x16x1024xf32, #tpu.memory_space<vmem>>
      %dma_wait3A_1090 = tpu.memref_squeeze %dma_wait3A_1089 : memref<1x16x1024xf32, #tpu.memory_space<vmem>> -> memref<16x1024xf32, #tpu.memory_space<vmem>>
      %dma_wait3A_1091 = arith.constant 0 : i32
      %dma_wait3A_1092 = arith.constant 0 : i32
      %dma_wait3A_1093 = tpu.memref_slice %arg5[%dma_wait3A_1091, %dma_wait3A_1092] : memref<16x1000000xf32, #tpu.memory_space<hbm>> -> memref<16x1024xf32, #tpu.memory_space<hbm>>
      tpu.wait_dma2 semaphore(%arg13 : memref<!tpu.dma_semaphore, #tpu.memory_space<semaphore_mem>>) src(%dma_wait3A_1093 : memref<16x1024xf32, #tpu.memory_space<hbm>>) dst(%dma_wait3A_1090 : memref<16x1024xf32, #tpu.memory_space<vmem>>)
      %slice3A_1094 = vector.extract_strided_slice %get3A_663 {offsets = [8], sizes = [1], strides = [1]} : vector<16xi32> to vector<1xi32>
      %squeeze3A_1095 = vector.extract %slice3A_1094[0] : i32 from vector<1xi32>
      %slice3A_1096 = vector.extract_strided_slice %get3A_665 {offsets = [8], sizes = [1], strides = [1]} : vector<16xi32> to vector<1xi32>
      %squeeze3A_1097 = vector.extract %slice3A_1096[0] : i32 from vector<1xi32>
      %broadcast_in_dim3A_1098 = arith.constant 0 : i32
      %broadcast_in_dim3A_1099 = vector.broadcast %broadcast_in_dim3A_1098 : i32 to vector<16xi32>
      %and3A_1100 = arith.constant 127 : i32
      %and3A_1101 = arith.andi %squeeze3A_1095, %and3A_1100 : i32
      %add3A_1102 = vector.broadcast %and3A_1101 : i32 to vector<16xi32>
      %add3A_1103 = arith.addi %broadcast_in_dim3A_1099, %add3A_1102 : vector<16xi32>
      %broadcast_in_dim3A_1104 = arith.constant 0 : i32
      %broadcast_in_dim3A_1105 = vector.broadcast %broadcast_in_dim3A_1104 : i32 to vector<16xi32>
      %and3A_1106 = arith.constant 127 : i32
      %and3A_1107 = arith.andi %squeeze3A_1097, %and3A_1106 : i32
      %add3A_1108 = vector.broadcast %and3A_1107 : i32 to vector<16xi32>
      %add3A_1109 = arith.addi %broadcast_in_dim3A_1105, %add3A_1108 : vector<16xi32>
      %gather3A_1110 = arith.constant 1 : i32
      %gather3A_1111 = arith.constant 0 : i32
      %gather3A_1112 = arith.constant 0 : i32
      %gather3A_1113 = tpu.memref_slice %arg9[%gather3A_1110, %gather3A_1111, %gather3A_1112] : memref<2x16x1024xf32, #tpu.memory_space<vmem>> -> memref<1x16x1024xf32, #tpu.memory_space<vmem>>
      %gather3A_1114 = tpu.memref_squeeze %gather3A_1113 : memref<1x16x1024xf32, #tpu.memory_space<vmem>> -> memref<16x1024xf32, #tpu.memory_space<vmem>>
      %gather3A_1115 = tpu.vector_load_idx %gather3A_1114[%iota3A, %add3A_1103] : memref<16x1024xf32, #tpu.memory_space<vmem>>[vector<16xi32>, vector<16xi32>], vector<16xf32>,
      %gather3A_1116 = arith.constant 1 : i32
      %gather3A_1117 = arith.constant 0 : i32
      %gather3A_1118 = arith.constant 0 : i32
      %gather3A_1119 = tpu.memref_slice %arg10[%gather3A_1116, %gather3A_1117, %gather3A_1118] : memref<2x16x1024xf32, #tpu.memory_space<vmem>> -> memref<1x16x1024xf32, #tpu.memory_space<vmem>>
      %gather3A_1120 = tpu.memref_squeeze %gather3A_1119 : memref<1x16x1024xf32, #tpu.memory_space<vmem>> -> memref<16x1024xf32, #tpu.memory_space<vmem>>
      %gather3A_1121 = tpu.vector_load_idx %gather3A_1120[%iota3A, %add3A_1109] : memref<16x1024xf32, #tpu.memory_space<vmem>>[vector<16xi32>, vector<16xi32>], vector<16xf32>,
      %mul3A_1122 = arith.mulf %gather3A_1115, %gather3A_1121 : vector<16xf32>
      %gather3A_1123 = vector.shape_cast %reshape3A : vector<16x1xi32> to vector<16xi32>
      %gather3A_1124 = tpu.dynamic_gather %mul3A_1122[%gather3A_1123] in [0] : vector<16xf32>, vector<16xi32> -> vector<16xf32>
      %add3A_1125 = arith.addf %mul3A_1122, %gather3A_1124 : vector<16xf32>
      %gather3A_1126 = vector.shape_cast %reshape3A_8 : vector<16x1xi32> to vector<16xi32>
      %gather3A_1127 = tpu.dynamic_gather %add3A_1125[%gather3A_1126] in [0] : vector<16xf32>, vector<16xi32> -> vector<16xf32>
      %add3A_1128 = arith.addf %add3A_1125, %gather3A_1127 : vector<16xf32>
      %gather3A_1129 = vector.shape_cast %reshape3A_12 : vector<16x1xi32> to vector<16xi32>
      %gather3A_1130 = tpu.dynamic_gather %add3A_1128[%gather3A_1129] in [0] : vector<16xf32>, vector<16xi32> -> vector<16xf32>
      %add3A_1131 = arith.addf %add3A_1128, %gather3A_1130 : vector<16xf32>
      %gather3A_1132 = vector.shape_cast %reshape3A_16 : vector<16x1xi32> to vector<16xi32>
      %gather3A_1133 = tpu.dynamic_gather %add3A_1131[%gather3A_1132] in [0] : vector<16xf32>, vector<16xi32> -> vector<16xf32>
      %add3A_1134 = arith.addf %add3A_1131, %gather3A_1133 : vector<16xf32>
      %eq3A_1135 = arith.constant 8 : i32
      %eq3A_1136 = vector.broadcast %eq3A_1135 : i32 to vector<16xi32>
      %eq3A_1137 = arith.cmpi eq, %iota3A, %eq3A_1136 : vector<16xi32>
      %select_n3A_1138 = arith.select %eq3A_1137, %add3A_1134, %select_n3A_1061 : vector<16xi1>, vector<16xf32>
      %slice3A_1139 = vector.extract_strided_slice %get3A_663 {offsets = [9], sizes = [1], strides = [1]} : vector<16xi32> to vector<1xi32>
      %squeeze3A_1140 = vector.extract %slice3A_1139[0] : i32 from vector<1xi32>
      %slice3A_1141 = vector.extract_strided_slice %get3A_665 {offsets = [9], sizes = [1], strides = [1]} : vector<16xi32> to vector<1xi32>
      %squeeze3A_1142 = vector.extract %slice3A_1141[0] : i32 from vector<1xi32>
      %broadcast_in_dim3A_1143 = arith.constant 128 : i32
      %broadcast_in_dim3A_1144 = vector.broadcast %broadcast_in_dim3A_1143 : i32 to vector<16xi32>
      %and3A_1145 = arith.constant 127 : i32
      %and3A_1146 = arith.andi %squeeze3A_1140, %and3A_1145 : i32
      %add3A_1147 = vector.broadcast %and3A_1146 : i32 to vector<16xi32>
      %add3A_1148 = arith.addi %broadcast_in_dim3A_1144, %add3A_1147 : vector<16xi32>
      %broadcast_in_dim3A_1149 = arith.constant 128 : i32
      %broadcast_in_dim3A_1150 = vector.broadcast %broadcast_in_dim3A_1149 : i32 to vector<16xi32>
      %and3A_1151 = arith.constant 127 : i32
      %and3A_1152 = arith.andi %squeeze3A_1142, %and3A_1151 : i32
      %add3A_1153 = vector.broadcast %and3A_1152 : i32 to vector<16xi32>
      %add3A_1154 = arith.addi %broadcast_in_dim3A_1150, %add3A_1153 : vector<16xi32>
      %gather3A_1155 = arith.constant 1 : i32
      %gather3A_1156 = arith.constant 0 : i32
      %gather3A_1157 = arith.constant 0 : i32
      %gather3A_1158 = tpu.memref_slice %arg9[%gather3A_1155, %gather3A_1156, %gather3A_1157] : memref<2x16x1024xf32, #tpu.memory_space<vmem>> -> memref<1x16x1024xf32, #tpu.memory_space<vmem>>
      %gather3A_1159 = tpu.memref_squeeze %gather3A_1158 : memref<1x16x1024xf32, #tpu.memory_space<vmem>> -> memref<16x1024xf32, #tpu.memory_space<vmem>>
      %gather3A_1160 = tpu.vector_load_idx %gather3A_1159[%iota3A, %add3A_1148] : memref<16x1024xf32, #tpu.memory_space<vmem>>[vector<16xi32>, vector<16xi32>], vector<16xf32>,
      %gather3A_1161 = arith.constant 1 : i32
      %gather3A_1162 = arith.constant 0 : i32
      %gather3A_1163 = arith.constant 0 : i32
      %gather3A_1164 = tpu.memref_slice %arg10[%gather3A_1161, %gather3A_1162, %gather3A_1163] : memref<2x16x1024xf32, #tpu.memory_space<vmem>> -> memref<1x16x1024xf32, #tpu.memory_space<vmem>>
      %gather3A_1165 = tpu.memref_squeeze %gather3A_1164 : memref<1x16x1024xf32, #tpu.memory_space<vmem>> -> memref<16x1024xf32, #tpu.memory_space<vmem>>
      %gather3A_1166 = tpu.vector_load_idx %gather3A_1165[%iota3A, %add3A_1154] : memref<16x1024xf32, #tpu.memory_space<vmem>>[vector<16xi32>, vector<16xi32>], vector<16xf32>,
      %mul3A_1167 = arith.mulf %gather3A_1160, %gather3A_1166 : vector<16xf32>
      %gather3A_1168 = vector.shape_cast %reshape3A : vector<16x1xi32> to vector<16xi32>
      %gather3A_1169 = tpu.dynamic_gather %mul3A_1167[%gather3A_1168] in [0] : vector<16xf32>, vector<16xi32> -> vector<16xf32>
      %add3A_1170 = arith.addf %mul3A_1167, %gather3A_1169 : vector<16xf32>
      %gather3A_1171 = vector.shape_cast %reshape3A_8 : vector<16x1xi32> to vector<16xi32>
      %gather3A_1172 = tpu.dynamic_gather %add3A_1170[%gather3A_1171] in [0] : vector<16xf32>, vector<16xi32> -> vector<16xf32>
      %add3A_1173 = arith.addf %add3A_1170, %gather3A_1172 : vector<16xf32>
      %gather3A_1174 = vector.shape_cast %reshape3A_12 : vector<16x1xi32> to vector<16xi32>
      %gather3A_1175 = tpu.dynamic_gather %add3A_1173[%gather3A_1174] in [0] : vector<16xf32>, vector<16xi32> -> vector<16xf32>
      %add3A_1176 = arith.addf %add3A_1173, %gather3A_1175 : vector<16xf32>
      %gather3A_1177 = vector.shape_cast %reshape3A_16 : vector<16x1xi32> to vector<16xi32>
      %gather3A_1178 = tpu.dynamic_gather %add3A_1176[%gather3A_1177] in [0] : vector<16xf32>, vector<16xi32> -> vector<16xf32>
      %add3A_1179 = arith.addf %add3A_1176, %gather3A_1178 : vector<16xf32>
      %eq3A_1180 = arith.constant 9 : i32
      %eq3A_1181 = vector.broadcast %eq3A_1180 : i32 to vector<16xi32>
      %eq3A_1182 = arith.cmpi eq, %iota3A, %eq3A_1181 : vector<16xi32>
      %select_n3A_1183 = arith.select %eq3A_1182, %add3A_1179, %select_n3A_1138 : vector<16xi1>, vector<16xf32>
      %slice3A_1184 = vector.extract_strided_slice %get3A_663 {offsets = [10], sizes = [1], strides = [1]} : vector<16xi32> to vector<1xi32>
      %squeeze3A_1185 = vector.extract %slice3A_1184[0] : i32 from vector<1xi32>
      %slice3A_1186 = vector.extract_strided_slice %get3A_665 {offsets = [10], sizes = [1], strides = [1]} : vector<16xi32> to vector<1xi32>
      %squeeze3A_1187 = vector.extract %slice3A_1186[0] : i32 from vector<1xi32>
      %broadcast_in_dim3A_1188 = arith.constant 256 : i32
      %broadcast_in_dim3A_1189 = vector.broadcast %broadcast_in_dim3A_1188 : i32 to vector<16xi32>
      %and3A_1190 = arith.constant 127 : i32
      %and3A_1191 = arith.andi %squeeze3A_1185, %and3A_1190 : i32
      %add3A_1192 = vector.broadcast %and3A_1191 : i32 to vector<16xi32>
      %add3A_1193 = arith.addi %broadcast_in_dim3A_1189, %add3A_1192 : vector<16xi32>
      %broadcast_in_dim3A_1194 = arith.constant 256 : i32
      %broadcast_in_dim3A_1195 = vector.broadcast %broadcast_in_dim3A_1194 : i32 to vector<16xi32>
      %and3A_1196 = arith.constant 127 : i32
      %and3A_1197 = arith.andi %squeeze3A_1187, %and3A_1196 : i32
      %add3A_1198 = vector.broadcast %and3A_1197 : i32 to vector<16xi32>
      %add3A_1199 = arith.addi %broadcast_in_dim3A_1195, %add3A_1198 : vector<16xi32>
      %gather3A_1200 = arith.constant 1 : i32
      %gather3A_1201 = arith.constant 0 : i32
      %gather3A_1202 = arith.constant 0 : i32
      %gather3A_1203 = tpu.memref_slice %arg9[%gather3A_1200, %gather3A_1201, %gather3A_1202] : memref<2x16x1024xf32, #tpu.memory_space<vmem>> -> memref<1x16x1024xf32, #tpu.memory_space<vmem>>
      %gather3A_1204 = tpu.memref_squeeze %gather3A_1203 : memref<1x16x1024xf32, #tpu.memory_space<vmem>> -> memref<16x1024xf32, #tpu.memory_space<vmem>>
      %gather3A_1205 = tpu.vector_load_idx %gather3A_1204[%iota3A, %add3A_1193] : memref<16x1024xf32, #tpu.memory_space<vmem>>[vector<16xi32>, vector<16xi32>], vector<16xf32>,
      %gather3A_1206 = arith.constant 1 : i32
      %gather3A_1207 = arith.constant 0 : i32
      %gather3A_1208 = arith.constant 0 : i32
      %gather3A_1209 = tpu.memref_slice %arg10[%gather3A_1206, %gather3A_1207, %gather3A_1208] : memref<2x16x1024xf32, #tpu.memory_space<vmem>> -> memref<1x16x1024xf32, #tpu.memory_space<vmem>>
      %gather3A_1210 = tpu.memref_squeeze %gather3A_1209 : memref<1x16x1024xf32, #tpu.memory_space<vmem>> -> memref<16x1024xf32, #tpu.memory_space<vmem>>
      %gather3A_1211 = tpu.vector_load_idx %gather3A_1210[%iota3A, %add3A_1199] : memref<16x1024xf32, #tpu.memory_space<vmem>>[vector<16xi32>, vector<16xi32>], vector<16xf32>,
      %mul3A_1212 = arith.mulf %gather3A_1205, %gather3A_1211 : vector<16xf32>
      %gather3A_1213 = vector.shape_cast %reshape3A : vector<16x1xi32> to vector<16xi32>
      %gather3A_1214 = tpu.dynamic_gather %mul3A_1212[%gather3A_1213] in [0] : vector<16xf32>, vector<16xi32> -> vector<16xf32>
      %add3A_1215 = arith.addf %mul3A_1212, %gather3A_1214 : vector<16xf32>
      %gather3A_1216 = vector.shape_cast %reshape3A_8 : vector<16x1xi32> to vector<16xi32>
      %gather3A_1217 = tpu.dynamic_gather %add3A_1215[%gather3A_1216] in [0] : vector<16xf32>, vector<16xi32> -> vector<16xf32>
      %add3A_1218 = arith.addf %add3A_1215, %gather3A_1217 : vector<16xf32>
      %gather3A_1219 = vector.shape_cast %reshape3A_12 : vector<16x1xi32> to vector<16xi32>
      %gather3A_1220 = tpu.dynamic_gather %add3A_1218[%gather3A_1219] in [0] : vector<16xf32>, vector<16xi32> -> vector<16xf32>
      %add3A_1221 = arith.addf %add3A_1218, %gather3A_1220 : vector<16xf32>
      %gather3A_1222 = vector.shape_cast %reshape3A_16 : vector<16x1xi32> to vector<16xi32>
      %gather3A_1223 = tpu.dynamic_gather %add3A_1221[%gather3A_1222] in [0] : vector<16xf32>, vector<16xi32> -> vector<16xf32>
      %add3A_1224 = arith.addf %add3A_1221, %gather3A_1223 : vector<16xf32>
      %eq3A_1225 = arith.constant 10 : i32
      %eq3A_1226 = vector.broadcast %eq3A_1225 : i32 to vector<16xi32>
      %eq3A_1227 = arith.cmpi eq, %iota3A, %eq3A_1226 : vector<16xi32>
      %select_n3A_1228 = arith.select %eq3A_1227, %add3A_1224, %select_n3A_1183 : vector<16xi1>, vector<16xf32>
      %slice3A_1229 = vector.extract_strided_slice %get3A_663 {offsets = [11], sizes = [1], strides = [1]} : vector<16xi32> to vector<1xi32>
      %squeeze3A_1230 = vector.extract %slice3A_1229[0] : i32 from vector<1xi32>
      %slice3A_1231 = vector.extract_strided_slice %get3A_665 {offsets = [11], sizes = [1], strides = [1]} : vector<16xi32> to vector<1xi32>
      %squeeze3A_1232 = vector.extract %slice3A_1231[0] : i32 from vector<1xi32>
      %broadcast_in_dim3A_1233 = arith.constant 384 : i32
      %broadcast_in_dim3A_1234 = vector.broadcast %broadcast_in_dim3A_1233 : i32 to vector<16xi32>
      %and3A_1235 = arith.constant 127 : i32
      %and3A_1236 = arith.andi %squeeze3A_1230, %and3A_1235 : i32
      %add3A_1237 = vector.broadcast %and3A_1236 : i32 to vector<16xi32>
      %add3A_1238 = arith.addi %broadcast_in_dim3A_1234, %add3A_1237 : vector<16xi32>
      %broadcast_in_dim3A_1239 = arith.constant 384 : i32
      %broadcast_in_dim3A_1240 = vector.broadcast %broadcast_in_dim3A_1239 : i32 to vector<16xi32>
      %and3A_1241 = arith.constant 127 : i32
      %and3A_1242 = arith.andi %squeeze3A_1232, %and3A_1241 : i32
      %add3A_1243 = vector.broadcast %and3A_1242 : i32 to vector<16xi32>
      %add3A_1244 = arith.addi %broadcast_in_dim3A_1240, %add3A_1243 : vector<16xi32>
      %gather3A_1245 = arith.constant 1 : i32
      %gather3A_1246 = arith.constant 0 : i32
      %gather3A_1247 = arith.constant 0 : i32
      %gather3A_1248 = tpu.memref_slice %arg9[%gather3A_1245, %gather3A_1246, %gather3A_1247] : memref<2x16x1024xf32, #tpu.memory_space<vmem>> -> memref<1x16x1024xf32, #tpu.memory_space<vmem>>
      %gather3A_1249 = tpu.memref_squeeze %gather3A_1248 : memref<1x16x1024xf32, #tpu.memory_space<vmem>> -> memref<16x1024xf32, #tpu.memory_space<vmem>>
      %gather3A_1250 = tpu.vector_load_idx %gather3A_1249[%iota3A, %add3A_1238] : memref<16x1024xf32, #tpu.memory_space<vmem>>[vector<16xi32>, vector<16xi32>], vector<16xf32>,
      %gather3A_1251 = arith.constant 1 : i32
      %gather3A_1252 = arith.constant 0 : i32
      %gather3A_1253 = arith.constant 0 : i32
      %gather3A_1254 = tpu.memref_slice %arg10[%gather3A_1251, %gather3A_1252, %gather3A_1253] : memref<2x16x1024xf32, #tpu.memory_space<vmem>> -> memref<1x16x1024xf32, #tpu.memory_space<vmem>>
      %gather3A_1255 = tpu.memref_squeeze %gather3A_1254 : memref<1x16x1024xf32, #tpu.memory_space<vmem>> -> memref<16x1024xf32, #tpu.memory_space<vmem>>
      %gather3A_1256 = tpu.vector_load_idx %gather3A_1255[%iota3A, %add3A_1244] : memref<16x1024xf32, #tpu.memory_space<vmem>>[vector<16xi32>, vector<16xi32>], vector<16xf32>,
      %mul3A_1257 = arith.mulf %gather3A_1250, %gather3A_1256 : vector<16xf32>
      %gather3A_1258 = vector.shape_cast %reshape3A : vector<16x1xi32> to vector<16xi32>
      %gather3A_1259 = tpu.dynamic_gather %mul3A_1257[%gather3A_1258] in [0] : vector<16xf32>, vector<16xi32> -> vector<16xf32>
      %add3A_1260 = arith.addf %mul3A_1257, %gather3A_1259 : vector<16xf32>
      %gather3A_1261 = vector.shape_cast %reshape3A_8 : vector<16x1xi32> to vector<16xi32>
      %gather3A_1262 = tpu.dynamic_gather %add3A_1260[%gather3A_1261] in [0] : vector<16xf32>, vector<16xi32> -> vector<16xf32>
      %add3A_1263 = arith.addf %add3A_1260, %gather3A_1262 : vector<16xf32>
      %gather3A_1264 = vector.shape_cast %reshape3A_12 : vector<16x1xi32> to vector<16xi32>
      %gather3A_1265 = tpu.dynamic_gather %add3A_1263[%gather3A_1264] in [0] : vector<16xf32>, vector<16xi32> -> vector<16xf32>
      %add3A_1266 = arith.addf %add3A_1263, %gather3A_1265 : vector<16xf32>
      %gather3A_1267 = vector.shape_cast %reshape3A_16 : vector<16x1xi32> to vector<16xi32>
      %gather3A_1268 = tpu.dynamic_gather %add3A_1266[%gather3A_1267] in [0] : vector<16xf32>, vector<16xi32> -> vector<16xf32>
      %add3A_1269 = arith.addf %add3A_1266, %gather3A_1268 : vector<16xf32>
      %eq3A_1270 = arith.constant 11 : i32
      %eq3A_1271 = vector.broadcast %eq3A_1270 : i32 to vector<16xi32>
      %eq3A_1272 = arith.cmpi eq, %iota3A, %eq3A_1271 : vector<16xi32>
      %select_n3A_1273 = arith.select %eq3A_1272, %add3A_1269, %select_n3A_1228 : vector<16xi1>, vector<16xf32>
      %slice3A_1274 = vector.extract_strided_slice %get3A_663 {offsets = [12], sizes = [1], strides = [1]} : vector<16xi32> to vector<1xi32>
      %squeeze3A_1275 = vector.extract %slice3A_1274[0] : i32 from vector<1xi32>
      %slice3A_1276 = vector.extract_strided_slice %get3A_665 {offsets = [12], sizes = [1], strides = [1]} : vector<16xi32> to vector<1xi32>
      %squeeze3A_1277 = vector.extract %slice3A_1276[0] : i32 from vector<1xi32>
      %broadcast_in_dim3A_1278 = arith.constant 512 : i32
      %broadcast_in_dim3A_1279 = vector.broadcast %broadcast_in_dim3A_1278 : i32 to vector<16xi32>
      %and3A_1280 = arith.constant 127 : i32
      %and3A_1281 = arith.andi %squeeze3A_1275, %and3A_1280 : i32
      %add3A_1282 = vector.broadcast %and3A_1281 : i32 to vector<16xi32>
      %add3A_1283 = arith.addi %broadcast_in_dim3A_1279, %add3A_1282 : vector<16xi32>
      %broadcast_in_dim3A_1284 = arith.constant 512 : i32
      %broadcast_in_dim3A_1285 = vector.broadcast %broadcast_in_dim3A_1284 : i32 to vector<16xi32>
      %and3A_1286 = arith.constant 127 : i32
      %and3A_1287 = arith.andi %squeeze3A_1277, %and3A_1286 : i32
      %add3A_1288 = vector.broadcast %and3A_1287 : i32 to vector<16xi32>
      %add3A_1289 = arith.addi %broadcast_in_dim3A_1285, %add3A_1288 : vector<16xi32>
      %gather3A_1290 = arith.constant 1 : i32
      %gather3A_1291 = arith.constant 0 : i32
      %gather3A_1292 = arith.constant 0 : i32
      %gather3A_1293 = tpu.memref_slice %arg9[%gather3A_1290, %gather3A_1291, %gather3A_1292] : memref<2x16x1024xf32, #tpu.memory_space<vmem>> -> memref<1x16x1024xf32, #tpu.memory_space<vmem>>
      %gather3A_1294 = tpu.memref_squeeze %gather3A_1293 : memref<1x16x1024xf32, #tpu.memory_space<vmem>> -> memref<16x1024xf32, #tpu.memory_space<vmem>>
      %gather3A_1295 = tpu.vector_load_idx %gather3A_1294[%iota3A, %add3A_1283] : memref<16x1024xf32, #tpu.memory_space<vmem>>[vector<16xi32>, vector<16xi32>], vector<16xf32>,
      %gather3A_1296 = arith.constant 1 : i32
      %gather3A_1297 = arith.constant 0 : i32
      %gather3A_1298 = arith.constant 0 : i32
      %gather3A_1299 = tpu.memref_slice %arg10[%gather3A_1296, %gather3A_1297, %gather3A_1298] : memref<2x16x1024xf32, #tpu.memory_space<vmem>> -> memref<1x16x1024xf32, #tpu.memory_space<vmem>>
      %gather3A_1300 = tpu.memref_squeeze %gather3A_1299 : memref<1x16x1024xf32, #tpu.memory_space<vmem>> -> memref<16x1024xf32, #tpu.memory_space<vmem>>
      %gather3A_1301 = tpu.vector_load_idx %gather3A_1300[%iota3A, %add3A_1289] : memref<16x1024xf32, #tpu.memory_space<vmem>>[vector<16xi32>, vector<16xi32>], vector<16xf32>,
      %mul3A_1302 = arith.mulf %gather3A_1295, %gather3A_1301 : vector<16xf32>
      %gather3A_1303 = vector.shape_cast %reshape3A : vector<16x1xi32> to vector<16xi32>
      %gather3A_1304 = tpu.dynamic_gather %mul3A_1302[%gather3A_1303] in [0] : vector<16xf32>, vector<16xi32> -> vector<16xf32>
      %add3A_1305 = arith.addf %mul3A_1302, %gather3A_1304 : vector<16xf32>
      %gather3A_1306 = vector.shape_cast %reshape3A_8 : vector<16x1xi32> to vector<16xi32>
      %gather3A_1307 = tpu.dynamic_gather %add3A_1305[%gather3A_1306] in [0] : vector<16xf32>, vector<16xi32> -> vector<16xf32>
      %add3A_1308 = arith.addf %add3A_1305, %gather3A_1307 : vector<16xf32>
      %gather3A_1309 = vector.shape_cast %reshape3A_12 : vector<16x1xi32> to vector<16xi32>
      %gather3A_1310 = tpu.dynamic_gather %add3A_1308[%gather3A_1309] in [0] : vector<16xf32>, vector<16xi32> -> vector<16xf32>
      %add3A_1311 = arith.addf %add3A_1308, %gather3A_1310 : vector<16xf32>
      %gather3A_1312 = vector.shape_cast %reshape3A_16 : vector<16x1xi32> to vector<16xi32>
      %gather3A_1313 = tpu.dynamic_gather %add3A_1311[%gather3A_1312] in [0] : vector<16xf32>, vector<16xi32> -> vector<16xf32>
      %add3A_1314 = arith.addf %add3A_1311, %gather3A_1313 : vector<16xf32>
      %eq3A_1315 = arith.constant 12 : i32
      %eq3A_1316 = vector.broadcast %eq3A_1315 : i32 to vector<16xi32>
      %eq3A_1317 = arith.cmpi eq, %iota3A, %eq3A_1316 : vector<16xi32>
      %select_n3A_1318 = arith.select %eq3A_1317, %add3A_1314, %select_n3A_1273 : vector<16xi1>, vector<16xf32>
      %slice3A_1319 = vector.extract_strided_slice %get3A_663 {offsets = [13], sizes = [1], strides = [1]} : vector<16xi32> to vector<1xi32>
      %squeeze3A_1320 = vector.extract %slice3A_1319[0] : i32 from vector<1xi32>
      %slice3A_1321 = vector.extract_strided_slice %get3A_665 {offsets = [13], sizes = [1], strides = [1]} : vector<16xi32> to vector<1xi32>
      %squeeze3A_1322 = vector.extract %slice3A_1321[0] : i32 from vector<1xi32>
      %broadcast_in_dim3A_1323 = arith.constant 640 : i32
      %broadcast_in_dim3A_1324 = vector.broadcast %broadcast_in_dim3A_1323 : i32 to vector<16xi32>
      %and3A_1325 = arith.constant 127 : i32
      %and3A_1326 = arith.andi %squeeze3A_1320, %and3A_1325 : i32
      %add3A_1327 = vector.broadcast %and3A_1326 : i32 to vector<16xi32>
      %add3A_1328 = arith.addi %broadcast_in_dim3A_1324, %add3A_1327 : vector<16xi32>
      %broadcast_in_dim3A_1329 = arith.constant 640 : i32
      %broadcast_in_dim3A_1330 = vector.broadcast %broadcast_in_dim3A_1329 : i32 to vector<16xi32>
      %and3A_1331 = arith.constant 127 : i32
      %and3A_1332 = arith.andi %squeeze3A_1322, %and3A_1331 : i32
      %add3A_1333 = vector.broadcast %and3A_1332 : i32 to vector<16xi32>
      %add3A_1334 = arith.addi %broadcast_in_dim3A_1330, %add3A_1333 : vector<16xi32>
      %gather3A_1335 = arith.constant 1 : i32
      %gather3A_1336 = arith.constant 0 : i32
      %gather3A_1337 = arith.constant 0 : i32
      %gather3A_1338 = tpu.memref_slice %arg9[%gather3A_1335, %gather3A_1336, %gather3A_1337] : memref<2x16x1024xf32, #tpu.memory_space<vmem>> -> memref<1x16x1024xf32, #tpu.memory_space<vmem>>
      %gather3A_1339 = tpu.memref_squeeze %gather3A_1338 : memref<1x16x1024xf32, #tpu.memory_space<vmem>> -> memref<16x1024xf32, #tpu.memory_space<vmem>>
      %gather3A_1340 = tpu.vector_load_idx %gather3A_1339[%iota3A, %add3A_1328] : memref<16x1024xf32, #tpu.memory_space<vmem>>[vector<16xi32>, vector<16xi32>], vector<16xf32>,
      %gather3A_1341 = arith.constant 1 : i32
      %gather3A_1342 = arith.constant 0 : i32
      %gather3A_1343 = arith.constant 0 : i32
      %gather3A_1344 = tpu.memref_slice %arg10[%gather3A_1341, %gather3A_1342, %gather3A_1343] : memref<2x16x1024xf32, #tpu.memory_space<vmem>> -> memref<1x16x1024xf32, #tpu.memory_space<vmem>>
      %gather3A_1345 = tpu.memref_squeeze %gather3A_1344 : memref<1x16x1024xf32, #tpu.memory_space<vmem>> -> memref<16x1024xf32, #tpu.memory_space<vmem>>
      %gather3A_1346 = tpu.vector_load_idx %gather3A_1345[%iota3A, %add3A_1334] : memref<16x1024xf32, #tpu.memory_space<vmem>>[vector<16xi32>, vector<16xi32>], vector<16xf32>,
      %mul3A_1347 = arith.mulf %gather3A_1340, %gather3A_1346 : vector<16xf32>
      %gather3A_1348 = vector.shape_cast %reshape3A : vector<16x1xi32> to vector<16xi32>
      %gather3A_1349 = tpu.dynamic_gather %mul3A_1347[%gather3A_1348] in [0] : vector<16xf32>, vector<16xi32> -> vector<16xf32>
      %add3A_1350 = arith.addf %mul3A_1347, %gather3A_1349 : vector<16xf32>
      %gather3A_1351 = vector.shape_cast %reshape3A_8 : vector<16x1xi32> to vector<16xi32>
      %gather3A_1352 = tpu.dynamic_gather %add3A_1350[%gather3A_1351] in [0] : vector<16xf32>, vector<16xi32> -> vector<16xf32>
      %add3A_1353 = arith.addf %add3A_1350, %gather3A_1352 : vector<16xf32>
      %gather3A_1354 = vector.shape_cast %reshape3A_12 : vector<16x1xi32> to vector<16xi32>
      %gather3A_1355 = tpu.dynamic_gather %add3A_1353[%gather3A_1354] in [0] : vector<16xf32>, vector<16xi32> -> vector<16xf32>
      %add3A_1356 = arith.addf %add3A_1353, %gather3A_1355 : vector<16xf32>
      %gather3A_1357 = vector.shape_cast %reshape3A_16 : vector<16x1xi32> to vector<16xi32>
      %gather3A_1358 = tpu.dynamic_gather %add3A_1356[%gather3A_1357] in [0] : vector<16xf32>, vector<16xi32> -> vector<16xf32>
      %add3A_1359 = arith.addf %add3A_1356, %gather3A_1358 : vector<16xf32>
      %eq3A_1360 = arith.constant 13 : i32
      %eq3A_1361 = vector.broadcast %eq3A_1360 : i32 to vector<16xi32>
      %eq3A_1362 = arith.cmpi eq, %iota3A, %eq3A_1361 : vector<16xi32>
      %select_n3A_1363 = arith.select %eq3A_1362, %add3A_1359, %select_n3A_1318 : vector<16xi1>, vector<16xf32>
      %slice3A_1364 = vector.extract_strided_slice %get3A_663 {offsets = [14], sizes = [1], strides = [1]} : vector<16xi32> to vector<1xi32>
      %squeeze3A_1365 = vector.extract %slice3A_1364[0] : i32 from vector<1xi32>
      %slice3A_1366 = vector.extract_strided_slice %get3A_665 {offsets = [14], sizes = [1], strides = [1]} : vector<16xi32> to vector<1xi32>
      %squeeze3A_1367 = vector.extract %slice3A_1366[0] : i32 from vector<1xi32>
      %broadcast_in_dim3A_1368 = arith.constant 768 : i32
      %broadcast_in_dim3A_1369 = vector.broadcast %broadcast_in_dim3A_1368 : i32 to vector<16xi32>
      %and3A_1370 = arith.constant 127 : i32
      %and3A_1371 = arith.andi %squeeze3A_1365, %and3A_1370 : i32
      %add3A_1372 = vector.broadcast %and3A_1371 : i32 to vector<16xi32>
      %add3A_1373 = arith.addi %broadcast_in_dim3A_1369, %add3A_1372 : vector<16xi32>
      %broadcast_in_dim3A_1374 = arith.constant 768 : i32
      %broadcast_in_dim3A_1375 = vector.broadcast %broadcast_in_dim3A_1374 : i32 to vector<16xi32>
      %and3A_1376 = arith.constant 127 : i32
      %and3A_1377 = arith.andi %squeeze3A_1367, %and3A_1376 : i32
      %add3A_1378 = vector.broadcast %and3A_1377 : i32 to vector<16xi32>
      %add3A_1379 = arith.addi %broadcast_in_dim3A_1375, %add3A_1378 : vector<16xi32>
      %gather3A_1380 = arith.constant 1 : i32
      %gather3A_1381 = arith.constant 0 : i32
      %gather3A_1382 = arith.constant 0 : i32
      %gather3A_1383 = tpu.memref_slice %arg9[%gather3A_1380, %gather3A_1381, %gather3A_1382] : memref<2x16x1024xf32, #tpu.memory_space<vmem>> -> memref<1x16x1024xf32, #tpu.memory_space<vmem>>
      %gather3A_1384 = tpu.memref_squeeze %gather3A_1383 : memref<1x16x1024xf32, #tpu.memory_space<vmem>> -> memref<16x1024xf32, #tpu.memory_space<vmem>>
      %gather3A_1385 = tpu.vector_load_idx %gather3A_1384[%iota3A, %add3A_1373] : memref<16x1024xf32, #tpu.memory_space<vmem>>[vector<16xi32>, vector<16xi32>], vector<16xf32>,
      %gather3A_1386 = arith.constant 1 : i32
      %gather3A_1387 = arith.constant 0 : i32
      %gather3A_1388 = arith.constant 0 : i32
      %gather3A_1389 = tpu.memref_slice %arg10[%gather3A_1386, %gather3A_1387, %gather3A_1388] : memref<2x16x1024xf32, #tpu.memory_space<vmem>> -> memref<1x16x1024xf32, #tpu.memory_space<vmem>>
      %gather3A_1390 = tpu.memref_squeeze %gather3A_1389 : memref<1x16x1024xf32, #tpu.memory_space<vmem>> -> memref<16x1024xf32, #tpu.memory_space<vmem>>
      %gather3A_1391 = tpu.vector_load_idx %gather3A_1390[%iota3A, %add3A_1379] : memref<16x1024xf32, #tpu.memory_space<vmem>>[vector<16xi32>, vector<16xi32>], vector<16xf32>,
      %mul3A_1392 = arith.mulf %gather3A_1385, %gather3A_1391 : vector<16xf32>
      %gather3A_1393 = vector.shape_cast %reshape3A : vector<16x1xi32> to vector<16xi32>
      %gather3A_1394 = tpu.dynamic_gather %mul3A_1392[%gather3A_1393] in [0] : vector<16xf32>, vector<16xi32> -> vector<16xf32>
      %add3A_1395 = arith.addf %mul3A_1392, %gather3A_1394 : vector<16xf32>
      %gather3A_1396 = vector.shape_cast %reshape3A_8 : vector<16x1xi32> to vector<16xi32>
      %gather3A_1397 = tpu.dynamic_gather %add3A_1395[%gather3A_1396] in [0] : vector<16xf32>, vector<16xi32> -> vector<16xf32>
      %add3A_1398 = arith.addf %add3A_1395, %gather3A_1397 : vector<16xf32>
      %gather3A_1399 = vector.shape_cast %reshape3A_12 : vector<16x1xi32> to vector<16xi32>
      %gather3A_1400 = tpu.dynamic_gather %add3A_1398[%gather3A_1399] in [0] : vector<16xf32>, vector<16xi32> -> vector<16xf32>
      %add3A_1401 = arith.addf %add3A_1398, %gather3A_1400 : vector<16xf32>
      %gather3A_1402 = vector.shape_cast %reshape3A_16 : vector<16x1xi32> to vector<16xi32>
      %gather3A_1403 = tpu.dynamic_gather %add3A_1401[%gather3A_1402] in [0] : vector<16xf32>, vector<16xi32> -> vector<16xf32>
      %add3A_1404 = arith.addf %add3A_1401, %gather3A_1403 : vector<16xf32>
      %eq3A_1405 = arith.constant 14 : i32
      %eq3A_1406 = vector.broadcast %eq3A_1405 : i32 to vector<16xi32>
      %eq3A_1407 = arith.cmpi eq, %iota3A, %eq3A_1406 : vector<16xi32>
      %select_n3A_1408 = arith.select %eq3A_1407, %add3A_1404, %select_n3A_1363 : vector<16xi1>, vector<16xf32>
      %slice3A_1409 = vector.extract_strided_slice %get3A_663 {offsets = [15], sizes = [1], strides = [1]} : vector<16xi32> to vector<1xi32>
      %squeeze3A_1410 = vector.extract %slice3A_1409[0] : i32 from vector<1xi32>
      %slice3A_1411 = vector.extract_strided_slice %get3A_665 {offsets = [15], sizes = [1], strides = [1]} : vector<16xi32> to vector<1xi32>
      %squeeze3A_1412 = vector.extract %slice3A_1411[0] : i32 from vector<1xi32>
      %broadcast_in_dim3A_1413 = arith.constant 896 : i32
      %broadcast_in_dim3A_1414 = vector.broadcast %broadcast_in_dim3A_1413 : i32 to vector<16xi32>
      %and3A_1415 = arith.constant 127 : i32
      %and3A_1416 = arith.andi %squeeze3A_1410, %and3A_1415 : i32
      %add3A_1417 = vector.broadcast %and3A_1416 : i32 to vector<16xi32>
      %add3A_1418 = arith.addi %broadcast_in_dim3A_1414, %add3A_1417 : vector<16xi32>
      %broadcast_in_dim3A_1419 = arith.constant 896 : i32
      %broadcast_in_dim3A_1420 = vector.broadcast %broadcast_in_dim3A_1419 : i32 to vector<16xi32>
      %and3A_1421 = arith.constant 127 : i32
      %and3A_1422 = arith.andi %squeeze3A_1412, %and3A_1421 : i32
      %add3A_1423 = vector.broadcast %and3A_1422 : i32 to vector<16xi32>
      %add3A_1424 = arith.addi %broadcast_in_dim3A_1420, %add3A_1423 : vector<16xi32>
      %gather3A_1425 = arith.constant 1 : i32
      %gather3A_1426 = arith.constant 0 : i32
      %gather3A_1427 = arith.constant 0 : i32
      %gather3A_1428 = tpu.memref_slice %arg9[%gather3A_1425, %gather3A_1426, %gather3A_1427] : memref<2x16x1024xf32, #tpu.memory_space<vmem>> -> memref<1x16x1024xf32, #tpu.memory_space<vmem>>
      %gather3A_1429 = tpu.memref_squeeze %gather3A_1428 : memref<1x16x1024xf32, #tpu.memory_space<vmem>> -> memref<16x1024xf32, #tpu.memory_space<vmem>>
      %gather3A_1430 = tpu.vector_load_idx %gather3A_1429[%iota3A, %add3A_1418] : memref<16x1024xf32, #tpu.memory_space<vmem>>[vector<16xi32>, vector<16xi32>], vector<16xf32>,
      %gather3A_1431 = arith.constant 1 : i32
      %gather3A_1432 = arith.constant 0 : i32
      %gather3A_1433 = arith.constant 0 : i32
      %gather3A_1434 = tpu.memref_slice %arg10[%gather3A_1431, %gather3A_1432, %gather3A_1433] : memref<2x16x1024xf32, #tpu.memory_space<vmem>> -> memref<1x16x1024xf32, #tpu.memory_space<vmem>>
      %gather3A_1435 = tpu.memref_squeeze %gather3A_1434 : memref<1x16x1024xf32, #tpu.memory_space<vmem>> -> memref<16x1024xf32, #tpu.memory_space<vmem>>
      %gather3A_1436 = tpu.vector_load_idx %gather3A_1435[%iota3A, %add3A_1424] : memref<16x1024xf32, #tpu.memory_space<vmem>>[vector<16xi32>, vector<16xi32>], vector<16xf32>,
      %mul3A_1437 = arith.mulf %gather3A_1430, %gather3A_1436 : vector<16xf32>
      %gather3A_1438 = vector.shape_cast %reshape3A : vector<16x1xi32> to vector<16xi32>
      %gather3A_1439 = tpu.dynamic_gather %mul3A_1437[%gather3A_1438] in [0] : vector<16xf32>, vector<16xi32> -> vector<16xf32>
      %add3A_1440 = arith.addf %mul3A_1437, %gather3A_1439 : vector<16xf32>
      %gather3A_1441 = vector.shape_cast %reshape3A_8 : vector<16x1xi32> to vector<16xi32>
      %gather3A_1442 = tpu.dynamic_gather %add3A_1440[%gather3A_1441] in [0] : vector<16xf32>, vector<16xi32> -> vector<16xf32>
      %add3A_1443 = arith.addf %add3A_1440, %gather3A_1442 : vector<16xf32>
      %gather3A_1444 = vector.shape_cast %reshape3A_12 : vector<16x1xi32> to vector<16xi32>
      %gather3A_1445 = tpu.dynamic_gather %add3A_1443[%gather3A_1444] in [0] : vector<16xf32>, vector<16xi32> -> vector<16xf32>
      %add3A_1446 = arith.addf %add3A_1443, %gather3A_1445 : vector<16xf32>
      %gather3A_1447 = vector.shape_cast %reshape3A_16 : vector<16x1xi32> to vector<16xi32>
      %gather3A_1448 = tpu.dynamic_gather %add3A_1446[%gather3A_1447] in [0] : vector<16xf32>, vector<16xi32> -> vector<16xf32>
      %add3A_1449 = arith.addf %add3A_1446, %gather3A_1448 : vector<16xf32>
      %eq3A_1450 = arith.constant 15 : i32
      %eq3A_1451 = vector.broadcast %eq3A_1450 : i32 to vector<16xi32>
      %eq3A_1452 = arith.cmpi eq, %iota3A, %eq3A_1451 : vector<16xi32>
      %select_n3A_1453 = arith.select %eq3A_1452, %add3A_1449, %select_n3A_1408 : vector<16xi1>, vector<16xf32>
      %not3A_1454 = arith.constant true
      %not3A_1455 = arith.xori %ge3A_675, %not3A_1454 : i1
      %convert_element_type3A_1456 = arith.extui %not3A_1455 : i1 to i32
      %cond3A_1457 = arith.constant 0 : i32
      %cond3A_1458 = arith.cmpi ne, %convert_element_type3A_1456, %cond3A_1457 : i32
      scf.if %cond3A_1458 {
        %slice3A_1462 = vector.extract_strided_slice %get3A_672 {offsets = [8], sizes = [1], strides = [1]} : vector<16xi32> to vector<1xi32>
        %squeeze3A_1463 = vector.extract %slice3A_1462[0] : i32 from vector<1xi32>
        %slice3A_1464 = vector.extract_strided_slice %get3A_674 {offsets = [8], sizes = [1], strides = [1]} : vector<16xi32> to vector<1xi32>
        %squeeze3A_1465 = vector.extract %slice3A_1464[0] : i32 from vector<1xi32>
        %shift_right_arithmetic3A_1466 = arith.constant 7 : i32
        %shift_right_arithmetic3A_1467 = arith.shrsi %squeeze3A_1463, %shift_right_arithmetic3A_1466 : i32
        %shift_left3A_1468 = arith.constant 7 : i32
        %shift_left3A_1469 = arith.shli %shift_right_arithmetic3A_1467, %shift_left3A_1468 : i32
        %multiple_of3A_1470 = tpu.assume_multiple %shift_left3A_1469, 128 : i32
        %shift_right_arithmetic3A_1471 = arith.constant 7 : i32
        %shift_right_arithmetic3A_1472 = arith.shrsi %squeeze3A_1465, %shift_right_arithmetic3A_1471 : i32
        %shift_left3A_1473 = arith.constant 7 : i32
        %shift_left3A_1474 = arith.shli %shift_right_arithmetic3A_1472, %shift_left3A_1473 : i32
        %multiple_of3A_1475 = tpu.assume_multiple %shift_left3A_1474, 128 : i32
        %dma_start3A_1476 = arith.constant 1 : i32
        %dma_start3A_1477 = arith.constant 0 : i32
        %dma_start3A_1478 = arith.constant 0 : i32
        %dma_start3A_1479 = tpu.memref_slice %arg9[%dma_start3A_1476, %dma_start3A_1477, %dma_start3A_1478] : memref<2x16x1024xf32, #tpu.memory_space<vmem>> -> memref<1x16x128xf32, #tpu.memory_space<vmem>>
        %dma_start3A_1480 = tpu.memref_squeeze %dma_start3A_1479 : memref<1x16x128xf32, #tpu.memory_space<vmem>> -> memref<16x128xf32, #tpu.memory_space<vmem>>
        %dma_start3A_1481 = arith.constant 0 : i32
        %dma_start3A_1482 = tpu.memref_slice %arg4[%dma_start3A_1481, %multiple_of3A_1470] : memref<16x1000000xf32, #tpu.memory_space<hbm>> -> memref<16x128xf32, #tpu.memory_space<hbm>>
        %dma_start3A_1483 = arith.constant 0 : i32
        %dma_start3A_1484 = arith.constant 0 : i32
        %dma_start3A_1485 = tpu.memref_slice %arg9[%dma_start3A_1476, %dma_start3A_1483, %dma_start3A_1484] : memref<2x16x1024xf32, #tpu.memory_space<vmem>> -> memref<1x16x128xf32, #tpu.memory_space<vmem>>
        %dma_start3A_1486 = tpu.memref_squeeze %dma_start3A_1485 : memref<1x16x128xf32, #tpu.memory_space<vmem>> -> memref<16x128xf32, #tpu.memory_space<vmem>>
        %dma_start3A_1487 = arith.constant 0 : i32
        %dma_start3A_1488 = tpu.memref_slice %arg4[%dma_start3A_1487, %multiple_of3A_1470] : memref<16x1000000xf32, #tpu.memory_space<hbm>> -> memref<16x128xf32, #tpu.memory_space<hbm>>
        tpu.enqueue_dma source(%dma_start3A_1488 : memref<16x128xf32, #tpu.memory_space<hbm>>) target(%dma_start3A_1486 : memref<16x128xf32, #tpu.memory_space<vmem>>) target_semaphore(%arg13 : memref<!tpu.dma_semaphore, #tpu.memory_space<semaphore_mem>>)
        %dma_start3A_1489 = arith.constant 1 : i32
        %dma_start3A_1490 = arith.constant 0 : i32
        %dma_start3A_1491 = arith.constant 0 : i32
        %dma_start3A_1492 = tpu.memref_slice %arg10[%dma_start3A_1489, %dma_start3A_1490, %dma_start3A_1491] : memref<2x16x1024xf32, #tpu.memory_space<vmem>> -> memref<1x16x128xf32, #tpu.memory_space<vmem>>
        %dma_start3A_1493 = tpu.memref_squeeze %dma_start3A_1492 : memref<1x16x128xf32, #tpu.memory_space<vmem>> -> memref<16x128xf32, #tpu.memory_space<vmem>>
        %dma_start3A_1494 = arith.constant 0 : i32
        %dma_start3A_1495 = tpu.memref_slice %arg5[%dma_start3A_1494, %multiple_of3A_1475] : memref<16x1000000xf32, #tpu.memory_space<hbm>> -> memref<16x128xf32, #tpu.memory_space<hbm>>
        %dma_start3A_1496 = arith.constant 0 : i32
        %dma_start3A_1497 = arith.constant 0 : i32
        %dma_start3A_1498 = tpu.memref_slice %arg10[%dma_start3A_1489, %dma_start3A_1496, %dma_start3A_1497] : memref<2x16x1024xf32, #tpu.memory_space<vmem>> -> memref<1x16x128xf32, #tpu.memory_space<vmem>>
        %dma_start3A_1499 = tpu.memref_squeeze %dma_start3A_1498 : memref<1x16x128xf32, #tpu.memory_space<vmem>> -> memref<16x128xf32, #tpu.memory_space<vmem>>
        %dma_start3A_1500 = arith.constant 0 : i32
        %dma_start3A_1501 = tpu.memref_slice %arg5[%dma_start3A_1500, %multiple_of3A_1475] : memref<16x1000000xf32, #tpu.memory_space<hbm>> -> memref<16x128xf32, #tpu.memory_space<hbm>>
        tpu.enqueue_dma source(%dma_start3A_1501 : memref<16x128xf32, #tpu.memory_space<hbm>>) target(%dma_start3A_1499 : memref<16x128xf32, #tpu.memory_space<vmem>>) target_semaphore(%arg13 : memref<!tpu.dma_semaphore, #tpu.memory_space<semaphore_mem>>)
        %slice3A_1502 = vector.extract_strided_slice %get3A_672 {offsets = [9], sizes = [1], strides = [1]} : vector<16xi32> to vector<1xi32>
        %squeeze3A_1503 = vector.extract %slice3A_1502[0] : i32 from vector<1xi32>
        %slice3A_1504 = vector.extract_strided_slice %get3A_674 {offsets = [9], sizes = [1], strides = [1]} : vector<16xi32> to vector<1xi32>
        %squeeze3A_1505 = vector.extract %slice3A_1504[0] : i32 from vector<1xi32>
        %shift_right_arithmetic3A_1506 = arith.constant 7 : i32
        %shift_right_arithmetic3A_1507 = arith.shrsi %squeeze3A_1503, %shift_right_arithmetic3A_1506 : i32
        %shift_left3A_1508 = arith.constant 7 : i32
        %shift_left3A_1509 = arith.shli %shift_right_arithmetic3A_1507, %shift_left3A_1508 : i32
        %multiple_of3A_1510 = tpu.assume_multiple %shift_left3A_1509, 128 : i32
        %shift_right_arithmetic3A_1511 = arith.constant 7 : i32
        %shift_right_arithmetic3A_1512 = arith.shrsi %squeeze3A_1505, %shift_right_arithmetic3A_1511 : i32
        %shift_left3A_1513 = arith.constant 7 : i32
        %shift_left3A_1514 = arith.shli %shift_right_arithmetic3A_1512, %shift_left3A_1513 : i32
        %multiple_of3A_1515 = tpu.assume_multiple %shift_left3A_1514, 128 : i32
        %dma_start3A_1516 = arith.constant 1 : i32
        %dma_start3A_1517 = arith.constant 0 : i32
        %dma_start3A_1518 = arith.constant 128 : i32
        %dma_start3A_1519 = tpu.memref_slice %arg9[%dma_start3A_1516, %dma_start3A_1517, %dma_start3A_1518] : memref<2x16x1024xf32, #tpu.memory_space<vmem>> -> memref<1x16x128xf32, #tpu.memory_space<vmem>>
        %dma_start3A_1520 = tpu.memref_squeeze %dma_start3A_1519 : memref<1x16x128xf32, #tpu.memory_space<vmem>> -> memref<16x128xf32, #tpu.memory_space<vmem>>
        %dma_start3A_1521 = arith.constant 0 : i32
        %dma_start3A_1522 = tpu.memref_slice %arg4[%dma_start3A_1521, %multiple_of3A_1510] : memref<16x1000000xf32, #tpu.memory_space<hbm>> -> memref<16x128xf32, #tpu.memory_space<hbm>>
        %dma_start3A_1523 = arith.constant 0 : i32
        %dma_start3A_1524 = arith.constant 128 : i32
        %dma_start3A_1525 = tpu.memref_slice %arg9[%dma_start3A_1516, %dma_start3A_1523, %dma_start3A_1524] : memref<2x16x1024xf32, #tpu.memory_space<vmem>> -> memref<1x16x128xf32, #tpu.memory_space<vmem>>
        %dma_start3A_1526 = tpu.memref_squeeze %dma_start3A_1525 : memref<1x16x128xf32, #tpu.memory_space<vmem>> -> memref<16x128xf32, #tpu.memory_space<vmem>>
        %dma_start3A_1527 = arith.constant 0 : i32
        %dma_start3A_1528 = tpu.memref_slice %arg4[%dma_start3A_1527, %multiple_of3A_1510] : memref<16x1000000xf32, #tpu.memory_space<hbm>> -> memref<16x128xf32, #tpu.memory_space<hbm>>
        tpu.enqueue_dma source(%dma_start3A_1528 : memref<16x128xf32, #tpu.memory_space<hbm>>) target(%dma_start3A_1526 : memref<16x128xf32, #tpu.memory_space<vmem>>) target_semaphore(%arg13 : memref<!tpu.dma_semaphore, #tpu.memory_space<semaphore_mem>>)
        %dma_start3A_1529 = arith.constant 1 : i32
        %dma_start3A_1530 = arith.constant 0 : i32
        %dma_start3A_1531 = arith.constant 128 : i32
        %dma_start3A_1532 = tpu.memref_slice %arg10[%dma_start3A_1529, %dma_start3A_1530, %dma_start3A_1531] : memref<2x16x1024xf32, #tpu.memory_space<vmem>> -> memref<1x16x128xf32, #tpu.memory_space<vmem>>
        %dma_start3A_1533 = tpu.memref_squeeze %dma_start3A_1532 : memref<1x16x128xf32, #tpu.memory_space<vmem>> -> memref<16x128xf32, #tpu.memory_space<vmem>>
        %dma_start3A_1534 = arith.constant 0 : i32
        %dma_start3A_1535 = tpu.memref_slice %arg5[%dma_start3A_1534, %multiple_of3A_1515] : memref<16x1000000xf32, #tpu.memory_space<hbm>> -> memref<16x128xf32, #tpu.memory_space<hbm>>
        %dma_start3A_1536 = arith.constant 0 : i32
        %dma_start3A_1537 = arith.constant 128 : i32
        %dma_start3A_1538 = tpu.memref_slice %arg10[%dma_start3A_1529, %dma_start3A_1536, %dma_start3A_1537] : memref<2x16x1024xf32, #tpu.memory_space<vmem>> -> memref<1x16x128xf32, #tpu.memory_space<vmem>>
        %dma_start3A_1539 = tpu.memref_squeeze %dma_start3A_1538 : memref<1x16x128xf32, #tpu.memory_space<vmem>> -> memref<16x128xf32, #tpu.memory_space<vmem>>
        %dma_start3A_1540 = arith.constant 0 : i32
        %dma_start3A_1541 = tpu.memref_slice %arg5[%dma_start3A_1540, %multiple_of3A_1515] : memref<16x1000000xf32, #tpu.memory_space<hbm>> -> memref<16x128xf32, #tpu.memory_space<hbm>>
        tpu.enqueue_dma source(%dma_start3A_1541 : memref<16x128xf32, #tpu.memory_space<hbm>>) target(%dma_start3A_1539 : memref<16x128xf32, #tpu.memory_space<vmem>>) target_semaphore(%arg13 : memref<!tpu.dma_semaphore, #tpu.memory_space<semaphore_mem>>)
        %slice3A_1542 = vector.extract_strided_slice %get3A_672 {offsets = [10], sizes = [1], strides = [1]} : vector<16xi32> to vector<1xi32>
        %squeeze3A_1543 = vector.extract %slice3A_1542[0] : i32 from vector<1xi32>
        %slice3A_1544 = vector.extract_strided_slice %get3A_674 {offsets = [10], sizes = [1], strides = [1]} : vector<16xi32> to vector<1xi32>
        %squeeze3A_1545 = vector.extract %slice3A_1544[0] : i32 from vector<1xi32>
        %shift_right_arithmetic3A_1546 = arith.constant 7 : i32
        %shift_right_arithmetic3A_1547 = arith.shrsi %squeeze3A_1543, %shift_right_arithmetic3A_1546 : i32
        %shift_left3A_1548 = arith.constant 7 : i32
        %shift_left3A_1549 = arith.shli %shift_right_arithmetic3A_1547, %shift_left3A_1548 : i32
        %multiple_of3A_1550 = tpu.assume_multiple %shift_left3A_1549, 128 : i32
        %shift_right_arithmetic3A_1551 = arith.constant 7 : i32
        %shift_right_arithmetic3A_1552 = arith.shrsi %squeeze3A_1545, %shift_right_arithmetic3A_1551 : i32
        %shift_left3A_1553 = arith.constant 7 : i32
        %shift_left3A_1554 = arith.shli %shift_right_arithmetic3A_1552, %shift_left3A_1553 : i32
        %multiple_of3A_1555 = tpu.assume_multiple %shift_left3A_1554, 128 : i32
        %dma_start3A_1556 = arith.constant 1 : i32
        %dma_start3A_1557 = arith.constant 0 : i32
        %dma_start3A_1558 = arith.constant 256 : i32
        %dma_start3A_1559 = tpu.memref_slice %arg9[%dma_start3A_1556, %dma_start3A_1557, %dma_start3A_1558] : memref<2x16x1024xf32, #tpu.memory_space<vmem>> -> memref<1x16x128xf32, #tpu.memory_space<vmem>>
        %dma_start3A_1560 = tpu.memref_squeeze %dma_start3A_1559 : memref<1x16x128xf32, #tpu.memory_space<vmem>> -> memref<16x128xf32, #tpu.memory_space<vmem>>
        %dma_start3A_1561 = arith.constant 0 : i32
        %dma_start3A_1562 = tpu.memref_slice %arg4[%dma_start3A_1561, %multiple_of3A_1550] : memref<16x1000000xf32, #tpu.memory_space<hbm>> -> memref<16x128xf32, #tpu.memory_space<hbm>>
        %dma_start3A_1563 = arith.constant 0 : i32
        %dma_start3A_1564 = arith.constant 256 : i32
        %dma_start3A_1565 = tpu.memref_slice %arg9[%dma_start3A_1556, %dma_start3A_1563, %dma_start3A_1564] : memref<2x16x1024xf32, #tpu.memory_space<vmem>> -> memref<1x16x128xf32, #tpu.memory_space<vmem>>
        %dma_start3A_1566 = tpu.memref_squeeze %dma_start3A_1565 : memref<1x16x128xf32, #tpu.memory_space<vmem>> -> memref<16x128xf32, #tpu.memory_space<vmem>>
        %dma_start3A_1567 = arith.constant 0 : i32
        %dma_start3A_1568 = tpu.memref_slice %arg4[%dma_start3A_1567, %multiple_of3A_1550] : memref<16x1000000xf32, #tpu.memory_space<hbm>> -> memref<16x128xf32, #tpu.memory_space<hbm>>
        tpu.enqueue_dma source(%dma_start3A_1568 : memref<16x128xf32, #tpu.memory_space<hbm>>) target(%dma_start3A_1566 : memref<16x128xf32, #tpu.memory_space<vmem>>) target_semaphore(%arg13 : memref<!tpu.dma_semaphore, #tpu.memory_space<semaphore_mem>>)
        %dma_start3A_1569 = arith.constant 1 : i32
        %dma_start3A_1570 = arith.constant 0 : i32
        %dma_start3A_1571 = arith.constant 256 : i32
        %dma_start3A_1572 = tpu.memref_slice %arg10[%dma_start3A_1569, %dma_start3A_1570, %dma_start3A_1571] : memref<2x16x1024xf32, #tpu.memory_space<vmem>> -> memref<1x16x128xf32, #tpu.memory_space<vmem>>
        %dma_start3A_1573 = tpu.memref_squeeze %dma_start3A_1572 : memref<1x16x128xf32, #tpu.memory_space<vmem>> -> memref<16x128xf32, #tpu.memory_space<vmem>>
        %dma_start3A_1574 = arith.constant 0 : i32
        %dma_start3A_1575 = tpu.memref_slice %arg5[%dma_start3A_1574, %multiple_of3A_1555] : memref<16x1000000xf32, #tpu.memory_space<hbm>> -> memref<16x128xf32, #tpu.memory_space<hbm>>
        %dma_start3A_1576 = arith.constant 0 : i32
        %dma_start3A_1577 = arith.constant 256 : i32
        %dma_start3A_1578 = tpu.memref_slice %arg10[%dma_start3A_1569, %dma_start3A_1576, %dma_start3A_1577] : memref<2x16x1024xf32, #tpu.memory_space<vmem>> -> memref<1x16x128xf32, #tpu.memory_space<vmem>>
        %dma_start3A_1579 = tpu.memref_squeeze %dma_start3A_1578 : memref<1x16x128xf32, #tpu.memory_space<vmem>> -> memref<16x128xf32, #tpu.memory_space<vmem>>
        %dma_start3A_1580 = arith.constant 0 : i32
        %dma_start3A_1581 = tpu.memref_slice %arg5[%dma_start3A_1580, %multiple_of3A_1555] : memref<16x1000000xf32, #tpu.memory_space<hbm>> -> memref<16x128xf32, #tpu.memory_space<hbm>>
        tpu.enqueue_dma source(%dma_start3A_1581 : memref<16x128xf32, #tpu.memory_space<hbm>>) target(%dma_start3A_1579 : memref<16x128xf32, #tpu.memory_space<vmem>>) target_semaphore(%arg13 : memref<!tpu.dma_semaphore, #tpu.memory_space<semaphore_mem>>)
        %slice3A_1582 = vector.extract_strided_slice %get3A_672 {offsets = [11], sizes = [1], strides = [1]} : vector<16xi32> to vector<1xi32>
        %squeeze3A_1583 = vector.extract %slice3A_1582[0] : i32 from vector<1xi32>
        %slice3A_1584 = vector.extract_strided_slice %get3A_674 {offsets = [11], sizes = [1], strides = [1]} : vector<16xi32> to vector<1xi32>
        %squeeze3A_1585 = vector.extract %slice3A_1584[0] : i32 from vector<1xi32>
        %shift_right_arithmetic3A_1586 = arith.constant 7 : i32
        %shift_right_arithmetic3A_1587 = arith.shrsi %squeeze3A_1583, %shift_right_arithmetic3A_1586 : i32
        %shift_left3A_1588 = arith.constant 7 : i32
        %shift_left3A_1589 = arith.shli %shift_right_arithmetic3A_1587, %shift_left3A_1588 : i32
        %multiple_of3A_1590 = tpu.assume_multiple %shift_left3A_1589, 128 : i32
        %shift_right_arithmetic3A_1591 = arith.constant 7 : i32
        %shift_right_arithmetic3A_1592 = arith.shrsi %squeeze3A_1585, %shift_right_arithmetic3A_1591 : i32
        %shift_left3A_1593 = arith.constant 7 : i32
        %shift_left3A_1594 = arith.shli %shift_right_arithmetic3A_1592, %shift_left3A_1593 : i32
        %multiple_of3A_1595 = tpu.assume_multiple %shift_left3A_1594, 128 : i32
        %dma_start3A_1596 = arith.constant 1 : i32
        %dma_start3A_1597 = arith.constant 0 : i32
        %dma_start3A_1598 = arith.constant 384 : i32
        %dma_start3A_1599 = tpu.memref_slice %arg9[%dma_start3A_1596, %dma_start3A_1597, %dma_start3A_1598] : memref<2x16x1024xf32, #tpu.memory_space<vmem>> -> memref<1x16x128xf32, #tpu.memory_space<vmem>>
        %dma_start3A_1600 = tpu.memref_squeeze %dma_start3A_1599 : memref<1x16x128xf32, #tpu.memory_space<vmem>> -> memref<16x128xf32, #tpu.memory_space<vmem>>
        %dma_start3A_1601 = arith.constant 0 : i32
        %dma_start3A_1602 = tpu.memref_slice %arg4[%dma_start3A_1601, %multiple_of3A_1590] : memref<16x1000000xf32, #tpu.memory_space<hbm>> -> memref<16x128xf32, #tpu.memory_space<hbm>>
        %dma_start3A_1603 = arith.constant 0 : i32
        %dma_start3A_1604 = arith.constant 384 : i32
        %dma_start3A_1605 = tpu.memref_slice %arg9[%dma_start3A_1596, %dma_start3A_1603, %dma_start3A_1604] : memref<2x16x1024xf32, #tpu.memory_space<vmem>> -> memref<1x16x128xf32, #tpu.memory_space<vmem>>
        %dma_start3A_1606 = tpu.memref_squeeze %dma_start3A_1605 : memref<1x16x128xf32, #tpu.memory_space<vmem>> -> memref<16x128xf32, #tpu.memory_space<vmem>>
        %dma_start3A_1607 = arith.constant 0 : i32
        %dma_start3A_1608 = tpu.memref_slice %arg4[%dma_start3A_1607, %multiple_of3A_1590] : memref<16x1000000xf32, #tpu.memory_space<hbm>> -> memref<16x128xf32, #tpu.memory_space<hbm>>
        tpu.enqueue_dma source(%dma_start3A_1608 : memref<16x128xf32, #tpu.memory_space<hbm>>) target(%dma_start3A_1606 : memref<16x128xf32, #tpu.memory_space<vmem>>) target_semaphore(%arg13 : memref<!tpu.dma_semaphore, #tpu.memory_space<semaphore_mem>>)
        %dma_start3A_1609 = arith.constant 1 : i32
        %dma_start3A_1610 = arith.constant 0 : i32
        %dma_start3A_1611 = arith.constant 384 : i32
        %dma_start3A_1612 = tpu.memref_slice %arg10[%dma_start3A_1609, %dma_start3A_1610, %dma_start3A_1611] : memref<2x16x1024xf32, #tpu.memory_space<vmem>> -> memref<1x16x128xf32, #tpu.memory_space<vmem>>
        %dma_start3A_1613 = tpu.memref_squeeze %dma_start3A_1612 : memref<1x16x128xf32, #tpu.memory_space<vmem>> -> memref<16x128xf32, #tpu.memory_space<vmem>>
        %dma_start3A_1614 = arith.constant 0 : i32
        %dma_start3A_1615 = tpu.memref_slice %arg5[%dma_start3A_1614, %multiple_of3A_1595] : memref<16x1000000xf32, #tpu.memory_space<hbm>> -> memref<16x128xf32, #tpu.memory_space<hbm>>
        %dma_start3A_1616 = arith.constant 0 : i32
        %dma_start3A_1617 = arith.constant 384 : i32
        %dma_start3A_1618 = tpu.memref_slice %arg10[%dma_start3A_1609, %dma_start3A_1616, %dma_start3A_1617] : memref<2x16x1024xf32, #tpu.memory_space<vmem>> -> memref<1x16x128xf32, #tpu.memory_space<vmem>>
        %dma_start3A_1619 = tpu.memref_squeeze %dma_start3A_1618 : memref<1x16x128xf32, #tpu.memory_space<vmem>> -> memref<16x128xf32, #tpu.memory_space<vmem>>
        %dma_start3A_1620 = arith.constant 0 : i32
        %dma_start3A_1621 = tpu.memref_slice %arg5[%dma_start3A_1620, %multiple_of3A_1595] : memref<16x1000000xf32, #tpu.memory_space<hbm>> -> memref<16x128xf32, #tpu.memory_space<hbm>>
        tpu.enqueue_dma source(%dma_start3A_1621 : memref<16x128xf32, #tpu.memory_space<hbm>>) target(%dma_start3A_1619 : memref<16x128xf32, #tpu.memory_space<vmem>>) target_semaphore(%arg13 : memref<!tpu.dma_semaphore, #tpu.memory_space<semaphore_mem>>)
        %slice3A_1622 = vector.extract_strided_slice %get3A_672 {offsets = [12], sizes = [1], strides = [1]} : vector<16xi32> to vector<1xi32>
        %squeeze3A_1623 = vector.extract %slice3A_1622[0] : i32 from vector<1xi32>
        %slice3A_1624 = vector.extract_strided_slice %get3A_674 {offsets = [12], sizes = [1], strides = [1]} : vector<16xi32> to vector<1xi32>
        %squeeze3A_1625 = vector.extract %slice3A_1624[0] : i32 from vector<1xi32>
        %shift_right_arithmetic3A_1626 = arith.constant 7 : i32
        %shift_right_arithmetic3A_1627 = arith.shrsi %squeeze3A_1623, %shift_right_arithmetic3A_1626 : i32
        %shift_left3A_1628 = arith.constant 7 : i32
        %shift_left3A_1629 = arith.shli %shift_right_arithmetic3A_1627, %shift_left3A_1628 : i32
        %multiple_of3A_1630 = tpu.assume_multiple %shift_left3A_1629, 128 : i32
        %shift_right_arithmetic3A_1631 = arith.constant 7 : i32
        %shift_right_arithmetic3A_1632 = arith.shrsi %squeeze3A_1625, %shift_right_arithmetic3A_1631 : i32
        %shift_left3A_1633 = arith.constant 7 : i32
        %shift_left3A_1634 = arith.shli %shift_right_arithmetic3A_1632, %shift_left3A_1633 : i32
        %multiple_of3A_1635 = tpu.assume_multiple %shift_left3A_1634, 128 : i32
        %dma_start3A_1636 = arith.constant 1 : i32
        %dma_start3A_1637 = arith.constant 0 : i32
        %dma_start3A_1638 = arith.constant 512 : i32
        %dma_start3A_1639 = tpu.memref_slice %arg9[%dma_start3A_1636, %dma_start3A_1637, %dma_start3A_1638] : memref<2x16x1024xf32, #tpu.memory_space<vmem>> -> memref<1x16x128xf32, #tpu.memory_space<vmem>>
        %dma_start3A_1640 = tpu.memref_squeeze %dma_start3A_1639 : memref<1x16x128xf32, #tpu.memory_space<vmem>> -> memref<16x128xf32, #tpu.memory_space<vmem>>
        %dma_start3A_1641 = arith.constant 0 : i32
        %dma_start3A_1642 = tpu.memref_slice %arg4[%dma_start3A_1641, %multiple_of3A_1630] : memref<16x1000000xf32, #tpu.memory_space<hbm>> -> memref<16x128xf32, #tpu.memory_space<hbm>>
        %dma_start3A_1643 = arith.constant 0 : i32
        %dma_start3A_1644 = arith.constant 512 : i32
        %dma_start3A_1645 = tpu.memref_slice %arg9[%dma_start3A_1636, %dma_start3A_1643, %dma_start3A_1644] : memref<2x16x1024xf32, #tpu.memory_space<vmem>> -> memref<1x16x128xf32, #tpu.memory_space<vmem>>
        %dma_start3A_1646 = tpu.memref_squeeze %dma_start3A_1645 : memref<1x16x128xf32, #tpu.memory_space<vmem>> -> memref<16x128xf32, #tpu.memory_space<vmem>>
        %dma_start3A_1647 = arith.constant 0 : i32
        %dma_start3A_1648 = tpu.memref_slice %arg4[%dma_start3A_1647, %multiple_of3A_1630] : memref<16x1000000xf32, #tpu.memory_space<hbm>> -> memref<16x128xf32, #tpu.memory_space<hbm>>
        tpu.enqueue_dma source(%dma_start3A_1648 : memref<16x128xf32, #tpu.memory_space<hbm>>) target(%dma_start3A_1646 : memref<16x128xf32, #tpu.memory_space<vmem>>) target_semaphore(%arg13 : memref<!tpu.dma_semaphore, #tpu.memory_space<semaphore_mem>>)
        %dma_start3A_1649 = arith.constant 1 : i32
        %dma_start3A_1650 = arith.constant 0 : i32
        %dma_start3A_1651 = arith.constant 512 : i32
        %dma_start3A_1652 = tpu.memref_slice %arg10[%dma_start3A_1649, %dma_start3A_1650, %dma_start3A_1651] : memref<2x16x1024xf32, #tpu.memory_space<vmem>> -> memref<1x16x128xf32, #tpu.memory_space<vmem>>
        %dma_start3A_1653 = tpu.memref_squeeze %dma_start3A_1652 : memref<1x16x128xf32, #tpu.memory_space<vmem>> -> memref<16x128xf32, #tpu.memory_space<vmem>>
        %dma_start3A_1654 = arith.constant 0 : i32
        %dma_start3A_1655 = tpu.memref_slice %arg5[%dma_start3A_1654, %multiple_of3A_1635] : memref<16x1000000xf32, #tpu.memory_space<hbm>> -> memref<16x128xf32, #tpu.memory_space<hbm>>
        %dma_start3A_1656 = arith.constant 0 : i32
        %dma_start3A_1657 = arith.constant 512 : i32
        %dma_start3A_1658 = tpu.memref_slice %arg10[%dma_start3A_1649, %dma_start3A_1656, %dma_start3A_1657] : memref<2x16x1024xf32, #tpu.memory_space<vmem>> -> memref<1x16x128xf32, #tpu.memory_space<vmem>>
        %dma_start3A_1659 = tpu.memref_squeeze %dma_start3A_1658 : memref<1x16x128xf32, #tpu.memory_space<vmem>> -> memref<16x128xf32, #tpu.memory_space<vmem>>
        %dma_start3A_1660 = arith.constant 0 : i32
        %dma_start3A_1661 = tpu.memref_slice %arg5[%dma_start3A_1660, %multiple_of3A_1635] : memref<16x1000000xf32, #tpu.memory_space<hbm>> -> memref<16x128xf32, #tpu.memory_space<hbm>>
        tpu.enqueue_dma source(%dma_start3A_1661 : memref<16x128xf32, #tpu.memory_space<hbm>>) target(%dma_start3A_1659 : memref<16x128xf32, #tpu.memory_space<vmem>>) target_semaphore(%arg13 : memref<!tpu.dma_semaphore, #tpu.memory_space<semaphore_mem>>)
        %slice3A_1662 = vector.extract_strided_slice %get3A_672 {offsets = [13], sizes = [1], strides = [1]} : vector<16xi32> to vector<1xi32>
        %squeeze3A_1663 = vector.extract %slice3A_1662[0] : i32 from vector<1xi32>
        %slice3A_1664 = vector.extract_strided_slice %get3A_674 {offsets = [13], sizes = [1], strides = [1]} : vector<16xi32> to vector<1xi32>
        %squeeze3A_1665 = vector.extract %slice3A_1664[0] : i32 from vector<1xi32>
        %shift_right_arithmetic3A_1666 = arith.constant 7 : i32
        %shift_right_arithmetic3A_1667 = arith.shrsi %squeeze3A_1663, %shift_right_arithmetic3A_1666 : i32
        %shift_left3A_1668 = arith.constant 7 : i32
        %shift_left3A_1669 = arith.shli %shift_right_arithmetic3A_1667, %shift_left3A_1668 : i32
        %multiple_of3A_1670 = tpu.assume_multiple %shift_left3A_1669, 128 : i32
        %shift_right_arithmetic3A_1671 = arith.constant 7 : i32
        %shift_right_arithmetic3A_1672 = arith.shrsi %squeeze3A_1665, %shift_right_arithmetic3A_1671 : i32
        %shift_left3A_1673 = arith.constant 7 : i32
        %shift_left3A_1674 = arith.shli %shift_right_arithmetic3A_1672, %shift_left3A_1673 : i32
        %multiple_of3A_1675 = tpu.assume_multiple %shift_left3A_1674, 128 : i32
        %dma_start3A_1676 = arith.constant 1 : i32
        %dma_start3A_1677 = arith.constant 0 : i32
        %dma_start3A_1678 = arith.constant 640 : i32
        %dma_start3A_1679 = tpu.memref_slice %arg9[%dma_start3A_1676, %dma_start3A_1677, %dma_start3A_1678] : memref<2x16x1024xf32, #tpu.memory_space<vmem>> -> memref<1x16x128xf32, #tpu.memory_space<vmem>>
        %dma_start3A_1680 = tpu.memref_squeeze %dma_start3A_1679 : memref<1x16x128xf32, #tpu.memory_space<vmem>> -> memref<16x128xf32, #tpu.memory_space<vmem>>
        %dma_start3A_1681 = arith.constant 0 : i32
        %dma_start3A_1682 = tpu.memref_slice %arg4[%dma_start3A_1681, %multiple_of3A_1670] : memref<16x1000000xf32, #tpu.memory_space<hbm>> -> memref<16x128xf32, #tpu.memory_space<hbm>>
        %dma_start3A_1683 = arith.constant 0 : i32
        %dma_start3A_1684 = arith.constant 640 : i32
        %dma_start3A_1685 = tpu.memref_slice %arg9[%dma_start3A_1676, %dma_start3A_1683, %dma_start3A_1684] : memref<2x16x1024xf32, #tpu.memory_space<vmem>> -> memref<1x16x128xf32, #tpu.memory_space<vmem>>
        %dma_start3A_1686 = tpu.memref_squeeze %dma_start3A_1685 : memref<1x16x128xf32, #tpu.memory_space<vmem>> -> memref<16x128xf32, #tpu.memory_space<vmem>>
        %dma_start3A_1687 = arith.constant 0 : i32
        %dma_start3A_1688 = tpu.memref_slice %arg4[%dma_start3A_1687, %multiple_of3A_1670] : memref<16x1000000xf32, #tpu.memory_space<hbm>> -> memref<16x128xf32, #tpu.memory_space<hbm>>
        tpu.enqueue_dma source(%dma_start3A_1688 : memref<16x128xf32, #tpu.memory_space<hbm>>) target(%dma_start3A_1686 : memref<16x128xf32, #tpu.memory_space<vmem>>) target_semaphore(%arg13 : memref<!tpu.dma_semaphore, #tpu.memory_space<semaphore_mem>>)
        %dma_start3A_1689 = arith.constant 1 : i32
        %dma_start3A_1690 = arith.constant 0 : i32
        %dma_start3A_1691 = arith.constant 640 : i32
        %dma_start3A_1692 = tpu.memref_slice %arg10[%dma_start3A_1689, %dma_start3A_1690, %dma_start3A_1691] : memref<2x16x1024xf32, #tpu.memory_space<vmem>> -> memref<1x16x128xf32, #tpu.memory_space<vmem>>
        %dma_start3A_1693 = tpu.memref_squeeze %dma_start3A_1692 : memref<1x16x128xf32, #tpu.memory_space<vmem>> -> memref<16x128xf32, #tpu.memory_space<vmem>>
        %dma_start3A_1694 = arith.constant 0 : i32
        %dma_start3A_1695 = tpu.memref_slice %arg5[%dma_start3A_1694, %multiple_of3A_1675] : memref<16x1000000xf32, #tpu.memory_space<hbm>> -> memref<16x128xf32, #tpu.memory_space<hbm>>
        %dma_start3A_1696 = arith.constant 0 : i32
        %dma_start3A_1697 = arith.constant 640 : i32
        %dma_start3A_1698 = tpu.memref_slice %arg10[%dma_start3A_1689, %dma_start3A_1696, %dma_start3A_1697] : memref<2x16x1024xf32, #tpu.memory_space<vmem>> -> memref<1x16x128xf32, #tpu.memory_space<vmem>>
        %dma_start3A_1699 = tpu.memref_squeeze %dma_start3A_1698 : memref<1x16x128xf32, #tpu.memory_space<vmem>> -> memref<16x128xf32, #tpu.memory_space<vmem>>
        %dma_start3A_1700 = arith.constant 0 : i32
        %dma_start3A_1701 = tpu.memref_slice %arg5[%dma_start3A_1700, %multiple_of3A_1675] : memref<16x1000000xf32, #tpu.memory_space<hbm>> -> memref<16x128xf32, #tpu.memory_space<hbm>>
        tpu.enqueue_dma source(%dma_start3A_1701 : memref<16x128xf32, #tpu.memory_space<hbm>>) target(%dma_start3A_1699 : memref<16x128xf32, #tpu.memory_space<vmem>>) target_semaphore(%arg13 : memref<!tpu.dma_semaphore, #tpu.memory_space<semaphore_mem>>)
        %slice3A_1702 = vector.extract_strided_slice %get3A_672 {offsets = [14], sizes = [1], strides = [1]} : vector<16xi32> to vector<1xi32>
        %squeeze3A_1703 = vector.extract %slice3A_1702[0] : i32 from vector<1xi32>
        %slice3A_1704 = vector.extract_strided_slice %get3A_674 {offsets = [14], sizes = [1], strides = [1]} : vector<16xi32> to vector<1xi32>
        %squeeze3A_1705 = vector.extract %slice3A_1704[0] : i32 from vector<1xi32>
        %shift_right_arithmetic3A_1706 = arith.constant 7 : i32
        %shift_right_arithmetic3A_1707 = arith.shrsi %squeeze3A_1703, %shift_right_arithmetic3A_1706 : i32
        %shift_left3A_1708 = arith.constant 7 : i32
        %shift_left3A_1709 = arith.shli %shift_right_arithmetic3A_1707, %shift_left3A_1708 : i32
        %multiple_of3A_1710 = tpu.assume_multiple %shift_left3A_1709, 128 : i32
        %shift_right_arithmetic3A_1711 = arith.constant 7 : i32
        %shift_right_arithmetic3A_1712 = arith.shrsi %squeeze3A_1705, %shift_right_arithmetic3A_1711 : i32
        %shift_left3A_1713 = arith.constant 7 : i32
        %shift_left3A_1714 = arith.shli %shift_right_arithmetic3A_1712, %shift_left3A_1713 : i32
        %multiple_of3A_1715 = tpu.assume_multiple %shift_left3A_1714, 128 : i32
        %dma_start3A_1716 = arith.constant 1 : i32
        %dma_start3A_1717 = arith.constant 0 : i32
        %dma_start3A_1718 = arith.constant 768 : i32
        %dma_start3A_1719 = tpu.memref_slice %arg9[%dma_start3A_1716, %dma_start3A_1717, %dma_start3A_1718] : memref<2x16x1024xf32, #tpu.memory_space<vmem>> -> memref<1x16x128xf32, #tpu.memory_space<vmem>>
        %dma_start3A_1720 = tpu.memref_squeeze %dma_start3A_1719 : memref<1x16x128xf32, #tpu.memory_space<vmem>> -> memref<16x128xf32, #tpu.memory_space<vmem>>
        %dma_start3A_1721 = arith.constant 0 : i32
        %dma_start3A_1722 = tpu.memref_slice %arg4[%dma_start3A_1721, %multiple_of3A_1710] : memref<16x1000000xf32, #tpu.memory_space<hbm>> -> memref<16x128xf32, #tpu.memory_space<hbm>>
        %dma_start3A_1723 = arith.constant 0 : i32
        %dma_start3A_1724 = arith.constant 768 : i32
        %dma_start3A_1725 = tpu.memref_slice %arg9[%dma_start3A_1716, %dma_start3A_1723, %dma_start3A_1724] : memref<2x16x1024xf32, #tpu.memory_space<vmem>> -> memref<1x16x128xf32, #tpu.memory_space<vmem>>
        %dma_start3A_1726 = tpu.memref_squeeze %dma_start3A_1725 : memref<1x16x128xf32, #tpu.memory_space<vmem>> -> memref<16x128xf32, #tpu.memory_space<vmem>>
        %dma_start3A_1727 = arith.constant 0 : i32
        %dma_start3A_1728 = tpu.memref_slice %arg4[%dma_start3A_1727, %multiple_of3A_1710] : memref<16x1000000xf32, #tpu.memory_space<hbm>> -> memref<16x128xf32, #tpu.memory_space<hbm>>
        tpu.enqueue_dma source(%dma_start3A_1728 : memref<16x128xf32, #tpu.memory_space<hbm>>) target(%dma_start3A_1726 : memref<16x128xf32, #tpu.memory_space<vmem>>) target_semaphore(%arg13 : memref<!tpu.dma_semaphore, #tpu.memory_space<semaphore_mem>>)
        %dma_start3A_1729 = arith.constant 1 : i32
        %dma_start3A_1730 = arith.constant 0 : i32
        %dma_start3A_1731 = arith.constant 768 : i32
        %dma_start3A_1732 = tpu.memref_slice %arg10[%dma_start3A_1729, %dma_start3A_1730, %dma_start3A_1731] : memref<2x16x1024xf32, #tpu.memory_space<vmem>> -> memref<1x16x128xf32, #tpu.memory_space<vmem>>
        %dma_start3A_1733 = tpu.memref_squeeze %dma_start3A_1732 : memref<1x16x128xf32, #tpu.memory_space<vmem>> -> memref<16x128xf32, #tpu.memory_space<vmem>>
        %dma_start3A_1734 = arith.constant 0 : i32
        %dma_start3A_1735 = tpu.memref_slice %arg5[%dma_start3A_1734, %multiple_of3A_1715] : memref<16x1000000xf32, #tpu.memory_space<hbm>> -> memref<16x128xf32, #tpu.memory_space<hbm>>
        %dma_start3A_1736 = arith.constant 0 : i32
        %dma_start3A_1737 = arith.constant 768 : i32
        %dma_start3A_1738 = tpu.memref_slice %arg10[%dma_start3A_1729, %dma_start3A_1736, %dma_start3A_1737] : memref<2x16x1024xf32, #tpu.memory_space<vmem>> -> memref<1x16x128xf32, #tpu.memory_space<vmem>>
        %dma_start3A_1739 = tpu.memref_squeeze %dma_start3A_1738 : memref<1x16x128xf32, #tpu.memory_space<vmem>> -> memref<16x128xf32, #tpu.memory_space<vmem>>
        %dma_start3A_1740 = arith.constant 0 : i32
        %dma_start3A_1741 = tpu.memref_slice %arg5[%dma_start3A_1740, %multiple_of3A_1715] : memref<16x1000000xf32, #tpu.memory_space<hbm>> -> memref<16x128xf32, #tpu.memory_space<hbm>>
        tpu.enqueue_dma source(%dma_start3A_1741 : memref<16x128xf32, #tpu.memory_space<hbm>>) target(%dma_start3A_1739 : memref<16x128xf32, #tpu.memory_space<vmem>>) target_semaphore(%arg13 : memref<!tpu.dma_semaphore, #tpu.memory_space<semaphore_mem>>)
        %slice3A_1742 = vector.extract_strided_slice %get3A_672 {offsets = [15], sizes = [1], strides = [1]} : vector<16xi32> to vector<1xi32>
        %squeeze3A_1743 = vector.extract %slice3A_1742[0] : i32 from vector<1xi32>
        %slice3A_1744 = vector.extract_strided_slice %get3A_674 {offsets = [15], sizes = [1], strides = [1]} : vector<16xi32> to vector<1xi32>
        %squeeze3A_1745 = vector.extract %slice3A_1744[0] : i32 from vector<1xi32>
        %shift_right_arithmetic3A_1746 = arith.constant 7 : i32
        %shift_right_arithmetic3A_1747 = arith.shrsi %squeeze3A_1743, %shift_right_arithmetic3A_1746 : i32
        %shift_left3A_1748 = arith.constant 7 : i32
        %shift_left3A_1749 = arith.shli %shift_right_arithmetic3A_1747, %shift_left3A_1748 : i32
        %multiple_of3A_1750 = tpu.assume_multiple %shift_left3A_1749, 128 : i32
        %shift_right_arithmetic3A_1751 = arith.constant 7 : i32
        %shift_right_arithmetic3A_1752 = arith.shrsi %squeeze3A_1745, %shift_right_arithmetic3A_1751 : i32
        %shift_left3A_1753 = arith.constant 7 : i32
        %shift_left3A_1754 = arith.shli %shift_right_arithmetic3A_1752, %shift_left3A_1753 : i32
        %multiple_of3A_1755 = tpu.assume_multiple %shift_left3A_1754, 128 : i32
        %dma_start3A_1756 = arith.constant 1 : i32
        %dma_start3A_1757 = arith.constant 0 : i32
        %dma_start3A_1758 = arith.constant 896 : i32
        %dma_start3A_1759 = tpu.memref_slice %arg9[%dma_start3A_1756, %dma_start3A_1757, %dma_start3A_1758] : memref<2x16x1024xf32, #tpu.memory_space<vmem>> -> memref<1x16x128xf32, #tpu.memory_space<vmem>>
        %dma_start3A_1760 = tpu.memref_squeeze %dma_start3A_1759 : memref<1x16x128xf32, #tpu.memory_space<vmem>> -> memref<16x128xf32, #tpu.memory_space<vmem>>
        %dma_start3A_1761 = arith.constant 0 : i32
        %dma_start3A_1762 = tpu.memref_slice %arg4[%dma_start3A_1761, %multiple_of3A_1750] : memref<16x1000000xf32, #tpu.memory_space<hbm>> -> memref<16x128xf32, #tpu.memory_space<hbm>>
        %dma_start3A_1763 = arith.constant 0 : i32
        %dma_start3A_1764 = arith.constant 896 : i32
        %dma_start3A_1765 = tpu.memref_slice %arg9[%dma_start3A_1756, %dma_start3A_1763, %dma_start3A_1764] : memref<2x16x1024xf32, #tpu.memory_space<vmem>> -> memref<1x16x128xf32, #tpu.memory_space<vmem>>
        %dma_start3A_1766 = tpu.memref_squeeze %dma_start3A_1765 : memref<1x16x128xf32, #tpu.memory_space<vmem>> -> memref<16x128xf32, #tpu.memory_space<vmem>>
        %dma_start3A_1767 = arith.constant 0 : i32
        %dma_start3A_1768 = tpu.memref_slice %arg4[%dma_start3A_1767, %multiple_of3A_1750] : memref<16x1000000xf32, #tpu.memory_space<hbm>> -> memref<16x128xf32, #tpu.memory_space<hbm>>
        tpu.enqueue_dma source(%dma_start3A_1768 : memref<16x128xf32, #tpu.memory_space<hbm>>) target(%dma_start3A_1766 : memref<16x128xf32, #tpu.memory_space<vmem>>) target_semaphore(%arg13 : memref<!tpu.dma_semaphore, #tpu.memory_space<semaphore_mem>>)
        %dma_start3A_1769 = arith.constant 1 : i32
        %dma_start3A_1770 = arith.constant 0 : i32
        %dma_start3A_1771 = arith.constant 896 : i32
        %dma_start3A_1772 = tpu.memref_slice %arg10[%dma_start3A_1769, %dma_start3A_1770, %dma_start3A_1771] : memref<2x16x1024xf32, #tpu.memory_space<vmem>> -> memref<1x16x128xf32, #tpu.memory_space<vmem>>
        %dma_start3A_1773 = tpu.memref_squeeze %dma_start3A_1772 : memref<1x16x128xf32, #tpu.memory_space<vmem>> -> memref<16x128xf32, #tpu.memory_space<vmem>>
        %dma_start3A_1774 = arith.constant 0 : i32
        %dma_start3A_1775 = tpu.memref_slice %arg5[%dma_start3A_1774, %multiple_of3A_1755] : memref<16x1000000xf32, #tpu.memory_space<hbm>> -> memref<16x128xf32, #tpu.memory_space<hbm>>
        %dma_start3A_1776 = arith.constant 0 : i32
        %dma_start3A_1777 = arith.constant 896 : i32
        %dma_start3A_1778 = tpu.memref_slice %arg10[%dma_start3A_1769, %dma_start3A_1776, %dma_start3A_1777] : memref<2x16x1024xf32, #tpu.memory_space<vmem>> -> memref<1x16x128xf32, #tpu.memory_space<vmem>>
        %dma_start3A_1779 = tpu.memref_squeeze %dma_start3A_1778 : memref<1x16x128xf32, #tpu.memory_space<vmem>> -> memref<16x128xf32, #tpu.memory_space<vmem>>
        %dma_start3A_1780 = arith.constant 0 : i32
        %dma_start3A_1781 = tpu.memref_slice %arg5[%dma_start3A_1780, %multiple_of3A_1755] : memref<16x1000000xf32, #tpu.memory_space<hbm>> -> memref<16x128xf32, #tpu.memory_space<hbm>>
        tpu.enqueue_dma source(%dma_start3A_1781 : memref<16x128xf32, #tpu.memory_space<hbm>>) target(%dma_start3A_1779 : memref<16x128xf32, #tpu.memory_space<vmem>>) target_semaphore(%arg13 : memref<!tpu.dma_semaphore, #tpu.memory_space<semaphore_mem>>)
      } else {
      }
      %mul3A_1459 = arith.constant 16 : i32
      %mul3A_1460 = arith.muli %scan3A_659, %mul3A_1459 : i32
      %swap3A = arith.index_cast %mul3A_1460 : i32 to index
      %swap3A_1461 = tpu.vector_load %arg11[%swap3A] {strides = array<i32>} : memref<512xf32, #tpu.memory_space<vmem>>, vector<16xf32>,
      tpu.vector_store %arg11[%swap3A], %select_n3A_1453 {strides = array<i32>} : memref<512xf32, #tpu.memory_space<vmem>>, vector<16xf32>,
    }
    %scan3A_658 = arith.constant 32 : i32
    "tpu.region"() ({
      %run_scoped3A = tpu.sem_alloc : memref<!tpu.dma_semaphore, #tpu.memory_space<semaphore_mem>>
      %dma_start3A_659 = tpu.memref_slice %arg6[%mul3A_2] : memref<16384xf32, #tpu.memory_space<hbm>> -> memref<512xf32, #tpu.memory_space<hbm>>
      %dma_start3A_660 = tpu.memref_slice %arg6[%mul3A_2] : memref<16384xf32, #tpu.memory_space<hbm>> -> memref<512xf32, #tpu.memory_space<hbm>>
      tpu.enqueue_dma source(%arg11 : memref<512xf32, #tpu.memory_space<vmem>>) target(%dma_start3A_660 : memref<512xf32, #tpu.memory_space<hbm>>) target_semaphore(%run_scoped3A : memref<!tpu.dma_semaphore, #tpu.memory_space<semaphore_mem>>)
      %dma_wait3A = tpu.memref_slice %arg6[%mul3A_2] : memref<16384xf32, #tpu.memory_space<hbm>> -> memref<512xf32, #tpu.memory_space<hbm>>
      %dma_wait3A_661 = tpu.memref_slice %arg6[%mul3A_2] : memref<16384xf32, #tpu.memory_space<hbm>> -> memref<512xf32, #tpu.memory_space<hbm>>
      tpu.wait_dma2 semaphore(%run_scoped3A : memref<!tpu.dma_semaphore, #tpu.memory_space<semaphore_mem>>) src(%arg11 : memref<512xf32, #tpu.memory_space<vmem>>) dst(%dma_wait3A_661 : memref<512xf32, #tpu.memory_space<hbm>>)
      tpu.yield
    }) : () -> ()
    return
  }
}

</mosaic_0001>

<sc_bundles>
// kernel: kernel.3.cloned.1.call-start
scs
__scs_entry_jumppad:
0x0: {  	(pc) =	sbr.rel $0x88, $3  }
0x1: {  	(tag) =	ssettag $0x0;
	lr =	simm.s32 $0x1  }
0x2: {  	[smem:$0x3F9E] =	sst lr;
	_ =	strace $0xD0000000  }
0x3: {  	_ = 	snop  }
0x4: {  	_ = 	snop  }
0x5: {  	_ = 	snop  }
0x6: {  	_ = 	snop  }
0x7: {  	_ = 	snop  }
__scs_overlays_trampoline_lowered:
0x8: {  	[smem:$0x3FAD] =	sst s0  }
0x9: {  	[smem:$0x3FAE] =	sst s1  }
0xa: {  	[smem:$0x3FAF] =	sst s2  }
0xb: {  	[smem:$0x3FB0] =	sst s3  }
0xc: {  	[smem:$0x3FB1] =	sst s4  }
0xd: {  	[smem:$0x3FB2] =	sst s5  }
0xe: {  	[smem:$0x3FB3] =	sst s6  }
0xf: {  	[smem:$0x3FB4] =	sst s7  }
0x10: {  	[smem:$0x3FB5] =	sst s8  }
0x11: {  	[smem:$0x3FB6] =	sst s9;
	s0 =	simm.s32 @!p0 $0x0  }
0x12: {  	s1 =	sld [smem:$0x3F9C];
	s0 =	simm.s32 @p0 $0x1  }
0x13: {  	[smem:$0x3FB7] =	sst s0;
	s0 =	simm.s32 @!p1 $0x0  }
0x14: {  	s2 =	sld [smem:$0x3F9B];
	s0 =	simm.s32 @p1 $0x1  }
0x15: {  	[smem:$0x3FB8] =	sst s0;
	s0 =	simm.s32 @!p2 $0x0  }
0x16: {  	s3 =	sld [smem:$0x3FDB];
	s0 =	simm.s32 @p2 $0x1  }
0x17: {  	s4 =	simm.s32 $0x1BF5;
	[smem:$0x3FBA] =	sst s0  }
0x18: {  	s0 =	sld [smem:$0x3F9D];
	_ =	swait.ge [sflag:s4], $0x0  }
0x19: {  	s7 =	sld [smem:$0x3F9E]  }
0x1a: {  	s8 =	sadd.s32 $0xFFFFE003, lr  }
0x1b: {  	s9 =	sadd.s32 $0xFFFFFEF7, lr;
	s5 =	simm.s32 $0xFFFFFFFF;
	p2 =	slt.u32 s8, $0xFFFFF086  }
0x1c: {  	p1 =	slt.u32 s9, $0xF7A;
	s5 =	simm.s32 @!p2 $0x0  }
0x1d: {  	s5 =	simm.s32 @p1 $0x1;
	p0 =	seq.s32 s7, s2  }
0x1e: {  	s7 =	smul.u32 @!p0 $0xF7A, s2;
	p2 =	seq.s32 @!p0 s5, $0x0  }
0x1f: {  	s9 =	smul.u32 $0xF7A, s1;
	s8 =	simm.s32 @!p0 $0x1BF5;
	p2 =	por !p2, p0  }
0x20: {  	[sflag:s8] =	ssyncset.s32 @!p0 $0xFFFFF086;
	s6 =	sadd.s32 @!p0 s3, s7;
	s7 =	simm.s32 @!p0 $0x108  }
0x21: {  	s3 =	sadd.s32 s3, s9;
	s6 =	sadd.s32 @!p0 $0x88, s6;
	s7 =	simm.s32 @p2 $0x1082  }
0x22: {  	[simem:s7], [sflag:s8] =	dma.local @!p0 [hbm:s6], $0xF7A  }
0x23: {  	s9 =	sor.u32 $0xD0000000, s2;
	s6 =	simm.s32 $0x108;
	_ =	swait.ge @!p0 [sflag:s8], $0x0  }
0x24: {  	s3 =	sadd.s32 $0x88, s3;
	s6 =	simm.s32 @!p1 $0x1082;
	[sflag:s4] =	ssyncset.s32 $0xFFFFF086  }
0x25: {  	[simem:s6], [sflag:s4] =	dma.local [hbm:s3], $0xF7A  }
0x26: {  	[smem:$0x3F9E] =	sst s1;
	(tag) =	ssettag s2;
	_ =	strace s9  }
0x27: {  	s1 =	sld [smem:$0x3FAE]  }
0x28: {  	s2 =	sld [smem:$0x3FAF]  }
0x29: {  	s4 =	sld [smem:$0x3FB1]  }
0x2a: {  	p0 =	seq.s32 s5, $0x0;
	s5 =	sld [smem:$0x3FB2]  }
0x2b: {  	s6 =	sld [smem:$0x3FB3]  }
0x2c: {  	s7 =	sld [smem:$0x3FB4]  }
0x2d: {  	s3 =	simm.s32 $0x108;
	s8 =	sld [smem:$0x3FB5]  }
0x2e: {  	s3 =	simm.s32 @!p0 $0x1082;
	s9 =	sld [smem:$0x3FB6]  }
0x2f: {  	lr =	sadd.s32 s0, s3;
	s0 =	sld [smem:$0x3FAD]  }
0x30: {  	s3 =	sld [smem:$0x3FB0]  }
0x31: {  	[smem:$0x3FB9] =	sst s10  }
0x32: {  	s10 =	sld [smem:$0x3FB7];
	_ =	sdelay $0x3  }
0x33: {  	p0 =	seq.s32 s10, $0x1;
	s10 =	sld [smem:$0x3FB9];
	_ =	sdelay $0x3  }
0x34: {  	[smem:$0x3FB9] =	sst s10  }
0x35: {  	s10 =	sld [smem:$0x3FB8];
	_ =	sdelay $0x3  }
0x36: {  	p1 =	seq.s32 s10, $0x1;
	s10 =	sld [smem:$0x3FB9];
	_ =	sdelay $0x3  }
0x37: {  	[smem:$0x3FB9] =	sst s10  }
0x38: {  	s10 =	sld [smem:$0x3FBA]  }
0x39: {  	_ = 	snop;
	(pc) =	sbr.ind lr, $3  }
0x3a: {  	_ = 	snop  }
0x3b: {  	_ = 	snop  }
0x3c: {  	p2 =	seq.s32 s10, $0x1;
	s10 =	sld [smem:$0x3FB9]  }
0x3d: {  	_ =	shalt  }
0x3e: {  	_ =	shalt  }
0x3f: {  	_ =	shalt  }
0x40: {  	_ =	shalt  }
0x41: {  	_ =	shalt  }
0x42: {  	_ =	shalt  }
0x43: {  	_ =	shalt  }
0x44: {  	_ =	shalt  }
0x45: {  	_ =	shalt  }
0x46: {  	_ =	shalt  }
0x47: {  	_ =	shalt  }
0x48: {  	_ =	shalt  }
0x49: {  	_ =	shalt  }
0x4a: {  	_ =	shalt  }
0x4b: {  	_ =	shalt  }
0x4c: {  	_ =	shalt  }
0x4d: {  	_ =	shalt  }
0x4e: {  	_ =	shalt  }
0x4f: {  	_ =	shalt  }
0x50: {  	_ =	shalt  }
0x51: {  	_ =	shalt  }
0x52: {  	_ =	shalt  }
0x53: {  	_ =	shalt  }
0x54: {  	_ =	shalt  }
0x55: {  	_ =	shalt  }
0x56: {  	_ =	shalt  }
0x57: {  	_ =	shalt  }
0x58: {  	_ =	shalt  }
0x59: {  	_ =	shalt  }
0x5a: {  	_ =	shalt  }
0x5b: {  	_ =	shalt  }
0x5c: {  	_ =	shalt  }
0x5d: {  	_ =	shalt  }
0x5e: {  	_ =	shalt  }
0x5f: {  	_ =	shalt  }
0x60: {  	_ =	shalt  }
0x61: {  	_ =	shalt  }
0x62: {  	_ =	shalt  }
0x63: {  	_ =	shalt  }
0x64: {  	_ =	shalt  }
0x65: {  	_ =	shalt  }
0x66: {  	_ =	shalt  }
0x67: {  	_ =	shalt  }
0x68: {  	_ =	shalt  }
0x69: {  	_ =	shalt  }
0x6a: {  	_ =	shalt  }
0x6b: {  	_ =	shalt  }
0x6c: {  	_ =	shalt  }
0x6d: {  	_ =	shalt  }
0x6e: {  	_ =	shalt  }
0x6f: {  	_ =	shalt  }
0x70: {  	_ =	shalt  }
0x71: {  	_ =	shalt  }
0x72: {  	_ =	shalt  }
0x73: {  	_ =	shalt  }
0x74: {  	_ =	shalt  }
0x75: {  	_ =	shalt  }
0x76: {  	_ =	shalt  }
0x77: {  	_ =	shalt  }
0x78: {  	_ =	shalt  }
0x79: {  	_ =	shalt  }
0x7a: {  	_ =	shalt  }
0x7b: {  	_ =	shalt  }
0x7c: {  	_ =	shalt  }
0x7d: {  	_ =	shalt  }
0x7e: {  	_ =	shalt  }
0x7f: {  	_ =	shalt  }
0x80: {  	_ =	shalt  }
0x81: {  	_ =	shalt  }
0x82: {  	_ =	shalt  }
0x83: {  	_ =	shalt  }
0x84: {  	_ =	shalt  }
0x85: {  	_ =	shalt  }
0x86: {  	_ =	shalt  }
0x87: {  	_ =	shalt  }
.Lfunc_end0:
.L_simem_size_0:
called_computation_lowered:
.L_overlay_start_0:
0x88: {  	s2 =	sld [smem:$0x3FD9]  }
0x89: {  	s3 =	sld [smem:$0x3FFE];
	_ =	sdelay $0x1  }
0x8a: {  	s1 =	srdreg.scid  }
0x8b: {  	s0 =	sand.u32 $0x1, s1  }
0x8c: {  	s17 =	sshll.u32 s0, $0xA;
	s2 =	sadd.s32 s3, s2  }
0x8d: {  	s2 =	sadd.s32 s2, s17  }
0x8e: {  	[smem:$0x3FC5] =	sst s2  }
0x8f: {  	_ = 	snop  }
0x90: {  	s2 =	sld [smem:$0x3FC8]  }
0x91: {  	s18 =	sld [smem:$0x3FC7]  }
0x92: {  	s4 =	sld [smem:$0x3FD0];
	(tm) =	ssettm $0x1  }
0x93: {  	s5 =	sld [smem:$0x3FFB];
	_ =	sdelay $0x3  }
0x94: {  	_ =	strace s5  }
0x95: {  	s5 =	sld [smem:$0x3FFC];
	_ =	sdelay $0x3  }
0x96: {  	_ =	strace s5  }
0x97: {  	s5 =	sld [smem:$0x3FFD];
	_ =	sdelay $0x3  }
0x98: {  	_ =	strace s5  }
0x99: {  	_ =	strace $0x8FFFFFFF  }
0x9a: {  	s19 =	sld [smem:$0x3FDB];
	_ =	sdelay $0x1  }
0x9b: {  	s6 =	simm.s32 $_scs_section_size  }
0x9c: {  	s7 =	simm.s32 $_size__tile_overlayer_lowered;
	s8 =	simm.s32 $_tile_overlayer_lowered  }
0x9d: {  	s22 =	simm.s32 $0x1BFF;
	s21 =	sshll.u32 s8, $0x1;
	s5 =	sadd.s32 s6, s19  }
0x9e: {  	s9 =	simm.s32 $0x0;
	s20 =	sshll.u32 s7, $0x1;
	s7 =	sadd.s32 s21, s5  }
0x9f: {  	[timem:s9], [sflag:s22] =	dma.local [hbm:s7], s20  }
0xa0: {  	_ =	swait.ge [sflag:s22], s20  }
0xa1: {  	s6 =	ssub.s32 $0x0, s20;
	[sflag:s22] =	ssyncset.done $0x0  }
0xa2: {  	[sflag:s22] =	ssyncadd.s32 s6;
	_ =	sdelay $0x1  }
0xa3: {  	s23 =	simm.s32 $0x1B8B  }
0xa4: {  	_ =	swait.ge [sflag:s23], $0x1  }
0xa5: {  	[sflag:s23] =	ssyncset.done $0x0  }
0xa6: {  	s25 =	simm.s32 $0x1B8E;
	s24 =	sld [smem:$0x3FFE];
	[sflag:s23] =	ssyncadd.s32 $0xFFFFFFFF  }
0xa7: {  	s26 =	simm.s32 $execute0_lowered;
	[smem:$0x3FD2] =	sst s25  }
0xa8: {  	s7 =	sshll.u32 s26, $0x1;
	_ =	strace $0x80000046;
	[dreg:$0x1] =	wrdreg $0xFFFFFFFF  }
0xa9: {  	s28 =	simm.s32 $_size_execute0_lowered;
	s5 =	sadd.s32 s5, s7;
	[dreg:$0x0] =	wrdreg $0x0  }
0xaa: {  	s7 =	sshll.u32 s28, $0x1;
	[dreg:$0x2] =	wrdreg s5  }
0xab: {  	[dreg:$0x3] =	wrdreg s7  }
0xac: {  	[dreg:$0x4] =	wrdreg $0xC0  }
0xad: {  	_ =	task [dreg:s9], $0x5FFFF  }
0xae: {  	[dreg:$0x1] =	wrdreg $0xFFFFFFFF  }
0xaf: {  	[dreg:$0x0] =	wrdreg $0x60  }
0xb0: {  	[dreg:$0x2] =	wrdreg s24  }
0xb1: {  	[dreg:$0x3] =	wrdreg s2  }
0xb2: {  	[dreg:$0x4] =	wrdreg s18  }
0xb3: {  	[dreg:$0x5] =	wrdreg s4  }
0xb4: {  	[dreg:$0x6] =	wrdreg $0x9  }
0xb5: {  	_ =	task.clear_ibuf [dreg:s9], $0x7FFFF;
	_ =	strace $0x90000046  }
0xb6: {  	s29 =	simm.s32 $0x9;
	_ =	strace $0x80000048  }
0xb7: {  	_ =	swait.ge [sflag:s29], $0x1  }
0xb8: {  	[sflag:s29] =	ssyncadd.s32 $0xFFFFFFFF  }
0xb9: {  	_ =	strace $0x90000048  }
0xba: {  	_ =	sfence  }
0xbb: {  	s30 =	sld [smem:$0x0];
	_ =	sdelay $0x2  }
0xbc: {  	s31 =	sshll.u32 s1, $0xD;
	s1 =	sshrl.u32 s1, $0x2  }
0xbd: {  	s3 =	sand.u32 $0x4000, s31;
	s1 =	sadd.s32 s1, s30  }
0xbe: {  	s0 =	sor.u32 s3, s0;
	s1 =	sshll.u32 s1, $0x11  }
0xbf: {  	s0 =	sor.u32 s1, s0  }
0xc0: {  	s0 =	sadd.s32 $0x8F2B, s0  }
0xc1: {  	[sflag:s0] =	ssyncadd.remote.s32 $0x1  }
0xc2: {  	_ =	sfence.sel $0xFFFF  }
0xc3: {  	[dreg:$0x0] =	wrdreg $0xFFFFFFFF;
	(pc) =	sbr.abs _section_cstart, $3  }
0xc4: {  	[dreg:$0x1] =	wrdreg $0xFFFFFFFF  }
0xc5: {  	_ =	task.clear_ibuf [dreg:s9], $0x2FFFF;
	_ =	strace $0x9FFFFFFF  }
0xc6: {  	(tm) =	ssettm $0x7FFFFFFF  }
0xc7: {  	_ =	shalt  }
tec
execute0_lowered:
.L_overlay_start_1:
0x0: {  	(tag) =	ssettag $0x1  }
0x1: {  	v0 =	vimm.s32 $0x2380  }
0x2: {  	vm0 =	vcmask $0x300;
	vm1 =	vcmask $0x704;
	vm2 =	vcmask $0xB08  }
0x3: {  	vm3 =	vcmask $0xF0C;
	vm14 =	vcmask $0x1310;
	vm13 =	vcmask $0x1714  }
0x4: {  	vm12 =	vcmask $0x1B18;
	vm11 =	vcmask $0x1F1C;
	vm10 =	vcmask $0x2320  }
0x5: {  	vm9 =	vcmask $0x2724;
	vm8 =	vcmask $0x2B28;
	vm7 =	vcmask $0x2F2C  }
0x6: {  	vm4 =	vcmask $0x3330;
	vm5 =	vcmask $0x3734;
	v1 =	vimm.s32 $0xFEDCBA98  }
0x7: {  	vm6 =	vcmask $0x3B38;
	v2 =	vimm.s32 $0x76543210;
	v3 =	vimm.s32 $0x2780  }
0x8: {  	v4 =	vimm.s32 $0xBA98FEDC;
	v5 =	vimm.s32 $0x32107654;
	v6 =	vimm.s32 $0xDCFE98BA  }
0x9: {  	v7 =	vimm.s32 $0x54761032;
	v8 =	vimm.s32 $0xEFCDAB89;
	v9 =	vimm.s32 $0x67452301  }
0xa: {  	v10 =	vimm.s32 $0x3B80;
	v11 =	vimm.s32 $0x3F80;
	v0 =	vsel vm0, $0x0, v0  }
0xb: {  	v1 =	vunpack.c.l.s4.s8 v1;
	v2 =	vunpack.c.l.s4.s8 v2;
	v3 =	vsel vm0, $0x400, v3  }
0xc: {  	v4 =	vunpack.c.l.s4.s8 v4;
	v5 =	vunpack.c.l.s4.s8 v5;
	v6 =	vunpack.c.l.s4.s8 v6  }
0xd: {  	v7 =	vunpack.c.l.s4.s8 v7;
	v8 =	vunpack.c.l.s4.s8 v8;
	v9 =	vunpack.c.l.s4.s8 v9  }
0xe: {  	v10 =	vsel vm0, $0x1800, v10;
	v11 =	vsel vm0, $0x1C00, v11;
	v0 =	vsel vm1, $0x80, v0  }
0xf: {  	v3 =	vsel vm1, $0x480, v3;
	v10 =	vsel vm1, $0x1880, v10;
	v11 =	vsel vm1, $0x1C80, v11  }
0x10: {  	v0 =	vsel vm2, $0x100, v0;
	v1 =	vunpack.c.0.s8.s32 v1;
	v2 =	vunpack.c.0.s8.s32 v2  }
0x11: {  	v3 =	vsel vm2, $0x500, v3;
	v4 =	vunpack.c.0.s8.s32 v4;
	v5 =	vunpack.c.0.s8.s32 v5  }
0x12: {  	v6 =	vunpack.c.0.s8.s32 v6;
	v7 =	vunpack.c.0.s8.s32 v7;
	v8 =	vunpack.c.0.s8.s32 v8  }
0x13: {  	v9 =	vunpack.c.0.s8.s32 v9;
	v10 =	vsel vm2, $0x1900, v10;
	v11 =	vsel vm2, $0x1D00, v11  }
0x14: {  	v0 =	vsel vm3, $0x180, v0;
	v3 =	vsel vm3, $0x580, v3;
	v10 =	vsel vm3, $0x1980, v10  }
0x15: {  	v11 =	vsel vm3, $0x1D80, v11;
	v0 =	vsel vm14, $0x200, v0;
	v1 =	vand.u32 $0xF, v1  }
0x16: {  	v3 =	vsel vm14, $0x600, v3;
	v4 =	vcombine.low v5, v4;
	v5 =	vcombine.low v7, v6  }
0x17: {  	v6 =	vcombine.low v9, v8;
	v8 =	vimm.s32 $0x3380;
	v9 =	vimm.s32 $0x3780  }
0x18: {  	v10 =	vsel vm14, $0x1A00, v10;
	v11 =	vsel vm14, $0x1E00, v11;
	v0 =	vsel vm13, $0x280, v0  }
0x19: {  	v3 =	vsel vm13, $0x680, v3;
	v1 =	vcombine.low v1, v2;
	v8 =	vsel vm0, $0x1000, v8  }
0x1a: {  	v9 =	vsel vm0, $0x1400, v9;
	v10 =	vsel vm13, $0x1A80, v10;
	v11 =	vsel vm13, $0x1E80, v11  }
0x1b: {  	v0 =	vsel vm12, $0x300, v0;
	v3 =	vsel vm12, $0x700, v3;
	v2 =	vand.u32 $0xF, v4  }
0x1c: {  	v4 =	vand.u32 $0xF, v6;
	v6 =	vimm.s32 $0x2B80;
	v8 =	vsel vm1, $0x1080, v8  }
0x1d: {  	v9 =	vsel vm1, $0x1480, v9;
	v10 =	vsel vm12, $0x1B00, v10;
	v11 =	vsel vm12, $0x1F00, v11  }
0x1e: {  	v0 =	vsel vm11, $0x380, v0;
	v3 =	vsel vm11, $0x780, v3;
	v6 =	vsel vm0, $0x800, v6  }
0x1f: {  	v8 =	vsel vm2, $0x1100, v8;
	v9 =	vsel vm2, $0x1500, v9;
	v10 =	vsel vm11, $0x1B80, v10  }
0x20: {  	v11 =	vsel vm11, $0x1F80, v11;
	v0 =	vsel vm10, $0x2000, v0;
	v3 =	vsel vm10, $0x2400, v3  }
0x21: {  	v6 =	vsel vm1, $0x880, v6;
	v8 =	vsel vm3, $0x1180, v8;
	v9 =	vsel vm3, $0x1580, v9  }
0x22: {  	v10 =	vsel vm10, $0x3800, v10;
	v11 =	vsel vm10, $0x3C00, v11;
	v0 =	vsel vm9, $0x2080, v0  }
0x23: {  	v3 =	vsel vm9, $0x2480, v3;
	v6 =	vsel vm2, $0x900, v6;
	v8 =	vsel vm14, $0x1200, v8  }
0x24: {  	v9 =	vsel vm14, $0x1600, v9;
	v10 =	vsel vm9, $0x3880, v10;
	v11 =	vsel vm9, $0x3C80, v11  }
0x25: {  	v0 =	vsel vm8, $0x2100, v0;
	v3 =	vsel vm8, $0x2500, v3;
	v6 =	vsel vm3, $0x980, v6  }
0x26: {  	v8 =	vsel vm13, $0x1280, v8;
	v9 =	vsel vm13, $0x1680, v9;
	v10 =	vsel vm8, $0x3900, v10  }
0x27: {  	v11 =	vsel vm8, $0x3D00, v11;
	v0 =	vsel vm7, $0x2180, v0;
	v7 =	vsel vm7, $0x2580, v3  }
0x28: {  	v3 =	vand.u32 $0xF, v5;
	v6 =	vsel vm14, $0xA00, v6;
	v8 =	vsel vm12, $0x1300, v8  }
0x29: {  	v9 =	vsel vm12, $0x1700, v9;
	v10 =	vsel vm7, $0x3980, v10;
	v11 =	vsel vm7, $0x3D80, v11  }
0x2a: {  	v0 =	vsel vm4, $0x2200, v0;
	v5 =	vsel vm4, $0x2600, v7;
	v7 =	vimm.s32 $0x2F80  }
0x2b: {  	v6 =	vsel vm13, $0xA80, v6;
	v8 =	vsel vm11, $0x1380, v8;
	v9 =	vsel vm11, $0x1780, v9  }
0x2c: {  	v10 =	vsel vm4, $0x3A00, v10;
	v11 =	vsel vm4, $0x3E00, v11;
	v0 =	vsel vm5, $0x2280, v0  }
0x2d: {  	v5 =	vsel vm5, $0x2680, v5;
	v7 =	vsel vm0, $0xC00, v7;
	vm0 =	vmmov $0x1  }
0x2e: {  	s2 =	rddreg [dreg:$0x0];
	v6 =	vsel vm12, $0xB00, v6;
	v8 =	vsel vm10, $0x3000, v8;
	v9 =	vsel vm10, $0x3400, v9  }
0x2f: {  	s0 =	rddreg [dreg:$0x1];
	v10 =	vsel vm5, $0x3A80, v10;
	v11 =	vsel vm5, $0x3E80, v11;
	v0 =	vsel vm6, $0x2300, v0  }
0x30: {  	s1 =	rddreg [dreg:$0x2];
	v5 =	vsel vm6, $0x2700, v5;
	v7 =	vsel vm1, $0xC80, v7;
	v6 =	vsel vm11, $0xB80, v6  }
0x31: {  	s3 =	srdreg.scid;
	s5 =	rddreg [dreg:$0x3];
	v8 =	vsel vm9, $0x3080, v8;
	vm1 =	vmmov $0x3;
	v9 =	vsel vm9, $0x3480, v9  }
0x32: {  	s4 =	stileid.u32;
	s28 =	simm.s32 $0x3;
	s10 =	simm.s32 $0x400;
	v10 =	vsel vm6, $0x3B00, v10;
	v11 =	vsel vm6, $0x3F00, v11;
	v7 =	vsel vm2, $0xD00, v7  }
0x33: {  	s12 =	simm.s32 $0x8400;
	s16 =	simm.s32 $0x4400;
	s18 =	simm.s32 $0xC400;
	v6 =	vsel vm10, $0x2800, v6;
	v8 =	vsel vm8, $0x3100, v8;
	vm2 =	vmmov $0x7  }
0x34: {  	s8 =	simm.s32 $0x5800;
	s9 =	simm.s32 $0x7800;
	s11 =	simm.s32 $0xD800;
	v9 =	vsel vm8, $0x3500, v9;
	v7 =	vsel vm3, $0xD80, v7;
	v6 =	vsel vm9, $0x2880, v6  }
0x35: {  	s13 =	simm.s32 $0xF800;
	s14 =	simm.s32 $0x5C00;
	s15 =	simm.s32 $0x7C00;
	v8 =	vsel vm7, $0x3180, v8;
	vm3 =	vmmov $0xf;
	v9 =	vsel vm7, $0x3580, v9  }
0x36: {  	s17 =	simm.s32 $0xDC00;
	s19 =	simm.s32 $0xFC00;
	s20 =	simm.s32 $0x6000;
	v7 =	vsel vm14, $0xE00, v7;
	v6 =	vsel vm8, $0x2900, v6;
	v8 =	vsel vm4, $0x3200, v8  }
0x37: {  	s21 =	simm.s32 $0x8000;
	s22 =	simm.s32 $0xE000;
	s23 =	simm.s32 $0x10000;
	v9 =	vsel vm4, $0x3600, v9;
	vm14 =	vmmov $0x7fff;
	v7 =	vsel vm13, $0xE80, v7  }
0x38: {  	s24 =	simm.s32 $0x1;
	s25 =	simm.s32 $0x2;
	s3 =	sand.u32 $0x1, s3;
	v6 =	vsel vm7, $0x2980, v6;
	v8 =	vsel vm5, $0x3280, v8;
	v7 =	vsel vm12, $0xF00, v7  }
0x39: {  	s6 =	sshll.u32 s4, $0x7;
	s4 =	simm.s32 $0x0;
	s7 =	sshll.u32 s3, $0x6;
	v9 =	vsel vm5, $0x3680, v9;
	vm13 =	vmmov $0x3fff;
	v7 =	vsel vm11, $0xF80, v7  }
0x3a: {  	s3 =	ssub.s32 $0x2, s3;
	[smem:$0x7FF] =	sst s4;
	s6 =	sor.u32 s7, s6;
	v6 =	vsel vm4, $0x2A00, v6;
	v8 =	vsel vm6, $0x3300, v8;
	v7 =	vsel vm10, $0x2C00, v7  }
0x3b: {  	s26 =	sshrl.u32 s3, $0x1;
	_ =	strace $0x80000047;
	s7 =	simm.s32 $0xF400;
	v9 =	vsel vm6, $0x3700, v9;
	vm12 =	vmmov $0x1fff;
	v7 =	vsel vm9, $0x2C80, v7  }
.Ltmp0:
0x3c: {  	s2 =	sadd.s32 s6, s2;
	s30 =	sadd.s32 s5, s6;
	v6 =	vsel vm5, $0x2A80, v6;
	vm11 =	vmmov $0xfff;
	v7 =	vsel vm8, $0x2D00, v7;
	(pc) =	sbr.rel .LBB2_1-.Ltmp0, $4  }
0x3d: {  	s3 =	ssub.s32 s3, s26;
	s29 =	sadd.s32 $0xE00, s2;
	[dreg:$0x7] =	wrdreg s30;
	v6 =	vsel vm6, $0x2B00, v6;
	vm10 =	vmmov $0x7ff;
	v7 =	vsel vm7, $0x2D80, v7  }
0x3e: {  	s5 =	simm.s32 $0x7400;
	s2 =	sadd.s32 $0x600, s2;
	[dreg:$0x5] =	wrdreg s29;
	vm9 =	vmmov $0x3ff;
	vm8 =	vmmov $0x1ff;
	v7 =	vsel vm4, $0x2E00, v7  }
0x3f: {  	s6 =	simm.s32 $0xD400;
	s31 =	smax.u32 s3, $0x1;
	[dreg:$0x6] =	wrdreg s2;
	vm7 =	vmmov $0xff;
	vm4 =	vmmov $0x1f;
	v7 =	vsel vm5, $0x2E80, v7  }
0x40: {  	s26 =	simm.s32 $0x0;
	[dreg:$0x8] =	wrdreg s31;
	s2 =	simm.s32 $0x5400;
	vm5 =	vmmov $0x3f;
	v7 =	vsel vm6, $0x2F00, v7;
	vm6 =	vmmov $0x7f  }
.LBB2_5:
0x41: {  	[tilespmem:s29+$0x0] =	vst v14  }
.LBB2_7:
0x42: {  	s3 =	rddreg [dreg:$0x7];
	s26 =	simm.s32 $0x10400;
	s28 =	simm.s32 $0x3  }
0x43: {  	[hbm4b:s3+s4] =	stream.linear.scatter [tilespmem:s26], [sflag:$0x3], $0x200, $0x38;
	[tilespmem:$0x10600] =	vst v63  }
0x44: {  	_ =	swait.ge [sflag:s28], $0x200  }
0x45: {  	s30 =	rddreg [dreg:$0x9]  }
0x46: {  	s31 =	rddreg [dreg:$0x8];
	s26 =	sadd.s32 $0x1, s30  }
0x47: {  	p0 =	sne.s32 s26, s31  }
.Ltmp1:
0x48: {  	_ = 	snop;
	(pc) =	sbr.rel @!p0 .LBB2_8-.Ltmp1, $3  }
0x49: {  	_ =	sdelay $0x1  }
0x4a: {  	[sflag:s28] =	ssyncset.done $0x0  }
0x4b: {  	[sflag:s28] =	ssyncadd.s32 $0xFFFFFE00  }
.LBB2_1:
0x4c: {  	[dreg:$0x9] =	wrdreg s26  }
0x4d: {  	s3 =	rddreg [dreg:$0x5]  }
0x4e: {  	[tilespmem:s4], [sflag:$0x3] =	stream.linear.gather [hbm4b:s3+s4], $0x200, $0x38;
	[tilespmem:$0x10600] =	vst v63  }
0x4f: {  	_ =	swait.ge [sflag:s28], $0x200  }
0x50: {  	[sflag:s28] =	ssyncset.done $0x0  }
0x51: {  	s26 =	simm.s32 $0x200;
	s31 =	rddreg [dreg:$0x6];
	[sflag:s28] =	ssyncadd.s32 $0xFFFFFE00  }
0x52: {  	[tilespmem:s26], [sflag:$0x3] =	stream.linear.gather [hbm4b:s31+s4], $0x200, $0x38;
	[tilespmem:$0x10600] =	vst v63  }
0x53: {  	_ =	swait.ge [sflag:s28], $0x200  }
0x54: {  	[sflag:s28] =	ssyncset.done $0x0  }
0x55: {  	[sflag:s28] =	ssyncadd.s32 $0xFFFFFE00  }
0x56: {  	v13 =	vld [tilespmem:$0x0];
	_ =	sdelay $0x4  }
0x57: {  	(v2sf) =	vpush v13, $0x0  }
0x58: {  	v12 =	vld [tilespmem:$0x200];
	_ =	sdelay $0x4  }
0x59: {  	(v2sf) =	vpush v12, $0x0;
	_ =	sdelay $0x5  }
0x5a: {  	(v2sf) =	vpush v13, $0x1;
	_ =	sdelay $0x2  }
0x5b: {  	s28 =	spop (v2sf)  }
0x5c: {  	s28 =	sand.u32 $0xFFFFF80, s28  }
0x5d: {  	s28 =	sadd.s32 s0, s28  }
0x5e: {  	(v2sf) =	vpush v12, $0x1;
	[tilespmem:s10], [sflag:$0x1] =	stream.linear.gather [hbm4b:s28+s4], $0x400, $0x38;
	[tilespmem:$0x10600] =	vst v63  }
0x5f: {  	s31 =	simm.s32 $0x2400;
	s28 =	sadd.s32 $0xF4280, s28  }
0x60: {  	[tilespmem:s31], [sflag:$0x1] =	stream.linear.gather [hbm4b:s28+s4], $0x400, $0x38;
	[tilespmem:$0x10600] =	vst v63  }
0x61: {  	s28 =	spop (v2sf)  }
0x62: {  	s28 =	sand.u32 $0xFFFFF80, s28  }
0x63: {  	s28 =	sadd.s32 s1, s28  }
0x64: {  	(v2sf) =	vpush v13, $0x2;
	[tilespmem:s12], [sflag:$0x1] =	stream.linear.gather [hbm4b:s28+s4], $0x400, $0x38;
	[tilespmem:$0x10600] =	vst v63  }
0x65: {  	s31 =	simm.s32 $0xA400;
	s28 =	sadd.s32 $0xF4280, s28  }
0x66: {  	[tilespmem:s31], [sflag:$0x1] =	stream.linear.gather [hbm4b:s28+s4], $0x400, $0x38;
	[tilespmem:$0x10600] =	vst v63  }
0x67: {  	s28 =	spop (v2sf)  }
0x68: {  	s28 =	sand.u32 $0xFFFFF80, s28  }
0x69: {  	s31 =	simm.s32 $0x800;
	s28 =	sadd.s32 s0, s28  }
0x6a: {  	(v2sf) =	vpush v12, $0x2;
	[tilespmem:s31], [sflag:$0x1] =	stream.linear.gather [hbm4b:s28+s4], $0x400, $0x38;
	[tilespmem:$0x10600] =	vst v63  }
0x6b: {  	s28 =	sadd.s32 $0xF4280, s28;
	s31 =	simm.s32 $0x2800  }
0x6c: {  	[tilespmem:s31], [sflag:$0x1] =	stream.linear.gather [hbm4b:s28+s4], $0x400, $0x38;
	[tilespmem:$0x10600] =	vst v63  }
0x6d: {  	s28 =	spop (v2sf)  }
0x6e: {  	s28 =	sand.u32 $0xFFFFF80, s28  }
0x6f: {  	s31 =	simm.s32 $0x8800;
	s28 =	sadd.s32 s1, s28  }
0x70: {  	(v2sf) =	vpush v13, $0x3;
	[tilespmem:s31], [sflag:$0x1] =	stream.linear.gather [hbm4b:s28+s4], $0x400, $0x38;
	[tilespmem:$0x10600] =	vst v63  }
0x71: {  	s28 =	sadd.s32 $0xF4280, s28;
	s31 =	simm.s32 $0xA800  }
0x72: {  	[tilespmem:s31], [sflag:$0x1] =	stream.linear.gather [hbm4b:s28+s4], $0x400, $0x38;
	[tilespmem:$0x10600] =	vst v63  }
0x73: {  	s28 =	spop (v2sf)  }
0x74: {  	s28 =	sand.u32 $0xFFFFF80, s28  }
0x75: {  	s31 =	simm.s32 $0xC00;
	s28 =	sadd.s32 s0, s28  }
0x76: {  	(v2sf) =	vpush v12, $0x3;
	[tilespmem:s31], [sflag:$0x1] =	stream.linear.gather [hbm4b:s28+s4], $0x400, $0x38;
	[tilespmem:$0x10600] =	vst v63  }
0x77: {  	s28 =	sadd.s32 $0xF4280, s28;
	s31 =	simm.s32 $0x2C00  }
0x78: {  	[tilespmem:s31], [sflag:$0x1] =	stream.linear.gather [hbm4b:s28+s4], $0x400, $0x38;
	[tilespmem:$0x10600] =	vst v63  }
0x79: {  	s28 =	spop (v2sf)  }
0x7a: {  	s28 =	sand.u32 $0xFFFFF80, s28  }
0x7b: {  	s31 =	simm.s32 $0x8C00;
	s28 =	sadd.s32 s1, s28  }
0x7c: {  	(v2sf) =	vpush v13, $0x4;
	[tilespmem:s31], [sflag:$0x1] =	stream.linear.gather [hbm4b:s28+s4], $0x400, $0x38;
	[tilespmem:$0x10600] =	vst v63  }
0x7d: {  	s28 =	sadd.s32 $0xF4280, s28;
	s31 =	simm.s32 $0xAC00  }
0x7e: {  	[tilespmem:s31], [sflag:$0x1] =	stream.linear.gather [hbm4b:s28+s4], $0x400, $0x38;
	[tilespmem:$0x10600] =	vst v63  }
0x7f: {  	s28 =	spop (v2sf)  }
0x80: {  	s28 =	sand.u32 $0xFFFFF80, s28  }
0x81: {  	s31 =	simm.s32 $0x1000;
	s28 =	sadd.s32 s0, s28  }
0x82: {  	(v2sf) =	vpush v12, $0x4;
	[tilespmem:s31], [sflag:$0x1] =	stream.linear.gather [hbm4b:s28+s4], $0x400, $0x38;
	[tilespmem:$0x10600] =	vst v63  }
0x83: {  	s28 =	sadd.s32 $0xF4280, s28;
	s31 =	simm.s32 $0x3000  }
0x84: {  	[tilespmem:s31], [sflag:$0x1] =	stream.linear.gather [hbm4b:s28+s4], $0x400, $0x38;
	[tilespmem:$0x10600] =	vst v63  }
0x85: {  	s28 =	spop (v2sf)  }
0x86: {  	s28 =	sand.u32 $0xFFFFF80, s28  }
0x87: {  	s31 =	simm.s32 $0x9000;
	s28 =	sadd.s32 s1, s28  }
0x88: {  	(v2sf) =	vpush v13, $0x5;
	[tilespmem:s31], [sflag:$0x1] =	stream.linear.gather [hbm4b:s28+s4], $0x400, $0x38;
	[tilespmem:$0x10600] =	vst v63  }
0x89: {  	s28 =	sadd.s32 $0xF4280, s28;
	s31 =	simm.s32 $0xB000  }
0x8a: {  	[tilespmem:s31], [sflag:$0x1] =	stream.linear.gather [hbm4b:s28+s4], $0x400, $0x38;
	[tilespmem:$0x10600] =	vst v63  }
0x8b: {  	s28 =	spop (v2sf)  }
0x8c: {  	s28 =	sand.u32 $0xFFFFF80, s28  }
0x8d: {  	s31 =	simm.s32 $0x1400;
	s28 =	sadd.s32 s0, s28  }
0x8e: {  	(v2sf) =	vpush v12, $0x5;
	[tilespmem:s31], [sflag:$0x1] =	stream.linear.gather [hbm4b:s28+s4], $0x400, $0x38;
	[tilespmem:$0x10600] =	vst v63  }
0x8f: {  	s28 =	sadd.s32 $0xF4280, s28;
	s31 =	simm.s32 $0x3400  }
0x90: {  	[tilespmem:s31], [sflag:$0x1] =	stream.linear.gather [hbm4b:s28+s4], $0x400, $0x38;
	[tilespmem:$0x10600] =	vst v63  }
0x91: {  	s28 =	spop (v2sf)  }
0x92: {  	s28 =	sand.u32 $0xFFFFF80, s28  }
0x93: {  	s31 =	simm.s32 $0x9400;
	s28 =	sadd.s32 s1, s28  }
0x94: {  	(v2sf) =	vpush v13, $0x6;
	[tilespmem:s31], [sflag:$0x1] =	stream.linear.gather [hbm4b:s28+s4], $0x400, $0x38;
	[tilespmem:$0x10600] =	vst v63  }
0x95: {  	s28 =	sadd.s32 $0xF4280, s28;
	s31 =	simm.s32 $0xB400  }
0x96: {  	[tilespmem:s31], [sflag:$0x1] =	stream.linear.gather [hbm4b:s28+s4], $0x400, $0x38;
	[tilespmem:$0x10600] =	vst v63  }
0x97: {  	s28 =	spop (v2sf)  }
0x98: {  	s28 =	sand.u32 $0xFFFFF80, s28  }
0x99: {  	s31 =	simm.s32 $0x1800;
	s28 =	sadd.s32 s0, s28  }
0x9a: {  	(v2sf) =	vpush v12, $0x6;
	[tilespmem:s31], [sflag:$0x1] =	stream.linear.gather [hbm4b:s28+s4], $0x400, $0x38;
	[tilespmem:$0x10600] =	vst v63  }
0x9b: {  	s28 =	sadd.s32 $0xF4280, s28;
	s31 =	simm.s32 $0x3800  }
0x9c: {  	[tilespmem:s31], [sflag:$0x1] =	stream.linear.gather [hbm4b:s28+s4], $0x400, $0x38;
	[tilespmem:$0x10600] =	vst v63  }
0x9d: {  	s28 =	spop (v2sf)  }
0x9e: {  	s28 =	sand.u32 $0xFFFFF80, s28  }
0x9f: {  	s31 =	simm.s32 $0x9800;
	s28 =	sadd.s32 s1, s28  }
0xa0: {  	(v2sf) =	vpush v13, $0x7;
	[tilespmem:s31], [sflag:$0x1] =	stream.linear.gather [hbm4b:s28+s4], $0x400, $0x38;
	[tilespmem:$0x10600] =	vst v63  }
0xa1: {  	s28 =	sadd.s32 $0xF4280, s28;
	s31 =	simm.s32 $0xB800  }
0xa2: {  	[tilespmem:s31], [sflag:$0x1] =	stream.linear.gather [hbm4b:s28+s4], $0x400, $0x38;
	[tilespmem:$0x10600] =	vst v63  }
0xa3: {  	s28 =	spop (v2sf)  }
0xa4: {  	s28 =	sand.u32 $0xFFFFF80, s28  }
0xa5: {  	s31 =	simm.s32 $0x1C00;
	s28 =	sadd.s32 s0, s28  }
0xa6: {  	(v2sf) =	vpush v12, $0x7;
	[tilespmem:s31], [sflag:$0x1] =	stream.linear.gather [hbm4b:s28+s4], $0x400, $0x38;
	[tilespmem:$0x10600] =	vst v63  }
0xa7: {  	s28 =	sadd.s32 $0xF4280, s28;
	s31 =	simm.s32 $0x3C00  }
0xa8: {  	[tilespmem:s31], [sflag:$0x1] =	stream.linear.gather [hbm4b:s28+s4], $0x400, $0x38;
	[tilespmem:$0x10600] =	vst v63  }
0xa9: {  	s28 =	spop (v2sf)  }
0xaa: {  	s28 =	sand.u32 $0xFFFFF80, s28  }
0xab: {  	s31 =	simm.s32 $0x9C00;
	s28 =	sadd.s32 s1, s28  }
0xac: {  	(v2sf) =	vpush v13, $0x8;
	[tilespmem:s31], [sflag:$0x1] =	stream.linear.gather [hbm4b:s28+s4], $0x400, $0x38;
	[tilespmem:$0x10600] =	vst v63  }
0xad: {  	s28 =	sadd.s32 $0xF4280, s28;
	s31 =	simm.s32 $0xBC00  }
0xae: {  	[tilespmem:s31], [sflag:$0x1] =	stream.linear.gather [hbm4b:s28+s4], $0x400, $0x38;
	[tilespmem:$0x10600] =	vst v63  }
0xaf: {  	s28 =	spop (v2sf)  }
0xb0: {  	s28 =	sand.u32 $0xFFFFF80, s28  }
0xb1: {  	s31 =	simm.s32 $0x2000;
	s28 =	sadd.s32 s0, s28  }
0xb2: {  	(v2sf) =	vpush v12, $0x8;
	[tilespmem:s31], [sflag:$0x1] =	stream.linear.gather [hbm4b:s28+s4], $0x400, $0x38;
	[tilespmem:$0x10600] =	vst v63  }
0xb3: {  	s28 =	sadd.s32 $0xF4280, s28;
	s31 =	simm.s32 $0x4000  }
0xb4: {  	[tilespmem:s31], [sflag:$0x1] =	stream.linear.gather [hbm4b:s28+s4], $0x400, $0x38;
	[tilespmem:$0x10600] =	vst v63  }
0xb5: {  	s28 =	spop (v2sf)  }
0xb6: {  	s28 =	sand.u32 $0xFFFFF80, s28  }
0xb7: {  	s31 =	simm.s32 $0xA000;
	s28 =	sadd.s32 s1, s28  }
0xb8: {  	(v2sf) =	vpush v13, $0x9;
	[tilespmem:s31], [sflag:$0x1] =	stream.linear.gather [hbm4b:s28+s4], $0x400, $0x38;
	[tilespmem:$0x10600] =	vst v63  }
0xb9: {  	s28 =	sadd.s32 $0xF4280, s28;
	s31 =	simm.s32 $0xC000  }
0xba: {  	[tilespmem:s31], [sflag:$0x1] =	stream.linear.gather [hbm4b:s28+s4], $0x400, $0x38;
	[tilespmem:$0x10600] =	vst v63  }
0xbb: {  	s28 =	spop (v2sf)  }
0xbc: {  	s28 =	sand.u32 $0xFFFFF80, s28  }
0xbd: {  	s28 =	sadd.s32 s0, s28  }
0xbe: {  	(v2sf) =	vpush v12, $0x9;
	[tilespmem:s16], [sflag:$0x2] =	stream.linear.gather [hbm4b:s28+s4], $0x400, $0x38;
	[tilespmem:$0x10600] =	vst v63  }
0xbf: {  	s31 =	simm.s32 $0x6400;
	s28 =	sadd.s32 $0xF4280, s28  }
0xc0: {  	[tilespmem:s31], [sflag:$0x2] =	stream.linear.gather [hbm4b:s28+s4], $0x400, $0x38;
	[tilespmem:$0x10600] =	vst v63  }
0xc1: {  	s28 =	spop (v2sf)  }
0xc2: {  	s28 =	sand.u32 $0xFFFFF80, s28  }
0xc3: {  	s28 =	sadd.s32 s1, s28  }
0xc4: {  	(v2sf) =	vpush v13, $0xA;
	[tilespmem:s18], [sflag:$0x2] =	stream.linear.gather [hbm4b:s28+s4], $0x400, $0x38;
	[tilespmem:$0x10600] =	vst v63  }
0xc5: {  	s31 =	simm.s32 $0xE400;
	s28 =	sadd.s32 $0xF4280, s28  }
0xc6: {  	[tilespmem:s31], [sflag:$0x2] =	stream.linear.gather [hbm4b:s28+s4], $0x400, $0x38;
	[tilespmem:$0x10600] =	vst v63  }
0xc7: {  	s28 =	spop (v2sf)  }
0xc8: {  	s28 =	sand.u32 $0xFFFFF80, s28  }
0xc9: {  	s31 =	simm.s32 $0x4800;
	s28 =	sadd.s32 s0, s28  }
0xca: {  	(v2sf) =	vpush v12, $0xA;
	[tilespmem:s31], [sflag:$0x2] =	stream.linear.gather [hbm4b:s28+s4], $0x400, $0x38;
	[tilespmem:$0x10600] =	vst v63  }
0xcb: {  	s28 =	sadd.s32 $0xF4280, s28;
	s31 =	simm.s32 $0x6800  }
0xcc: {  	[tilespmem:s31], [sflag:$0x2] =	stream.linear.gather [hbm4b:s28+s4], $0x400, $0x38;
	[tilespmem:$0x10600] =	vst v63  }
0xcd: {  	s28 =	spop (v2sf)  }
0xce: {  	s28 =	sand.u32 $0xFFFFF80, s28  }
0xcf: {  	s31 =	simm.s32 $0xC800;
	s28 =	sadd.s32 s1, s28  }
0xd0: {  	(v2sf) =	vpush v13, $0xB;
	[tilespmem:s31], [sflag:$0x2] =	stream.linear.gather [hbm4b:s28+s4], $0x400, $0x38;
	[tilespmem:$0x10600] =	vst v63  }
0xd1: {  	s28 =	sadd.s32 $0xF4280, s28;
	s31 =	simm.s32 $0xE800  }
0xd2: {  	[tilespmem:s31], [sflag:$0x2] =	stream.linear.gather [hbm4b:s28+s4], $0x400, $0x38;
	[tilespmem:$0x10600] =	vst v63  }
0xd3: {  	s28 =	spop (v2sf)  }
0xd4: {  	s28 =	sand.u32 $0xFFFFF80, s28  }
0xd5: {  	s31 =	simm.s32 $0x4C00;
	s28 =	sadd.s32 s0, s28  }
0xd6: {  	(v2sf) =	vpush v12, $0xB;
	[tilespmem:s31], [sflag:$0x2] =	stream.linear.gather [hbm4b:s28+s4], $0x400, $0x38;
	[tilespmem:$0x10600] =	vst v63  }
0xd7: {  	s28 =	sadd.s32 $0xF4280, s28;
	s31 =	simm.s32 $0x6C00  }
0xd8: {  	[tilespmem:s31], [sflag:$0x2] =	stream.linear.gather [hbm4b:s28+s4], $0x400, $0x38;
	[tilespmem:$0x10600] =	vst v63  }
0xd9: {  	s28 =	spop (v2sf)  }
0xda: {  	s28 =	sand.u32 $0xFFFFF80, s28  }
0xdb: {  	s31 =	simm.s32 $0xCC00;
	s28 =	sadd.s32 s1, s28  }
0xdc: {  	(v2sf) =	vpush v13, $0xC;
	[tilespmem:s31], [sflag:$0x2] =	stream.linear.gather [hbm4b:s28+s4], $0x400, $0x38;
	[tilespmem:$0x10600] =	vst v63  }
0xdd: {  	s28 =	sadd.s32 $0xF4280, s28;
	s31 =	simm.s32 $0xEC00  }
0xde: {  	[tilespmem:s31], [sflag:$0x2] =	stream.linear.gather [hbm4b:s28+s4], $0x400, $0x38;
	[tilespmem:$0x10600] =	vst v63  }
0xdf: {  	s28 =	spop (v2sf)  }
0xe0: {  	s28 =	sand.u32 $0xFFFFF80, s28  }
0xe1: {  	s31 =	simm.s32 $0x5000;
	s28 =	sadd.s32 s0, s28  }
0xe2: {  	(v2sf) =	vpush v12, $0xC;
	[tilespmem:s31], [sflag:$0x2] =	stream.linear.gather [hbm4b:s28+s4], $0x400, $0x38;
	[tilespmem:$0x10600] =	vst v63  }
0xe3: {  	s28 =	sadd.s32 $0xF4280, s28;
	s31 =	simm.s32 $0x7000  }
0xe4: {  	[tilespmem:s31], [sflag:$0x2] =	stream.linear.gather [hbm4b:s28+s4], $0x400, $0x38;
	[tilespmem:$0x10600] =	vst v63  }
0xe5: {  	s28 =	spop (v2sf)  }
0xe6: {  	s28 =	sand.u32 $0xFFFFF80, s28  }
0xe7: {  	s31 =	simm.s32 $0xD000;
	s28 =	sadd.s32 s1, s28  }
0xe8: {  	(v2sf) =	vpush v13, $0xD;
	[tilespmem:s31], [sflag:$0x2] =	stream.linear.gather [hbm4b:s28+s4], $0x400, $0x38;
	[tilespmem:$0x10600] =	vst v63  }
0xe9: {  	s28 =	sadd.s32 $0xF4280, s28;
	s31 =	simm.s32 $0xF000  }
0xea: {  	[tilespmem:s31], [sflag:$0x2] =	stream.linear.gather [hbm4b:s28+s4], $0x400, $0x38;
	[tilespmem:$0x10600] =	vst v63  }
0xeb: {  	s28 =	spop (v2sf)  }
0xec: {  	s28 =	sand.u32 $0xFFFFF80, s28  }
0xed: {  	s28 =	sadd.s32 s0, s28  }
0xee: {  	(v2sf) =	vpush v12, $0xD;
	[tilespmem:s2], [sflag:$0x2] =	stream.linear.gather [hbm4b:s28+s4], $0x400, $0x38;
	[tilespmem:$0x10600] =	vst v63  }
0xef: {  	s28 =	sadd.s32 $0xF4280, s28  }
0xf0: {  	[tilespmem:s5], [sflag:$0x2] =	stream.linear.gather [hbm4b:s28+s4], $0x400, $0x38;
	[tilespmem:$0x10600] =	vst v63  }
0xf1: {  	s28 =	spop (v2sf)  }
0xf2: {  	s28 =	sand.u32 $0xFFFFF80, s28  }
0xf3: {  	s28 =	sadd.s32 s1, s28  }
0xf4: {  	(v2sf) =	vpush v13, $0xE;
	[tilespmem:s6], [sflag:$0x2] =	stream.linear.gather [hbm4b:s28+s4], $0x400, $0x38;
	[tilespmem:$0x10600] =	vst v63  }
0xf5: {  	s28 =	sadd.s32 $0xF4280, s28  }
0xf6: {  	[tilespmem:s7], [sflag:$0x2] =	stream.linear.gather [hbm4b:s28+s4], $0x400, $0x38;
	[tilespmem:$0x10600] =	vst v63  }
0xf7: {  	s28 =	spop (v2sf)  }
0xf8: {  	(v2sf) =	vpush v12, $0xE;
	s28 =	sand.u32 $0xFFFFF80, s28  }
0xf9: {  	s28 =	sadd.s32 s0, s28  }
0xfa: {  	[tilespmem:s8], [sflag:$0x2] =	stream.linear.gather [hbm4b:s28+s4], $0x400, $0x38;
	[tilespmem:$0x10600] =	vst v63  }
0xfb: {  	s28 =	sadd.s32 $0xF4280, s28  }
0xfc: {  	[tilespmem:s9], [sflag:$0x2] =	stream.linear.gather [hbm4b:s28+s4], $0x400, $0x38;
	[tilespmem:$0x10600] =	vst v63  }
0xfd: {  	s28 =	spop (v2sf);
	(v2sf) =	vpush v13, $0xF  }
0xfe: {  	s28 =	sand.u32 $0xFFFFF80, s28  }
0xff: {  	s28 =	sadd.s32 s1, s28  }
0x100: {  	[tilespmem:s11], [sflag:$0x2] =	stream.linear.gather [hbm4b:s28+s4], $0x400, $0x38;
	[tilespmem:$0x10600] =	vst v63  }
0x101: {  	s28 =	sadd.s32 $0xF4280, s28  }
0x102: {  	[tilespmem:s13], [sflag:$0x2] =	stream.linear.gather [hbm4b:s28+s4], $0x400, $0x38;
	[tilespmem:$0x10600] =	vst v63  }
0x103: {  	s28 =	spop (v2sf)  }
0x104: {  	(v2sf) =	vpush v12, $0xF;
	s28 =	sand.u32 $0xFFFFF80, s28  }
0x105: {  	s28 =	sadd.s32 s0, s28  }
0x106: {  	[tilespmem:s14], [sflag:$0x2] =	stream.linear.gather [hbm4b:s28+s4], $0x400, $0x38;
	[tilespmem:$0x10600] =	vst v63  }
0x107: {  	s28 =	sadd.s32 $0xF4280, s28;
	s29 =	spop (v2sf)  }
0x108: {  	[tilespmem:s15], [sflag:$0x2] =	stream.linear.gather [hbm4b:s28+s4], $0x400, $0x38;
	[tilespmem:$0x10600] =	vst v63  }
0x109: {  	s28 =	sand.u32 $0xFFFFF80, s29  }
0x10a: {  	s28 =	sadd.s32 s1, s28  }
0x10b: {  	[tilespmem:s17], [sflag:$0x2] =	stream.linear.gather [hbm4b:s28+s4], $0x400, $0x38;
	[tilespmem:$0x10600] =	vst v63  }
0x10c: {  	s28 =	sadd.s32 $0xF4280, s28;
	s29 =	spop (v2sf)  }
0x10d: {  	[tilespmem:s19], [sflag:$0x2] =	stream.linear.gather [hbm4b:s28+s4], $0x400, $0x38;
	[tilespmem:$0x10600] =	vst v63  }
0x10e: {  	s28 =	sand.u32 $0xFFFFF80, s29  }
0x10f: {  	s28 =	sadd.s32 s0, s28  }
0x110: {  	[tilespmem:s20], [sflag:$0x2] =	stream.linear.gather [hbm4b:s28+s4], $0x400, $0x38;
	[tilespmem:$0x10600] =	vst v63  }
0x111: {  	s28 =	sadd.s32 $0xF4280, s28  }
0x112: {  	[tilespmem:s21], [sflag:$0x2] =	stream.linear.gather [hbm4b:s28+s4], $0x400, $0x38;
	[tilespmem:$0x10600] =	vst v63  }
0x113: {  	s28 =	spop (v2sf)  }
0x114: {  	s28 =	sand.u32 $0xFFFFF80, s28  }
0x115: {  	s28 =	sadd.s32 s1, s28  }
0x116: {  	[tilespmem:s22], [sflag:$0x2] =	stream.linear.gather [hbm4b:s28+s4], $0x400, $0x38;
	[tilespmem:$0x10600] =	vst v63  }
0x117: {  	s28 =	sadd.s32 $0xF4280, s28  }
0x118: {  	[tilespmem:s23], [sflag:$0x2] =	stream.linear.gather [hbm4b:s28+s4], $0x400, $0x38;
	[tilespmem:$0x10600] =	vst v63  }
0x119: {  	s30 =	simm.s32 $0x0;
	s29 =	simm.s32 $0x10400;
	s28 =	simm.s32 $0xFFFFFFE0  }
.LBB2_2:
0x11a: {  	s31 =	sadd.s32 $0x21, s28  }
0x11b: {  	v17 =	vld [tilespmem:s30+$0x0];
	s31 =	smin.u32 s31, $0x1F  }
0x11c: {  	v16 =	vld [tilespmem:s26+$0x0];
	s31 =	sshll.u32 s31, $0x4  }
0x11d: {  	v13 =	vld [tilespmem:s31+$0x0]  }
0x11e: {  	v12 =	vld [tilespmem:s31+$0x200];
	_ =	swait.ge [sflag:s24], $0x4000  }
0x11f: {  	[sflag:s24] =	ssyncset.done $0x0  }
0x120: {  	[sflag:s24] =	ssyncadd.s32 $0xFFFFC000  }
0x121: {  	_ =	swait.ge [sflag:s24], $0x4000  }
0x122: {  	(v2sf) =	vpush v17, $0x0  }
0x123: {  	(v2sf) =	vpush v16, $0x0;
	_ =	sdelay $0xd  }
0x124: {  	s31 =	spop (v2sf)  }
0x125: {  	v14 =	vand.u32 $0x7F, v17;
	s3 =	spop (v2sf);
	s31 =	sand.u32 $0x7F, s31  }
0x126: {  	v15 =	vand.u32 $0x7F, v16;
	v19 =	vbroadcast v14, $0x1;
	s3 =	sand.u32 $0x7F, s3;
	v18 =	vor.u32 s31, v0  }
0x127: {  	v21 =	vbroadcast v15, $0x1;
	v20 =	vor.u32 s3, v0  }
0x128: {  	v22 =	vbroadcast v14, $0x2;
	v19 =	vor.u32 v5, v19  }
0x129: {  	v23 =	vbroadcast v15, $0x2;
	[sflag:s24] =	ssyncset.done $0x0;
	v21 =	vor.u32 v5, v21  }
0x12a: {  	v25 =	vbroadcast v14, $0x3;
	[sflag:s24] =	ssyncadd.s32 $0xFFFFC000;
	v22 =	vor.u32 v6, v22  }
0x12b: {  	v24 =	vld.idx.msk [tilespmem:v18+s10+$0x0], $0xffff;
	v18 =	vor.u32 v6, v23;
	v23 =	vbroadcast v15, $0x3  }
0x12c: {  	v30 =	vld.idx.msk [tilespmem:v20+s12+$0x0], $0xffff;
	v20 =	vor.u32 v7, v25;
	v25 =	vbroadcast v14, $0x4  }
0x12d: {  	v28 =	vld.idx.msk [tilespmem:v19+s10+$0x0], $0xffff;
	v19 =	vor.u32 v7, v23;
	v23 =	vbroadcast v15, $0x4  }
0x12e: {  	v26 =	vbroadcast v14, $0x5;
	v34 =	vbroadcast v14, $0x7;
	v33 =	vld.idx.msk [tilespmem:v21+s12+$0x0], $0xffff;
	v21 =	vor.u32 v8, v25  }
0x12f: {  	v27 =	vbroadcast v15, $0x5;
	v25 =	vld.idx.msk [tilespmem:v22+s10+$0x0], $0xffff;
	v22 =	vor.u32 v8, v23  }
0x130: {  	v34 =	vor.u32 v11, v34;
	v31 =	vld.idx.msk [tilespmem:v18+s12+$0x0], $0xffff;
	v18 =	vor.u32 v9, v26  }
0x131: {  	v26 =	vbroadcast v14, $0x6;
	v23 =	vld.idx.msk [tilespmem:v20+s10+$0x0], $0xffff;
	v20 =	vor.u32 v9, v27;
	v27 =	vbroadcast v15, $0x6  }
0x132: {  	v29 =	vld.idx.msk [tilespmem:v19+s12+$0x0], $0xffff  }
0x133: {  	v19 =	vor.u32 v10, v26;
	v26 =	vld.idx.msk [tilespmem:v21+s10+$0x0], $0xffff;
	v21 =	vor.u32 v10, v27;
	v27 =	vbroadcast v15, $0x7  }
0x134: {  	v32 =	vld.idx.msk [tilespmem:v22+s12+$0x0], $0xffff  }
0x135: {  	p0 =	seq.s32 s28, $0xFFFFFFFF;
	v22 =	vld.idx.msk [tilespmem:v18+s10+$0x0], $0xffff;
	v35 =	vor.u32 v11, v27  }
.Ltmp2:
0x136: {  	v18 =	vld.idx.msk [tilespmem:v34+s10+$0x0], $0xffff;
	(pc) =	sbr.rel @p0 .LBB2_4-.Ltmp2, $4  }
0x137: {  	v27 =	vld.idx.msk [tilespmem:v20+s12+$0x0], $0xffff  }
0x138: {  	v20 =	vld.idx.msk [tilespmem:v19+s10+$0x0], $0xffff  }
0x139: {  	v21 =	vld.idx.msk [tilespmem:v21+s12+$0x0], $0xffff  }
0x13a: {  	v19 =	vld.idx.msk [tilespmem:v35+s12+$0x0], $0xffff  }
0x13b: {  	(v2sf) =	vpush v13, $0x0;
	_ =	sdelay $0x5  }
0x13c: {  	(v2sf) =	vpush v12, $0x0;
	_ =	sdelay $0x5  }
0x13d: {  	(v2sf) =	vpush v13, $0x1;
	_ =	sdelay $0x2  }
0x13e: {  	s3 =	spop (v2sf)  }
0x13f: {  	s3 =	sand.u32 $0xFFFFF80, s3  }
0x140: {  	s3 =	sadd.s32 s0, s3  }
0x141: {  	(v2sf) =	vpush v12, $0x1;
	[tilespmem:s10], [sflag:$0x1] =	stream.linear.gather [hbm4b:s3+s4], $0x400, $0x38;
	[tilespmem:$0x10600] =	vst v63  }
0x142: {  	s31 =	simm.s32 $0x2400;
	s3 =	sadd.s32 $0xF4280, s3  }
0x143: {  	[tilespmem:s31], [sflag:$0x1] =	stream.linear.gather [hbm4b:s3+s4], $0x400, $0x38;
	[tilespmem:$0x10600] =	vst v63  }
0x144: {  	s31 =	spop (v2sf)  }
0x145: {  	s3 =	sand.u32 $0xFFFFF80, s31  }
0x146: {  	s3 =	sadd.s32 s1, s3  }
0x147: {  	(v2sf) =	vpush v13, $0x2;
	[tilespmem:s12], [sflag:$0x1] =	stream.linear.gather [hbm4b:s3+s4], $0x400, $0x38;
	[tilespmem:$0x10600] =	vst v63  }
0x148: {  	s31 =	simm.s32 $0xA400;
	s3 =	sadd.s32 $0xF4280, s3  }
0x149: {  	[tilespmem:s31], [sflag:$0x1] =	stream.linear.gather [hbm4b:s3+s4], $0x400, $0x38;
	[tilespmem:$0x10600] =	vst v63  }
0x14a: {  	s31 =	spop (v2sf)  }
0x14b: {  	s3 =	sand.u32 $0xFFFFF80, s31  }
0x14c: {  	s31 =	simm.s32 $0x800;
	s3 =	sadd.s32 s0, s3  }
0x14d: {  	(v2sf) =	vpush v12, $0x2;
	[tilespmem:s31], [sflag:$0x1] =	stream.linear.gather [hbm4b:s3+s4], $0x400, $0x38;
	[tilespmem:$0x10600] =	vst v63  }
0x14e: {  	s3 =	sadd.s32 $0xF4280, s3;
	s31 =	simm.s32 $0x2800  }
0x14f: {  	[tilespmem:s31], [sflag:$0x1] =	stream.linear.gather [hbm4b:s3+s4], $0x400, $0x38;
	[tilespmem:$0x10600] =	vst v63  }
0x150: {  	s31 =	spop (v2sf)  }
0x151: {  	s3 =	sand.u32 $0xFFFFF80, s31  }
0x152: {  	s31 =	simm.s32 $0x8800;
	s3 =	sadd.s32 s1, s3  }
0x153: {  	(v2sf) =	vpush v13, $0x3;
	[tilespmem:s31], [sflag:$0x1] =	stream.linear.gather [hbm4b:s3+s4], $0x400, $0x38;
	[tilespmem:$0x10600] =	vst v63  }
0x154: {  	s3 =	sadd.s32 $0xF4280, s3;
	s31 =	simm.s32 $0xA800  }
0x155: {  	[tilespmem:s31], [sflag:$0x1] =	stream.linear.gather [hbm4b:s3+s4], $0x400, $0x38;
	[tilespmem:$0x10600] =	vst v63  }
0x156: {  	s31 =	spop (v2sf)  }
0x157: {  	s3 =	sand.u32 $0xFFFFF80, s31  }
0x158: {  	s31 =	simm.s32 $0xC00;
	s3 =	sadd.s32 s0, s3  }
0x159: {  	(v2sf) =	vpush v12, $0x3;
	[tilespmem:s31], [sflag:$0x1] =	stream.linear.gather [hbm4b:s3+s4], $0x400, $0x38;
	[tilespmem:$0x10600] =	vst v63  }
0x15a: {  	s3 =	sadd.s32 $0xF4280, s3;
	s31 =	simm.s32 $0x2C00  }
0x15b: {  	[tilespmem:s31], [sflag:$0x1] =	stream.linear.gather [hbm4b:s3+s4], $0x400, $0x38;
	[tilespmem:$0x10600] =	vst v63  }
0x15c: {  	s31 =	spop (v2sf)  }
0x15d: {  	s3 =	sand.u32 $0xFFFFF80, s31  }
0x15e: {  	s31 =	simm.s32 $0x8C00;
	s3 =	sadd.s32 s1, s3  }
0x15f: {  	(v2sf) =	vpush v13, $0x4;
	[tilespmem:s31], [sflag:$0x1] =	stream.linear.gather [hbm4b:s3+s4], $0x400, $0x38;
	[tilespmem:$0x10600] =	vst v63  }
0x160: {  	s3 =	sadd.s32 $0xF4280, s3;
	s31 =	simm.s32 $0xAC00  }
0x161: {  	[tilespmem:s31], [sflag:$0x1] =	stream.linear.gather [hbm4b:s3+s4], $0x400, $0x38;
	[tilespmem:$0x10600] =	vst v63  }
0x162: {  	s31 =	spop (v2sf)  }
0x163: {  	s3 =	sand.u32 $0xFFFFF80, s31  }
0x164: {  	s31 =	simm.s32 $0x1000;
	s3 =	sadd.s32 s0, s3  }
0x165: {  	(v2sf) =	vpush v12, $0x4;
	[tilespmem:s31], [sflag:$0x1] =	stream.linear.gather [hbm4b:s3+s4], $0x400, $0x38;
	[tilespmem:$0x10600] =	vst v63  }
0x166: {  	s3 =	sadd.s32 $0xF4280, s3;
	s31 =	simm.s32 $0x3000  }
0x167: {  	[tilespmem:s31], [sflag:$0x1] =	stream.linear.gather [hbm4b:s3+s4], $0x400, $0x38;
	[tilespmem:$0x10600] =	vst v63  }
0x168: {  	s31 =	spop (v2sf)  }
0x169: {  	s3 =	sand.u32 $0xFFFFF80, s31  }
0x16a: {  	s31 =	simm.s32 $0x9000;
	s3 =	sadd.s32 s1, s3  }
0x16b: {  	(v2sf) =	vpush v13, $0x5;
	[tilespmem:s31], [sflag:$0x1] =	stream.linear.gather [hbm4b:s3+s4], $0x400, $0x38;
	[tilespmem:$0x10600] =	vst v63  }
0x16c: {  	s3 =	sadd.s32 $0xF4280, s3;
	s31 =	simm.s32 $0xB000  }
0x16d: {  	[tilespmem:s31], [sflag:$0x1] =	stream.linear.gather [hbm4b:s3+s4], $0x400, $0x38;
	[tilespmem:$0x10600] =	vst v63  }
0x16e: {  	s31 =	spop (v2sf)  }
0x16f: {  	s3 =	sand.u32 $0xFFFFF80, s31  }
0x170: {  	s31 =	simm.s32 $0x1400;
	s3 =	sadd.s32 s0, s3  }
0x171: {  	(v2sf) =	vpush v12, $0x5;
	[tilespmem:s31], [sflag:$0x1] =	stream.linear.gather [hbm4b:s3+s4], $0x400, $0x38;
	[tilespmem:$0x10600] =	vst v63  }
0x172: {  	s3 =	sadd.s32 $0xF4280, s3;
	s31 =	simm.s32 $0x3400  }
0x173: {  	[tilespmem:s31], [sflag:$0x1] =	stream.linear.gather [hbm4b:s3+s4], $0x400, $0x38;
	[tilespmem:$0x10600] =	vst v63  }
0x174: {  	s31 =	spop (v2sf)  }
0x175: {  	s3 =	sand.u32 $0xFFFFF80, s31  }
0x176: {  	s31 =	simm.s32 $0x9400;
	s3 =	sadd.s32 s1, s3  }
0x177: {  	(v2sf) =	vpush v13, $0x6;
	[tilespmem:s31], [sflag:$0x1] =	stream.linear.gather [hbm4b:s3+s4], $0x400, $0x38;
	[tilespmem:$0x10600] =	vst v63  }
0x178: {  	s3 =	sadd.s32 $0xF4280, s3;
	s31 =	simm.s32 $0xB400  }
0x179: {  	[tilespmem:s31], [sflag:$0x1] =	stream.linear.gather [hbm4b:s3+s4], $0x400, $0x38;
	[tilespmem:$0x10600] =	vst v63  }
0x17a: {  	s31 =	spop (v2sf)  }
0x17b: {  	s3 =	sand.u32 $0xFFFFF80, s31  }
0x17c: {  	s31 =	simm.s32 $0x1800;
	s3 =	sadd.s32 s0, s3  }
0x17d: {  	(v2sf) =	vpush v12, $0x6;
	[tilespmem:s31], [sflag:$0x1] =	stream.linear.gather [hbm4b:s3+s4], $0x400, $0x38;
	[tilespmem:$0x10600] =	vst v63  }
0x17e: {  	s3 =	sadd.s32 $0xF4280, s3;
	s31 =	simm.s32 $0x3800  }
0x17f: {  	[tilespmem:s31], [sflag:$0x1] =	stream.linear.gather [hbm4b:s3+s4], $0x400, $0x38;
	[tilespmem:$0x10600] =	vst v63  }
0x180: {  	s31 =	spop (v2sf)  }
0x181: {  	s3 =	sand.u32 $0xFFFFF80, s31  }
0x182: {  	s31 =	simm.s32 $0x9800;
	s3 =	sadd.s32 s1, s3  }
0x183: {  	(v2sf) =	vpush v13, $0x7;
	[tilespmem:s31], [sflag:$0x1] =	stream.linear.gather [hbm4b:s3+s4], $0x400, $0x38;
	[tilespmem:$0x10600] =	vst v63  }
0x184: {  	s3 =	sadd.s32 $0xF4280, s3;
	s31 =	simm.s32 $0xB800  }
0x185: {  	[tilespmem:s31], [sflag:$0x1] =	stream.linear.gather [hbm4b:s3+s4], $0x400, $0x38;
	[tilespmem:$0x10600] =	vst v63  }
0x186: {  	s31 =	spop (v2sf)  }
0x187: {  	s3 =	sand.u32 $0xFFFFF80, s31  }
0x188: {  	s31 =	simm.s32 $0x1C00;
	s3 =	sadd.s32 s0, s3  }
0x189: {  	(v2sf) =	vpush v12, $0x7;
	[tilespmem:s31], [sflag:$0x1] =	stream.linear.gather [hbm4b:s3+s4], $0x400, $0x38;
	[tilespmem:$0x10600] =	vst v63  }
0x18a: {  	s3 =	sadd.s32 $0xF4280, s3;
	s31 =	simm.s32 $0x3C00  }
0x18b: {  	[tilespmem:s31], [sflag:$0x1] =	stream.linear.gather [hbm4b:s3+s4], $0x400, $0x38;
	[tilespmem:$0x10600] =	vst v63  }
0x18c: {  	s31 =	spop (v2sf)  }
0x18d: {  	s3 =	sand.u32 $0xFFFFF80, s31  }
0x18e: {  	s31 =	simm.s32 $0x9C00;
	s3 =	sadd.s32 s1, s3  }
0x18f: {  	[tilespmem:s31], [sflag:$0x1] =	stream.linear.gather [hbm4b:s3+s4], $0x400, $0x38;
	[tilespmem:$0x10600] =	vst v63  }
0x190: {  	s3 =	sadd.s32 $0xF4280, s3;
	s31 =	simm.s32 $0xBC00  }
0x191: {  	[tilespmem:s31], [sflag:$0x1] =	stream.linear.gather [hbm4b:s3+s4], $0x400, $0x38;
	[tilespmem:$0x10600] =	vst v63  }
0x192: {  	s31 =	spop (v2sf)  }
0x193: {  	s3 =	sand.u32 $0xFFFFF80, s31  }
0x194: {  	s31 =	simm.s32 $0x2000;
	s3 =	sadd.s32 s0, s3  }
0x195: {  	[tilespmem:s31], [sflag:$0x1] =	stream.linear.gather [hbm4b:s3+s4], $0x400, $0x38;
	[tilespmem:$0x10600] =	vst v63  }
0x196: {  	s3 =	sadd.s32 $0xF4280, s3;
	s31 =	simm.s32 $0x4000  }
0x197: {  	[tilespmem:s31], [sflag:$0x1] =	stream.linear.gather [hbm4b:s3+s4], $0x400, $0x38;
	[tilespmem:$0x10600] =	vst v63  }
0x198: {  	s31 =	spop (v2sf)  }
0x199: {  	s3 =	sand.u32 $0xFFFFF80, s31  }
0x19a: {  	s31 =	simm.s32 $0xA000;
	s3 =	sadd.s32 s1, s3  }
0x19b: {  	[tilespmem:s31], [sflag:$0x1] =	stream.linear.gather [hbm4b:s3+s4], $0x400, $0x38;
	[tilespmem:$0x10600] =	vst v63  }
0x19c: {  	s3 =	sadd.s32 $0xF4280, s3;
	s31 =	simm.s32 $0xC000  }
0x19d: {  	[tilespmem:s31], [sflag:$0x1] =	stream.linear.gather [hbm4b:s3+s4], $0x400, $0x38;
	[tilespmem:$0x10600] =	vst v63  }
.LBB2_4:
0x19e: {  	v24 =	vmul.f32 v30, v24  }
0x19f: {  	v28 =	vmul.f32 v33, v28;
	v25 =	vmul.f32 v31, v25  }
0x1a0: {  	v23 =	vmul.f32 v29, v23;
	v26 =	vmul.f32 v32, v26  }
0x1a1: {  	_ =	swait.ge [sflag:s25], $0x4000;
	v46 =	vbroadcast v14, $0x9;
	v48 =	vbroadcast v15, $0x9  }
0x1a2: {  	[sflag:s25] =	ssyncset.done $0x0;
	v22 =	vmul.f32 v27, v22;
	v30 =	vperm.xlane v24, v1  }
0x1a3: {  	[sflag:s25] =	ssyncadd.s32 $0xFFFFC000;
	v33 =	vperm.xlane v28, v1;
	v36 =	vperm.xlane v25, v1  }
0x1a4: {  	v29 =	vperm.xlane v23, v1;
	v40 =	vperm.xlane v26, v1;
	_ =	swait.ge [sflag:s25], $0x4000  }
0x1a5: {  	v43 =	vperm.xlane v22, v1;
	(v2sf) =	vpush v17, $0x8;
	v30 =	vadd.f32 v30, v24  }
0x1a6: {  	v20 =	vmul.f32 v21, v20;
	v24 =	vadd.f32 v33, v28;
	(v2sf) =	vpush v16, $0x8  }
0x1a7: {  	v38 =	vadd.f32 v36, v25;
	v23 =	vadd.f32 v29, v23;
	v18 =	vmul.f32 v19, v18  }
0x1a8: {  	v25 =	vadd.f32 v40, v26;
	v36 =	vbroadcast v14, $0xE;
	v51 =	vperm.xlane v20, v1  }
0x1a9: {  	v22 =	vadd.f32 v43, v22;
	v43 =	vbroadcast v15, $0xB;
	v34 =	vperm.xlane v30, v2  }
0x1aa: {  	v35 =	vperm.xlane v24, v2;
	v28 =	vperm.xlane v38, v2  }
0x1ab: {  	v29 =	vperm.xlane v23, v2;
	v44 =	vperm.xlane v25, v2  }
0x1ac: {  	v56 =	vperm.xlane v18, v1;
	v20 =	vadd.f32 v51, v20;
	v16 =	vadd.f32 v34, v30  }
0x1ad: {  	v50 =	vperm.xlane v22, v2;
	v17 =	vadd.f32 v35, v24;
	v24 =	vadd.f32 v28, v38  }
0x1ae: {  	v23 =	vadd.f32 v29, v23;
	v28 =	vor.u32 v5, v46;
	v25 =	vadd.f32 v44, v25  }
0x1af: {  	v29 =	vor.u32 v5, v48;
	v38 =	vbroadcast v14, $0xA;
	v34 =	vbroadcast v15, $0xD  }
0x1b0: {  	v18 =	vadd.f32 v56, v18;
	v58 =	vperm.xlane v20, v2;
	v37 =	vperm.xlane v16, v3  }
0x1b1: {  	v46 =	vor.u32 v7, v43;
	v39 =	vperm.xlane v17, v3;
	v42 =	vperm.xlane v24, v3  }
0x1b2: {  	v22 =	vadd.f32 v50, v22;
	v49 =	vperm.xlane v23, v3;
	v54 =	vperm.xlane v25, v3  }
0x1b3: {  	v62 =	vperm.xlane v18, v2;
	v20 =	vadd.f32 v58, v20;
	v16 =	vadd.f32 v37, v16  }
0x1b4: {  	v40 =	vor.u32 v6, v38;
	v17 =	vadd.f32 v39, v17;
	v24 =	vadd.f32 v42, v24;
	s3 =	spop (v2sf)  }
0x1b5: {  	v55 =	vperm.xlane v22, v3;
	v53 =	vadd.f32 v49, v23;
	v23 =	vadd.f32 v54, v25;
	s31 =	spop (v2sf);
	s3 =	sand.u32 $0x7F, s3  }
0x1b6: {  	[sflag:s25] =	ssyncset.done $0x0;
	v39 =	vbroadcast v15, $0xA;
	v49 =	vbroadcast v14, $0xD;
	s31 =	sand.u32 $0x7F, s31;
	v45 =	vor.u32 s3, v0  }
0x1b7: {  	[sflag:s25] =	ssyncadd.s32 $0xFFFFC000;
	v63 =	vperm.xlane v20, v3;
	v30 =	vperm.xlane v16, v4;
	v47 =	vor.u32 s31, v0  }
0x1b8: {  	v51 =	vor.u32 v9, v34;
	v28 =	vld.idx.msk [tilespmem:v28+s16+$0x0], $0xffff;
	v41 =	vperm.xlane v17, v4;
	v52 =	vperm.xlane v24, v4  }
0x1b9: {  	v18 =	vadd.f32 v62, v18;
	v59 =	vld.idx.msk [tilespmem:v29+s18+$0x0], $0xffff;
	v57 =	vperm.xlane v53, v4;
	v60 =	vperm.xlane v23, v4  }
0x1ba: {  	v25 =	vor.u32 v6, v39;
	v32 =	vor.u32 v9, v49;
	v16 =	vadd.f32 v30, v16  }
0x1bb: {  	v54 =	vperm.xlane v18, v3;
	v17 =	vadd.f32 v41, v17;
	v24 =	vadd.f32 v52, v24;
	v26 =	vld.idx.msk [tilespmem:v45+s16+$0x0], $0xffff  }
0x1bc: {  	v19 =	vadd.f32 v57, v53;
	v41 =	vbroadcast v14, $0xB;
	v52 =	vbroadcast v15, $0xE;
	v21 =	vld.idx.msk [tilespmem:v47+s18+$0x0], $0xffff  }
0x1bd: {  	v18 =	vadd.f32 v54, v18;
	v16 =	vsel vm0, v16, v17;
	v17 =	vadd.f32 v55, v22  }
0x1be: {  	v53 =	vor.u32 v10, v36;
	v23 =	vadd.f32 v60, v23;
	v22 =	vmul.f32 v59, v28  }
0x1bf: {  	v29 =	vld.idx.msk [tilespmem:v46+s18+$0x0], $0xffff;
	v28 =	vor.u32 v7, v41;
	v59 =	vperm.xlane v18, v4;
	v61 =	vperm.xlane v17, v4  }
0x1c0: {  	v58 =	vld.idx.msk [tilespmem:v51+s18+$0x0], $0xffff;
	v34 =	vor.u32 v10, v52;
	v44 =	vperm.xlane v22, v1;
	v45 =	vbroadcast v14, $0xC  }
0x1c1: {  	v16 =	vsel vm1, v16, v24;
	v25 =	vld.idx.msk [tilespmem:v25+s18+$0x0], $0xffff;
	v47 =	vbroadcast v15, $0xC;
	v21 =	vmul.f32 v21, v26  }
0x1c2: {  	v32 =	vld.idx.msk [tilespmem:v32+s16+$0x0], $0xffff;
	v16 =	vsel vm2, v16, v19;
	v22 =	vadd.f32 v44, v22;
	v48 =	vor.u32 v8, v45  }
0x1c3: {  	v60 =	vld.idx.msk [tilespmem:v53+s16+$0x0], $0xffff;
	v14 =	vbroadcast v14, $0xF;
	v30 =	vor.u32 v8, v47;
	v42 =	vperm.xlane v21, v1  }
0x1c4: {  	v19 =	vadd.f32 v63, v20;
	v28 =	vld.idx.msk [tilespmem:v28+s16+$0x0], $0xffff;
	v35 =	vperm.xlane v22, v2;
	v15 =	vbroadcast v15, $0xF  }
0x1c5: {  	v63 =	vadd.f32 v59, v18;
	v62 =	vld.idx.msk [tilespmem:v34+s18+$0x0], $0xffff;
	v14 =	vor.u32 v11, v14;
	v21 =	vadd.f32 v42, v21  }
0x1c6: {  	v57 =	vperm.xlane v19, v4;
	v22 =	vadd.f32 v35, v22;
	v15 =	vor.u32 v11, v15;
	v26 =	vld.idx.msk [tilespmem:v40+s16+$0x0], $0xffff  }
0x1c7: {  	v17 =	vadd.f32 v61, v17;
	v41 =	vmul.f32 v58, v32;
	v31 =	vld.idx.msk [tilespmem:v48+s16+$0x0], $0xffff;
	v50 =	vperm.xlane v21, v2  }
0x1c8: {  	v16 =	vsel vm3, v16, v23;
	v19 =	vadd.f32 v57, v19;
	v56 =	vperm.xlane v22, v3;
	v30 =	vld.idx.msk [tilespmem:v30+s18+$0x0], $0xffff  }
0x1c9: {  	v16 =	vsel vm4, v16, v17;
	v43 =	vperm.xlane v41, v1;
	v21 =	vadd.f32 v50, v21  }
0x1ca: {  	v37 =	vmul.f32 v29, v28;
	v23 =	vmul.f32 v62, v60;
	v22 =	vadd.f32 v56, v22;
	v14 =	vld.idx.msk [tilespmem:v14+s16+$0x0], $0xffff  }
0x1cb: {  	v16 =	vsel vm5, v16, v19;
	v15 =	vld.idx.msk [tilespmem:v15+s18+$0x0], $0xffff;
	v35 =	vmul.f32 v25, v26;
	v55 =	vperm.xlane v21, v3  }
0x1cc: {  	v18 =	vadd.f32 v43, v41;
	v44 =	vperm.xlane v23, v1;
	v24 =	vperm.xlane v22, v4  }
0x1cd: {  	v38 =	vperm.xlane v35, v1;
	v39 =	vmul.f32 v30, v31;
	v20 =	vadd.f32 v55, v21  }
0x1ce: {  	v16 =	vsel vm6, v16, v63;
	v40 =	vperm.xlane v37, v1;
	v48 =	vperm.xlane v18, v2  }
0x1cf: {  	v19 =	vadd.f32 v38, v35;
	v42 =	vperm.xlane v39, v1;
	v61 =	vperm.xlane v20, v4  }
0x1d0: {  	v36 =	vadd.f32 v24, v22;
	v17 =	vadd.f32 v40, v37;
	v14 =	vmul.f32 v15, v14  }
0x1d1: {  	v15 =	vperm.xlane v19, v2;
	v34 =	vadd.f32 v61, v20;
	v20 =	vadd.f32 v42, v39  }
0x1d2: {  	v18 =	vadd.f32 v48, v18;
	v45 =	vperm.xlane v17, v2;
	v46 =	vperm.xlane v14, v1  }
0x1d3: {  	v21 =	vadd.f32 v44, v23;
	v15 =	vadd.f32 v15, v19;
	v47 =	vperm.xlane v20, v2  }
0x1d4: {  	v53 =	vperm.xlane v18, v3;
	v17 =	vadd.f32 v45, v17;
	v14 =	vadd.f32 v46, v14  }
0x1d5: {  	v50 =	vperm.xlane v21, v2;
	v49 =	vperm.xlane v15, v3;
	v19 =	vadd.f32 v47, v20  }
0x1d6: {  	v18 =	vadd.f32 v53, v18;
	v24 =	vperm.xlane v17, v3;
	v51 =	vperm.xlane v14, v2  }
0x1d7: {  	v15 =	vadd.f32 v49, v15;
	v20 =	vadd.f32 v50, v21;
	v52 =	vperm.xlane v19, v3  }
0x1d8: {  	v58 =	vperm.xlane v18, v4;
	v17 =	vadd.f32 v24, v17;
	v14 =	vadd.f32 v51, v14  }
0x1d9: {  	v54 =	vperm.xlane v15, v4;
	v55 =	vperm.xlane v20, v3;
	v19 =	vadd.f32 v52, v19  }
0x1da: {  	v24 =	vperm.xlane v17, v4;
	v56 =	vperm.xlane v14, v3;
	v16 =	vsel vm7, v16, v34  }
0x1db: {  	v15 =	vadd.f32 v54, v15;
	v20 =	vadd.f32 v55, v20;
	v57 =	vperm.xlane v19, v4  }
0x1dc: {  	v17 =	vadd.f32 v24, v17;
	v16 =	vsel vm8, v16, v36;
	v14 =	vadd.f32 v56, v14  }
0x1dd: {  	p0 =	sne.s32 s28, $0xFFFFFFFF;
	v15 =	vsel vm9, v16, v15;
	v60 =	vperm.xlane v20, v4;
	v59 =	vadd.f32 v57, v19  }
.Ltmp3:
0x1de: {  	v61 =	vadd.f32 v58, v18;
	v62 =	vperm.xlane v14, v4;
	v15 =	vsel vm10, v15, v17;
	(pc) =	sbr.rel @!p0 .LBB2_5-.Ltmp3, $4  }
0x1df: {  	v63 =	vadd.f32 v60, v20;
	v15 =	vsel vm11, v15, v59  }
0x1e0: {  	v14 =	vadd.f32 v62, v14;
	v15 =	vsel vm12, v15, v61  }
0x1e1: {  	v15 =	vsel vm13, v15, v63  }
0x1e2: {  	v14 =	vsel vm14, v15, v14  }
0x1e3: {  	(v2sf) =	vpush v13, $0x8;
	_ =	sdelay $0x5  }
0x1e4: {  	(v2sf) =	vpush v12, $0x8;
	_ =	sdelay $0x5  }
0x1e5: {  	(v2sf) =	vpush v13, $0x9;
	_ =	sdelay $0x2  }
0x1e6: {  	s3 =	spop (v2sf)  }
0x1e7: {  	s3 =	sand.u32 $0xFFFFF80, s3  }
0x1e8: {  	s3 =	sadd.s32 s0, s3  }
0x1e9: {  	(v2sf) =	vpush v12, $0x9;
	[tilespmem:s16], [sflag:$0x2] =	stream.linear.gather [hbm4b:s3+s4], $0x400, $0x38;
	[tilespmem:$0x10600] =	vst v63  }
0x1ea: {  	s31 =	simm.s32 $0x6400;
	s3 =	sadd.s32 $0xF4280, s3  }
0x1eb: {  	[tilespmem:s31], [sflag:$0x2] =	stream.linear.gather [hbm4b:s3+s4], $0x400, $0x38;
	[tilespmem:$0x10600] =	vst v63  }
0x1ec: {  	s31 =	spop (v2sf)  }
0x1ed: {  	s3 =	sand.u32 $0xFFFFF80, s31  }
0x1ee: {  	s3 =	sadd.s32 s1, s3  }
0x1ef: {  	(v2sf) =	vpush v13, $0xA;
	[tilespmem:s18], [sflag:$0x2] =	stream.linear.gather [hbm4b:s3+s4], $0x400, $0x38;
	[tilespmem:$0x10600] =	vst v63  }
0x1f0: {  	s31 =	simm.s32 $0xE400;
	s3 =	sadd.s32 $0xF4280, s3  }
0x1f1: {  	[tilespmem:s31], [sflag:$0x2] =	stream.linear.gather [hbm4b:s3+s4], $0x400, $0x38;
	[tilespmem:$0x10600] =	vst v63  }
0x1f2: {  	s31 =	spop (v2sf)  }
0x1f3: {  	s3 =	sand.u32 $0xFFFFF80, s31  }
0x1f4: {  	s31 =	simm.s32 $0x4800;
	s3 =	sadd.s32 s0, s3  }
0x1f5: {  	(v2sf) =	vpush v12, $0xA;
	[tilespmem:s31], [sflag:$0x2] =	stream.linear.gather [hbm4b:s3+s4], $0x400, $0x38;
	[tilespmem:$0x10600] =	vst v63  }
0x1f6: {  	s3 =	sadd.s32 $0xF4280, s3;
	s31 =	simm.s32 $0x6800  }
0x1f7: {  	[tilespmem:s31], [sflag:$0x2] =	stream.linear.gather [hbm4b:s3+s4], $0x400, $0x38;
	[tilespmem:$0x10600] =	vst v63  }
0x1f8: {  	s31 =	spop (v2sf)  }
0x1f9: {  	s3 =	sand.u32 $0xFFFFF80, s31  }
0x1fa: {  	s31 =	simm.s32 $0xC800;
	s3 =	sadd.s32 s1, s3  }
0x1fb: {  	(v2sf) =	vpush v13, $0xB;
	[tilespmem:s31], [sflag:$0x2] =	stream.linear.gather [hbm4b:s3+s4], $0x400, $0x38;
	[tilespmem:$0x10600] =	vst v63  }
0x1fc: {  	s3 =	sadd.s32 $0xF4280, s3;
	s31 =	simm.s32 $0xE800  }
0x1fd: {  	[tilespmem:s31], [sflag:$0x2] =	stream.linear.gather [hbm4b:s3+s4], $0x400, $0x38;
	[tilespmem:$0x10600] =	vst v63  }
0x1fe: {  	s31 =	spop (v2sf)  }
0x1ff: {  	s3 =	sand.u32 $0xFFFFF80, s31  }
0x200: {  	s31 =	simm.s32 $0x4C00;
	s3 =	sadd.s32 s0, s3  }
0x201: {  	(v2sf) =	vpush v12, $0xB;
	[tilespmem:s31], [sflag:$0x2] =	stream.linear.gather [hbm4b:s3+s4], $0x400, $0x38;
	[tilespmem:$0x10600] =	vst v63  }
0x202: {  	s3 =	sadd.s32 $0xF4280, s3;
	s31 =	simm.s32 $0x6C00  }
0x203: {  	[tilespmem:s31], [sflag:$0x2] =	stream.linear.gather [hbm4b:s3+s4], $0x400, $0x38;
	[tilespmem:$0x10600] =	vst v63  }
0x204: {  	s31 =	spop (v2sf)  }
0x205: {  	s3 =	sand.u32 $0xFFFFF80, s31  }
0x206: {  	s31 =	simm.s32 $0xCC00;
	s3 =	sadd.s32 s1, s3  }
0x207: {  	(v2sf) =	vpush v13, $0xC;
	[tilespmem:s31], [sflag:$0x2] =	stream.linear.gather [hbm4b:s3+s4], $0x400, $0x38;
	[tilespmem:$0x10600] =	vst v63  }
0x208: {  	s3 =	sadd.s32 $0xF4280, s3;
	s31 =	simm.s32 $0xEC00  }
0x209: {  	[tilespmem:s31], [sflag:$0x2] =	stream.linear.gather [hbm4b:s3+s4], $0x400, $0x38;
	[tilespmem:$0x10600] =	vst v63  }
0x20a: {  	s31 =	spop (v2sf)  }
0x20b: {  	s3 =	sand.u32 $0xFFFFF80, s31  }
0x20c: {  	s31 =	simm.s32 $0x5000;
	s3 =	sadd.s32 s0, s3  }
0x20d: {  	(v2sf) =	vpush v12, $0xC;
	[tilespmem:s31], [sflag:$0x2] =	stream.linear.gather [hbm4b:s3+s4], $0x400, $0x38;
	[tilespmem:$0x10600] =	vst v63  }
0x20e: {  	s3 =	sadd.s32 $0xF4280, s3;
	s31 =	simm.s32 $0x7000  }
0x20f: {  	[tilespmem:s31], [sflag:$0x2] =	stream.linear.gather [hbm4b:s3+s4], $0x400, $0x38;
	[tilespmem:$0x10600] =	vst v63  }
0x210: {  	s31 =	spop (v2sf)  }
0x211: {  	s3 =	sand.u32 $0xFFFFF80, s31  }
0x212: {  	s31 =	simm.s32 $0xD000;
	s3 =	sadd.s32 s1, s3  }
0x213: {  	(v2sf) =	vpush v13, $0xD;
	[tilespmem:s31], [sflag:$0x2] =	stream.linear.gather [hbm4b:s3+s4], $0x400, $0x38;
	[tilespmem:$0x10600] =	vst v63  }
0x214: {  	s3 =	sadd.s32 $0xF4280, s3;
	s31 =	simm.s32 $0xF000  }
0x215: {  	[tilespmem:s31], [sflag:$0x2] =	stream.linear.gather [hbm4b:s3+s4], $0x400, $0x38;
	[tilespmem:$0x10600] =	vst v63  }
0x216: {  	s31 =	spop (v2sf)  }
0x217: {  	s3 =	sand.u32 $0xFFFFF80, s31  }
0x218: {  	s3 =	sadd.s32 s0, s3  }
0x219: {  	(v2sf) =	vpush v12, $0xD;
	[tilespmem:s2], [sflag:$0x2] =	stream.linear.gather [hbm4b:s3+s4], $0x400, $0x38;
	[tilespmem:$0x10600] =	vst v63  }
0x21a: {  	s3 =	sadd.s32 $0xF4280, s3  }
0x21b: {  	[tilespmem:s5], [sflag:$0x2] =	stream.linear.gather [hbm4b:s3+s4], $0x400, $0x38;
	[tilespmem:$0x10600] =	vst v63  }
0x21c: {  	s31 =	spop (v2sf)  }
0x21d: {  	s3 =	sand.u32 $0xFFFFF80, s31  }
0x21e: {  	s3 =	sadd.s32 s1, s3  }
0x21f: {  	(v2sf) =	vpush v13, $0xE;
	[tilespmem:s6], [sflag:$0x2] =	stream.linear.gather [hbm4b:s3+s4], $0x400, $0x38;
	[tilespmem:$0x10600] =	vst v63  }
0x220: {  	s3 =	sadd.s32 $0xF4280, s3  }
0x221: {  	[tilespmem:s7], [sflag:$0x2] =	stream.linear.gather [hbm4b:s3+s4], $0x400, $0x38;
	[tilespmem:$0x10600] =	vst v63  }
0x222: {  	s31 =	spop (v2sf)  }
0x223: {  	s3 =	sand.u32 $0xFFFFF80, s31  }
0x224: {  	s3 =	sadd.s32 s0, s3  }
0x225: {  	(v2sf) =	vpush v12, $0xE;
	[tilespmem:s8], [sflag:$0x2] =	stream.linear.gather [hbm4b:s3+s4], $0x400, $0x38;
	[tilespmem:$0x10600] =	vst v63  }
0x226: {  	s3 =	sadd.s32 $0xF4280, s3  }
0x227: {  	[tilespmem:s9], [sflag:$0x2] =	stream.linear.gather [hbm4b:s3+s4], $0x400, $0x38;
	[tilespmem:$0x10600] =	vst v63  }
0x228: {  	s31 =	spop (v2sf)  }
0x229: {  	s3 =	sand.u32 $0xFFFFF80, s31  }
0x22a: {  	s3 =	sadd.s32 s1, s3  }
0x22b: {  	(v2sf) =	vpush v13, $0xF;
	[tilespmem:s11], [sflag:$0x2] =	stream.linear.gather [hbm4b:s3+s4], $0x400, $0x38;
	[tilespmem:$0x10600] =	vst v63  }
0x22c: {  	s3 =	sadd.s32 $0xF4280, s3  }
0x22d: {  	[tilespmem:s13], [sflag:$0x2] =	stream.linear.gather [hbm4b:s3+s4], $0x400, $0x38;
	[tilespmem:$0x10600] =	vst v63  }
0x22e: {  	s31 =	spop (v2sf)  }
0x22f: {  	s3 =	sand.u32 $0xFFFFF80, s31  }
0x230: {  	s3 =	sadd.s32 s0, s3  }
0x231: {  	(v2sf) =	vpush v12, $0xF;
	[tilespmem:s14], [sflag:$0x2] =	stream.linear.gather [hbm4b:s3+s4], $0x400, $0x38;
	[tilespmem:$0x10600] =	vst v63  }
0x232: {  	s3 =	sadd.s32 $0xF4280, s3  }
0x233: {  	[tilespmem:s15], [sflag:$0x2] =	stream.linear.gather [hbm4b:s3+s4], $0x400, $0x38;
	[tilespmem:$0x10600] =	vst v63  }
0x234: {  	s31 =	spop (v2sf)  }
0x235: {  	s3 =	sand.u32 $0xFFFFF80, s31  }
0x236: {  	s3 =	sadd.s32 s1, s3  }
0x237: {  	[tilespmem:s17], [sflag:$0x2] =	stream.linear.gather [hbm4b:s3+s4], $0x400, $0x38;
	[tilespmem:$0x10600] =	vst v63  }
0x238: {  	s3 =	sadd.s32 $0xF4280, s3  }
0x239: {  	[tilespmem:s19], [sflag:$0x2] =	stream.linear.gather [hbm4b:s3+s4], $0x400, $0x38;
	[tilespmem:$0x10600] =	vst v63  }
0x23a: {  	s31 =	spop (v2sf)  }
0x23b: {  	s3 =	sand.u32 $0xFFFFF80, s31  }
0x23c: {  	s3 =	sadd.s32 s0, s3  }
0x23d: {  	[tilespmem:s20], [sflag:$0x2] =	stream.linear.gather [hbm4b:s3+s4], $0x400, $0x38;
	[tilespmem:$0x10600] =	vst v63  }
0x23e: {  	s3 =	sadd.s32 $0xF4280, s3  }
0x23f: {  	[tilespmem:s21], [sflag:$0x2] =	stream.linear.gather [hbm4b:s3+s4], $0x400, $0x38;
	[tilespmem:$0x10600] =	vst v63  }
0x240: {  	s31 =	spop (v2sf)  }
0x241: {  	s28 =	sadd.s32 $0x1, s28;
	s3 =	sand.u32 $0xFFFFF80, s31  }
0x242: {  	p0 =	seq.s32 s28, $0x0;
	s3 =	sadd.s32 s1, s3  }
0x243: {  	[tilespmem:s22], [sflag:$0x2] =	stream.linear.gather [hbm4b:s3+s4], $0x400, $0x38;
	[tilespmem:$0x10600] =	vst v63  }
.Ltmp4:
0x244: {  	_ = 	snop;
	(pc) =	sbr.rel @!p0 .LBB2_2-.Ltmp4, $4  }
.Ltmp5:
0x245: {  	_ = 	snop;
	(pc) =	sbr.rel @p0 .LBB2_7-.Ltmp5, $4  }
0x246: {  	s3 =	sadd.s32 $0xF4280, s3  }
0x247: {  	[tilespmem:s23], [sflag:$0x2] =	stream.linear.gather [hbm4b:s3+s4], $0x400, $0x38;
	[tilespmem:$0x10600] =	vst v63  }
0x248: {  	s30 =	sadd.s32 $0x10, s30;
	s26 =	sadd.s32 $0x10, s26;
	[tilespmem:s29+$0x0] =	vst v14;
	s29 =	sadd.s32 $0x10, s29  }
0x249: {  	_ = 	snop  }
.LBB2_8:
0x24a: {  	_ =	sfence.sel $0x180000  }
0x24b: {  	[bflag:$0x0] =	sbarrier.arrive $0xFFFF  }
0x24c: {  	_ =	strace $0x90000047  }
0x24d: {  	s0 =	stileid.u32;
	[bflag:$0x2] =	sbarrier.arrive $0xFFFF  }
0x24e: {  	p0 =	sne.s32 s0, $0x0;
	s0 =	rddreg [dreg:$0x4]  }
0x24f: {  	s0 =	sadd.s32 @!p0 $0x100000, s0  }
0x250: {  	[sflag:s0] =	ssyncadd.tile.s32 @!p0 $0x1;
	_ =	shalt  }
.Lfunc_end2:
_tile_overlayer_lowered:
.L_overlay_start_2:
0x251: {  	(tag) =	ssettag $0x2  }
0x252: {  	s0 =	rddreg [dreg:$0x0];
	s2 =	stileid.u32  }
0x253: {  	s1 =	rddreg [dreg:$0x1];
	p0 =	sne.s32 s2, $0x0  }
0x254: {  	s3 =	rddreg [dreg:$0x2];
	[bflag:$0x3] =	sbarrier.arrive $0xFFFF;
	s2 =	simm.s32 @!p0 $0x1C03  }
0x255: {  	[timem:s3], [sflag:s2] =	dma.local @!p0 [hbm:s0], s1  }
0x256: {  	s0 =	simm.s32 @!p0 $0x3  }
0x257: {  	_ =	swait.ge @!p0 [sflag:s0], s1  }
0x258: {  	s1 =	ssub.s32 @!p0 $0x0, s1;
	[sflag:s0] =	ssyncset.done @!p0 $0x0  }
0x259: {  	[sflag:s0] =	ssyncadd.s32 @!p0 s1  }
0x25a: {  	[bflag:$0x3] =	sbarrier.arrive $0xFFFF  }
0x25b: {  	_ =	shalt  }

</sc_bundles>
